<compile_context>
chip_gen: v7x
topology: tpu7x:2x2x1
jax: 0.10.2.dev20260603
libtpu: 0.0.44.dev20260713+nightly
codegen_flags: <defaults>
</compile_context>

<pallas_src>
import functools

import jax
import jax.numpy as jnp
from jax import lax
from jax.experimental import pallas as pl
from jax.experimental.pallas import tpu as pltpu
from jax.experimental.pallas import tpu_sc as plsc

N = 108000
B = 1024
L = 4096
_LP = L + 8

_info = plsc.get_sparse_core_info()
_NC = _info.num_cores
_NS = _info.num_subcores
_NW = _NC * _NS
_ROWS = B // _NW
_NB = 6


def _make_kernel():
    mesh = plsc.VectorSubcoreMesh(core_axis_name="c", subcore_axis_name="s")

    @functools.partial(
        pl.kernel,
        out_type=jax.ShapeDtypeStruct((B * L,), jnp.float32),
        mesh=mesh,
        scratch_types=[
            pltpu.VMEM_SHARED((N,), jnp.float32),
            pltpu.VMEM((_ROWS + 16,), jnp.int32),
            pltpu.VMEM((_NB * _LP,), jnp.float32),
            pltpu.VMEM((_NB, L), jnp.float32),
            pltpu.SemaphoreType.DMA,
            pltpu.SemaphoreType.DMA,
        ],
    )
    def gather_windows(data_hbm, starts_hbm, out_hbm, data_sp, starts_v, inb,
                       outb, sem_g, sem_w):
        cid = lax.axis_index("c")
        sid = lax.axis_index("s")
        wid = sid * _NC + cid
        base = wid * _ROWS
        pltpu.sync_copy(starts_hbm.at[pl.ds(base, _ROWS)],
                        starts_v.at[pl.ds(0, _ROWS)])

        @pl.when(sid == 0)
        def _stage():
            pltpu.sync_copy(data_hbm, data_sp)

        plsc.subcore_barrier()

        def read_start(j):
            return starts_v[pl.ds(j, 16)][0]

        def fire_gather(j):
            s0 = pl.multiple_of(read_start(j) & ~7, 8)
            pltpu.async_copy(data_sp.at[pl.ds(s0, _LP)],
                             inb.at[pl.ds((j % _NB) * _LP, _LP)], sem_g)

        def wait_gather():
            pltpu.make_async_copy(data_hbm.at[pl.ds(0, _LP)],
                                  inb.at[pl.ds(0, _LP)], sem_g).wait()

        def wait_write():
            pltpu.make_async_copy(data_hbm.at[pl.ds(0, L)], outb.at[0],
                                  sem_w).wait()

        def shift(i, b):
            s = read_start(i)
            off = b * _LP + (s - (s & ~7))

            @plsc.parallel_loop(0, L, step=16, unroll=16)
            def vec_body(o):
                outb[b, pl.ds(o, 16)] = inb[pl.ds(off + o, 16)]

        def fire_write(i, b):
            pltpu.async_copy(outb.at[b], out_hbm.at[pl.ds((base + i) * L, L)],
                             sem_w)

        for j in range(_NB):
            fire_gather(j)

        for i in range(_NB):
            wait_gather()
            shift(i, i % _NB)
            fire_write(i, i % _NB)
            fire_gather(i + _NB)

        def steady_body(i, carry):
            b = i % _NB
            wait_gather()
            wait_write()
            shift(i, b)
            fire_write(i, b)
            fire_gather(i + _NB)
            return carry

        lax.fori_loop(_NB, _ROWS - _NB, steady_body, 0)

        for i in range(_ROWS - _NB, _ROWS):
            wait_gather()
            wait_write()
            shift(i, i % _NB)
            fire_write(i, i % _NB)

        for _ in range(_NB):
            wait_write()

    return gather_windows


_gather = _make_kernel()


@jax.jit
def _run(data, starts):
    out = _gather(data.reshape(N), starts.astype(jnp.int32))
    return out.reshape(B, L, 1)


def kernel(data, starts, length):
    del length
    return _run(data, starts)

# --- scband reference (transcript-rebuilt; emitter-appended) ---
"""Pipeline reference for scband-waveform-dataset-45896020525773 (READ-ONLY COPY).

The authoritative reference and input builder live on the scoring server;
editing this copy changes nothing except your own understanding.
"""

import jax, jax.numpy as jnp
import numpy as np

N = 108000  # length of the ECG-like waveform (scipy electrocardiogram length)
P = 0       # padding from init_kwargs
BATCH_SIZE = 1024
LENGTH = 4096


def setup_inputs(seed: int = 0) -> dict:
    key = jax.random.key(seed)
    k_data, k_starts = jax.random.split(key)
    # Synthetic stand-in for the ECG waveform parameter (1 channel), normalized by std
    data = jax.random.normal(k_data, (N, 1), dtype=jnp.float32)
    data = data / data.std()
    data = jnp.pad(data, ((P, P), (0, 0)))
    # starts drawn exactly as in the module: randint in [0, data.shape[0] - length)
    starts = jax.random.randint(k_starts, (BATCH_SIZE,), 0, data.shape[0] - LENGTH)
    return {"data": data, "starts": starts, "length": LENGTH}


def reference(data, starts, length):
    # Faithful translation of batch_crops(data, starts, batch_size, length, p) with p=0
    offsets = jnp.arange(LENGTH) + (length - LENGTH)
    indices = starts[:, None] + offsets  # [B, L]
    batch = data[indices]                            # gather -> [B, L, C]
    if P > 0:
        mask = jnp.logical_or(indices < P, indices >= data.shape[0] - P)
        return (batch, mask[..., None])
    return batch

if __name__ == "__main__":
    import jax
    _d = setup_inputs()
    print(jax.jit(kernel)(*tuple(_d.values())))

</pallas_src>

<mosaic_0001>
#map = affine_map<(d0, d1) -> (0)>
module attributes {stable_mosaic.version = 14 : i64} {
  func.func @gather_windows(%arg0: i32, %arg1: i32, %arg2: memref<108000xf32, #tpu.memory_space<hbm>>, %arg3: memref<1024xi32, #tpu.memory_space<hbm>>, %arg4: memref<4194304xf32, #tpu.memory_space<hbm>>, %arg5: memref<108000xf32, #tpu.memory_space<vmem_shared>>, %arg6: memref<48xi32, #tpu.memory_space<vmem>>, %arg7: memref<24624xf32, #tpu.memory_space<vmem>>, %arg8: memref<6x4096xf32, #tpu.memory_space<vmem>>, %arg9: memref<!tpu.dma_semaphore, #tpu.memory_space<semaphore_mem>>, %arg10: memref<!tpu.dma_semaphore, #tpu.memory_space<semaphore_mem>>) attributes {dimension_semantics = [#tpu.dimension_semantics<core_parallel>, #tpu.dimension_semantics<subcore_parallel>], iteration_bounds = array<i64: 2, 16>, scalar_prefetch = 0 : i64, scratch_operands = 6 : i64, tpu.core_type = #tpu.core_type<sc_vector_subcore>, window_params = [{transform_indices = #map}, {transform_indices = #map}, {transform_indices = #map}]} {
    %mul3A = arith.constant 2 : i32
    %mul3A_0 = arith.muli %arg1, %mul3A : i32
    %add3A = arith.addi %mul3A_0, %arg0 : i32
    %mul3A_1 = arith.constant 32 : i32
    %mul3A_2 = arith.muli %add3A, %mul3A_1 : i32
    "tpu.region"() ({
      %run_scoped3A = tpu.sem_alloc : memref<!tpu.dma_semaphore, #tpu.memory_space<semaphore_mem>>
      %dma_start3A_709 = arith.constant 0 : i32
      %dma_start3A_710 = tpu.memref_slice %arg6[%dma_start3A_709] : memref<48xi32, #tpu.memory_space<vmem>> -> memref<32xi32, #tpu.memory_space<vmem>>
      %dma_start3A_711 = tpu.memref_slice %arg3[%mul3A_2] : memref<1024xi32, #tpu.memory_space<hbm>> -> memref<32xi32, #tpu.memory_space<hbm>>
      %dma_start3A_712 = arith.constant 0 : i32
      %dma_start3A_713 = tpu.memref_slice %arg6[%dma_start3A_712] : memref<48xi32, #tpu.memory_space<vmem>> -> memref<32xi32, #tpu.memory_space<vmem>>
      %dma_start3A_714 = tpu.memref_slice %arg3[%mul3A_2] : memref<1024xi32, #tpu.memory_space<hbm>> -> memref<32xi32, #tpu.memory_space<hbm>>
      tpu.enqueue_dma source(%dma_start3A_714 : memref<32xi32, #tpu.memory_space<hbm>>) target(%dma_start3A_713 : memref<32xi32, #tpu.memory_space<vmem>>) target_semaphore(%run_scoped3A : memref<!tpu.dma_semaphore, #tpu.memory_space<semaphore_mem>>)
      %dma_wait3A_715 = arith.constant 0 : i32
      %dma_wait3A_716 = tpu.memref_slice %arg6[%dma_wait3A_715] : memref<48xi32, #tpu.memory_space<vmem>> -> memref<32xi32, #tpu.memory_space<vmem>>
      %dma_wait3A_717 = tpu.memref_slice %arg3[%mul3A_2] : memref<1024xi32, #tpu.memory_space<hbm>> -> memref<32xi32, #tpu.memory_space<hbm>>
      %dma_wait3A_718 = arith.constant 0 : i32
      %dma_wait3A_719 = tpu.memref_slice %arg6[%dma_wait3A_718] : memref<48xi32, #tpu.memory_space<vmem>> -> memref<32xi32, #tpu.memory_space<vmem>>
      %dma_wait3A_720 = tpu.memref_slice %arg3[%mul3A_2] : memref<1024xi32, #tpu.memory_space<hbm>> -> memref<32xi32, #tpu.memory_space<hbm>>
      tpu.wait_dma2 semaphore(%run_scoped3A : memref<!tpu.dma_semaphore, #tpu.memory_space<semaphore_mem>>) src(%dma_wait3A_720 : memref<32xi32, #tpu.memory_space<hbm>>) dst(%dma_wait3A_719 : memref<32xi32, #tpu.memory_space<vmem>>)
      tpu.yield
    }) : () -> ()
    %eq3A = arith.constant 0 : i32
    %eq3A_3 = arith.cmpi eq, %arg1, %eq3A : i32
    %convert_element_type3A = arith.extui %eq3A_3 : i1 to i32
    %cond3A = arith.constant 0 : i32
    %cond3A_4 = arith.cmpi ne, %convert_element_type3A, %cond3A : i32
    scf.if %cond3A_4 {
      "tpu.region"() ({
        %run_scoped3A = tpu.sem_alloc : memref<!tpu.dma_semaphore, #tpu.memory_space<semaphore_mem>>
        tpu.enqueue_dma source(%arg2 : memref<108000xf32, #tpu.memory_space<hbm>>) target(%arg5 : memref<108000xf32, #tpu.memory_space<vmem_shared>>) target_semaphore(%run_scoped3A : memref<!tpu.dma_semaphore, #tpu.memory_space<semaphore_mem>>)
        tpu.wait_dma2 semaphore(%run_scoped3A : memref<!tpu.dma_semaphore, #tpu.memory_space<semaphore_mem>>) src(%arg2 : memref<108000xf32, #tpu.memory_space<hbm>>) dst(%arg5 : memref<108000xf32, #tpu.memory_space<vmem_shared>>)
        tpu.yield
      }) : () -> ()
    } else {
    }
    %barrier3A = arith.constant 0 : index
    tpu.barrier barrier_id(%barrier3A)
    %get3A = arith.constant 0 : index
    %get3A_5 = tpu.vector_load %arg6[%get3A] {strides = array<i32>} : memref<48xi32, #tpu.memory_space<vmem>>, vector<16xi32>,
    %get3A_6 = vector.shape_cast %get3A_5 : vector<16xi32> to vector<16xi32>
    %slice3A = vector.extract_strided_slice %get3A_6 {offsets = [0], sizes = [1], strides = [1]} : vector<16xi32> to vector<1xi32>
    %squeeze3A = vector.extract %slice3A[0] : i32 from vector<1xi32>
    %and3A = arith.constant -8 : i32
    %and3A_7 = arith.andi %squeeze3A, %and3A : i32
    %multiple_of3A = tpu.assume_multiple %and3A_7, 8 : i32
    %dma_start3A = arith.constant 0 : i32
    %dma_start3A_8 = tpu.memref_slice %arg7[%dma_start3A] : memref<24624xf32, #tpu.memory_space<vmem>> -> memref<4104xf32, #tpu.memory_space<vmem>>
    %dma_start3A_9 = tpu.memref_slice %arg5[%multiple_of3A] : memref<108000xf32, #tpu.memory_space<vmem_shared>> -> memref<4104xf32, #tpu.memory_space<vmem_shared>>
    %dma_start3A_10 = arith.constant 0 : i32
    %dma_start3A_11 = tpu.memref_slice %arg7[%dma_start3A_10] : memref<24624xf32, #tpu.memory_space<vmem>> -> memref<4104xf32, #tpu.memory_space<vmem>>
    %dma_start3A_12 = tpu.memref_slice %arg5[%multiple_of3A] : memref<108000xf32, #tpu.memory_space<vmem_shared>> -> memref<4104xf32, #tpu.memory_space<vmem_shared>>
    tpu.enqueue_dma source(%dma_start3A_12 : memref<4104xf32, #tpu.memory_space<vmem_shared>>) target(%dma_start3A_11 : memref<4104xf32, #tpu.memory_space<vmem>>) target_semaphore(%arg9 : memref<!tpu.dma_semaphore, #tpu.memory_space<semaphore_mem>>)
    %get3A_13 = arith.constant 1 : index
    %get3A_14 = tpu.vector_load %arg6[%get3A_13] {strides = array<i32>} : memref<48xi32, #tpu.memory_space<vmem>>, vector<16xi32>,
    %get3A_15 = vector.shape_cast %get3A_14 : vector<16xi32> to vector<16xi32>
    %slice3A_16 = vector.extract_strided_slice %get3A_15 {offsets = [0], sizes = [1], strides = [1]} : vector<16xi32> to vector<1xi32>
    %squeeze3A_17 = vector.extract %slice3A_16[0] : i32 from vector<1xi32>
    %and3A_18 = arith.constant -8 : i32
    %and3A_19 = arith.andi %squeeze3A_17, %and3A_18 : i32
    %multiple_of3A_20 = tpu.assume_multiple %and3A_19, 8 : i32
    %dma_start3A_21 = arith.constant 4104 : i32
    %dma_start3A_22 = tpu.memref_slice %arg7[%dma_start3A_21] : memref<24624xf32, #tpu.memory_space<vmem>> -> memref<4104xf32, #tpu.memory_space<vmem>>
    %dma_start3A_23 = tpu.memref_slice %arg5[%multiple_of3A_20] : memref<108000xf32, #tpu.memory_space<vmem_shared>> -> memref<4104xf32, #tpu.memory_space<vmem_shared>>
    %dma_start3A_24 = arith.constant 4104 : i32
    %dma_start3A_25 = tpu.memref_slice %arg7[%dma_start3A_24] : memref<24624xf32, #tpu.memory_space<vmem>> -> memref<4104xf32, #tpu.memory_space<vmem>>
    %dma_start3A_26 = tpu.memref_slice %arg5[%multiple_of3A_20] : memref<108000xf32, #tpu.memory_space<vmem_shared>> -> memref<4104xf32, #tpu.memory_space<vmem_shared>>
    tpu.enqueue_dma source(%dma_start3A_26 : memref<4104xf32, #tpu.memory_space<vmem_shared>>) target(%dma_start3A_25 : memref<4104xf32, #tpu.memory_space<vmem>>) target_semaphore(%arg9 : memref<!tpu.dma_semaphore, #tpu.memory_space<semaphore_mem>>)
    %get3A_27 = arith.constant 2 : index
    %get3A_28 = tpu.vector_load %arg6[%get3A_27] {strides = array<i32>} : memref<48xi32, #tpu.memory_space<vmem>>, vector<16xi32>,
    %get3A_29 = vector.shape_cast %get3A_28 : vector<16xi32> to vector<16xi32>
    %slice3A_30 = vector.extract_strided_slice %get3A_29 {offsets = [0], sizes = [1], strides = [1]} : vector<16xi32> to vector<1xi32>
    %squeeze3A_31 = vector.extract %slice3A_30[0] : i32 from vector<1xi32>
    %and3A_32 = arith.constant -8 : i32
    %and3A_33 = arith.andi %squeeze3A_31, %and3A_32 : i32
    %multiple_of3A_34 = tpu.assume_multiple %and3A_33, 8 : i32
    %dma_start3A_35 = arith.constant 8208 : i32
    %dma_start3A_36 = tpu.memref_slice %arg7[%dma_start3A_35] : memref<24624xf32, #tpu.memory_space<vmem>> -> memref<4104xf32, #tpu.memory_space<vmem>>
    %dma_start3A_37 = tpu.memref_slice %arg5[%multiple_of3A_34] : memref<108000xf32, #tpu.memory_space<vmem_shared>> -> memref<4104xf32, #tpu.memory_space<vmem_shared>>
    %dma_start3A_38 = arith.constant 8208 : i32
    %dma_start3A_39 = tpu.memref_slice %arg7[%dma_start3A_38] : memref<24624xf32, #tpu.memory_space<vmem>> -> memref<4104xf32, #tpu.memory_space<vmem>>
    %dma_start3A_40 = tpu.memref_slice %arg5[%multiple_of3A_34] : memref<108000xf32, #tpu.memory_space<vmem_shared>> -> memref<4104xf32, #tpu.memory_space<vmem_shared>>
    tpu.enqueue_dma source(%dma_start3A_40 : memref<4104xf32, #tpu.memory_space<vmem_shared>>) target(%dma_start3A_39 : memref<4104xf32, #tpu.memory_space<vmem>>) target_semaphore(%arg9 : memref<!tpu.dma_semaphore, #tpu.memory_space<semaphore_mem>>)
    %get3A_41 = arith.constant 3 : index
    %get3A_42 = tpu.vector_load %arg6[%get3A_41] {strides = array<i32>} : memref<48xi32, #tpu.memory_space<vmem>>, vector<16xi32>,
    %get3A_43 = vector.shape_cast %get3A_42 : vector<16xi32> to vector<16xi32>
    %slice3A_44 = vector.extract_strided_slice %get3A_43 {offsets = [0], sizes = [1], strides = [1]} : vector<16xi32> to vector<1xi32>
    %squeeze3A_45 = vector.extract %slice3A_44[0] : i32 from vector<1xi32>
    %and3A_46 = arith.constant -8 : i32
    %and3A_47 = arith.andi %squeeze3A_45, %and3A_46 : i32
    %multiple_of3A_48 = tpu.assume_multiple %and3A_47, 8 : i32
    %dma_start3A_49 = arith.constant 12312 : i32
    %dma_start3A_50 = tpu.memref_slice %arg7[%dma_start3A_49] : memref<24624xf32, #tpu.memory_space<vmem>> -> memref<4104xf32, #tpu.memory_space<vmem>>
    %dma_start3A_51 = tpu.memref_slice %arg5[%multiple_of3A_48] : memref<108000xf32, #tpu.memory_space<vmem_shared>> -> memref<4104xf32, #tpu.memory_space<vmem_shared>>
    %dma_start3A_52 = arith.constant 12312 : i32
    %dma_start3A_53 = tpu.memref_slice %arg7[%dma_start3A_52] : memref<24624xf32, #tpu.memory_space<vmem>> -> memref<4104xf32, #tpu.memory_space<vmem>>
    %dma_start3A_54 = tpu.memref_slice %arg5[%multiple_of3A_48] : memref<108000xf32, #tpu.memory_space<vmem_shared>> -> memref<4104xf32, #tpu.memory_space<vmem_shared>>
    tpu.enqueue_dma source(%dma_start3A_54 : memref<4104xf32, #tpu.memory_space<vmem_shared>>) target(%dma_start3A_53 : memref<4104xf32, #tpu.memory_space<vmem>>) target_semaphore(%arg9 : memref<!tpu.dma_semaphore, #tpu.memory_space<semaphore_mem>>)
    %get3A_55 = arith.constant 4 : index
    %get3A_56 = tpu.vector_load %arg6[%get3A_55] {strides = array<i32>} : memref<48xi32, #tpu.memory_space<vmem>>, vector<16xi32>,
    %get3A_57 = vector.shape_cast %get3A_56 : vector<16xi32> to vector<16xi32>
    %slice3A_58 = vector.extract_strided_slice %get3A_57 {offsets = [0], sizes = [1], strides = [1]} : vector<16xi32> to vector<1xi32>
    %squeeze3A_59 = vector.extract %slice3A_58[0] : i32 from vector<1xi32>
    %and3A_60 = arith.constant -8 : i32
    %and3A_61 = arith.andi %squeeze3A_59, %and3A_60 : i32
    %multiple_of3A_62 = tpu.assume_multiple %and3A_61, 8 : i32
    %dma_start3A_63 = arith.constant 16416 : i32
    %dma_start3A_64 = tpu.memref_slice %arg7[%dma_start3A_63] : memref<24624xf32, #tpu.memory_space<vmem>> -> memref<4104xf32, #tpu.memory_space<vmem>>
    %dma_start3A_65 = tpu.memref_slice %arg5[%multiple_of3A_62] : memref<108000xf32, #tpu.memory_space<vmem_shared>> -> memref<4104xf32, #tpu.memory_space<vmem_shared>>
    %dma_start3A_66 = arith.constant 16416 : i32
    %dma_start3A_67 = tpu.memref_slice %arg7[%dma_start3A_66] : memref<24624xf32, #tpu.memory_space<vmem>> -> memref<4104xf32, #tpu.memory_space<vmem>>
    %dma_start3A_68 = tpu.memref_slice %arg5[%multiple_of3A_62] : memref<108000xf32, #tpu.memory_space<vmem_shared>> -> memref<4104xf32, #tpu.memory_space<vmem_shared>>
    tpu.enqueue_dma source(%dma_start3A_68 : memref<4104xf32, #tpu.memory_space<vmem_shared>>) target(%dma_start3A_67 : memref<4104xf32, #tpu.memory_space<vmem>>) target_semaphore(%arg9 : memref<!tpu.dma_semaphore, #tpu.memory_space<semaphore_mem>>)
    %get3A_69 = arith.constant 5 : index
    %get3A_70 = tpu.vector_load %arg6[%get3A_69] {strides = array<i32>} : memref<48xi32, #tpu.memory_space<vmem>>, vector<16xi32>,
    %get3A_71 = vector.shape_cast %get3A_70 : vector<16xi32> to vector<16xi32>
    %slice3A_72 = vector.extract_strided_slice %get3A_71 {offsets = [0], sizes = [1], strides = [1]} : vector<16xi32> to vector<1xi32>
    %squeeze3A_73 = vector.extract %slice3A_72[0] : i32 from vector<1xi32>
    %and3A_74 = arith.constant -8 : i32
    %and3A_75 = arith.andi %squeeze3A_73, %and3A_74 : i32
    %multiple_of3A_76 = tpu.assume_multiple %and3A_75, 8 : i32
    %dma_start3A_77 = arith.constant 20520 : i32
    %dma_start3A_78 = tpu.memref_slice %arg7[%dma_start3A_77] : memref<24624xf32, #tpu.memory_space<vmem>> -> memref<4104xf32, #tpu.memory_space<vmem>>
    %dma_start3A_79 = tpu.memref_slice %arg5[%multiple_of3A_76] : memref<108000xf32, #tpu.memory_space<vmem_shared>> -> memref<4104xf32, #tpu.memory_space<vmem_shared>>
    %dma_start3A_80 = arith.constant 20520 : i32
    %dma_start3A_81 = tpu.memref_slice %arg7[%dma_start3A_80] : memref<24624xf32, #tpu.memory_space<vmem>> -> memref<4104xf32, #tpu.memory_space<vmem>>
    %dma_start3A_82 = tpu.memref_slice %arg5[%multiple_of3A_76] : memref<108000xf32, #tpu.memory_space<vmem_shared>> -> memref<4104xf32, #tpu.memory_space<vmem_shared>>
    tpu.enqueue_dma source(%dma_start3A_82 : memref<4104xf32, #tpu.memory_space<vmem_shared>>) target(%dma_start3A_81 : memref<4104xf32, #tpu.memory_space<vmem>>) target_semaphore(%arg9 : memref<!tpu.dma_semaphore, #tpu.memory_space<semaphore_mem>>)
    %dma_wait3A = arith.constant 0 : i32
    %dma_wait3A_83 = tpu.memref_slice %arg7[%dma_wait3A] : memref<24624xf32, #tpu.memory_space<vmem>> -> memref<4104xf32, #tpu.memory_space<vmem>>
    %dma_wait3A_84 = arith.constant 0 : i32
    %dma_wait3A_85 = tpu.memref_slice %arg2[%dma_wait3A_84] : memref<108000xf32, #tpu.memory_space<hbm>> -> memref<4104xf32, #tpu.memory_space<hbm>>
    %dma_wait3A_86 = arith.constant 0 : i32
    %dma_wait3A_87 = tpu.memref_slice %arg7[%dma_wait3A_86] : memref<24624xf32, #tpu.memory_space<vmem>> -> memref<4104xf32, #tpu.memory_space<vmem>>
    %dma_wait3A_88 = arith.constant 0 : i32
    %dma_wait3A_89 = tpu.memref_slice %arg2[%dma_wait3A_88] : memref<108000xf32, #tpu.memory_space<hbm>> -> memref<4104xf32, #tpu.memory_space<hbm>>
    tpu.wait_dma2 semaphore(%arg9 : memref<!tpu.dma_semaphore, #tpu.memory_space<semaphore_mem>>) src(%dma_wait3A_89 : memref<4104xf32, #tpu.memory_space<hbm>>) dst(%dma_wait3A_87 : memref<4104xf32, #tpu.memory_space<vmem>>)
    %get3A_90 = arith.constant 0 : index
    %get3A_91 = tpu.vector_load %arg6[%get3A_90] {strides = array<i32>} : memref<48xi32, #tpu.memory_space<vmem>>, vector<16xi32>,
    %get3A_92 = vector.shape_cast %get3A_91 : vector<16xi32> to vector<16xi32>
    %slice3A_93 = vector.extract_strided_slice %get3A_92 {offsets = [0], sizes = [1], strides = [1]} : vector<16xi32> to vector<1xi32>
    %squeeze3A_94 = vector.extract %slice3A_93[0] : i32 from vector<1xi32>
    %and3A_95 = arith.constant -8 : i32
    %and3A_96 = arith.andi %squeeze3A_94, %and3A_95 : i32
    %sub3A = arith.subi %squeeze3A_94, %and3A_96 : i32
    %add3A_97 = arith.constant 0 : i32
    %add3A_98 = arith.addi %add3A_97, %sub3A : i32
    %parallel_loop3A = arith.constant 0 : i32
    %parallel_loop3A_99 = arith.constant 4096 : i32
    %parallel_loop3A_100 = arith.constant 16 : i32
    scf.for %parallel_loop3A_709 = %parallel_loop3A to %parallel_loop3A_99 step %parallel_loop3A_100  : i32 {
      %parallel_loop3A_710 = arith.addi %add3A_98, %parallel_loop3A_709 : i32
      %parallel_loop3A_711 = arith.index_cast %parallel_loop3A_710 : i32 to index
      %parallel_loop3A_712 = tpu.vector_load %arg7[%parallel_loop3A_711] {strides = array<i32>} : memref<24624xf32, #tpu.memory_space<vmem>>, vector<16xf32>,
      %parallel_loop3A_713 = vector.shape_cast %parallel_loop3A_712 : vector<16xf32> to vector<16xf32>
      %parallel_loop3A_714 = arith.constant 0 : i32
      %parallel_loop3A_715 = arith.index_cast %parallel_loop3A_714 : i32 to index
      %parallel_loop3A_716 = arith.index_cast %parallel_loop3A_709 : i32 to index
      %parallel_loop3A_717 = tpu.vector_load %arg8[%parallel_loop3A_715, %parallel_loop3A_716] {strides = array<i32>} : memref<6x4096xf32, #tpu.memory_space<vmem>>, vector<1x16xf32>,
      %parallel_loop3A_718 = vector.shape_cast %parallel_loop3A_717 : vector<1x16xf32> to vector<16xf32>
      %parallel_loop3A_719 = vector.shape_cast %parallel_loop3A_713 : vector<16xf32> to vector<1x16xf32>
      tpu.vector_store %arg8[%parallel_loop3A_715, %parallel_loop3A_716], %parallel_loop3A_719 {strides = array<i32>} : memref<6x4096xf32, #tpu.memory_space<vmem>>, vector<1x16xf32>,
    } {sc.loop_unroll_factor = 16 : i64, sc.parallel_access}
    %add3A_101 = arith.constant 0 : i32
    %add3A_102 = arith.addi %mul3A_2, %add3A_101 : i32
    %mul3A_103 = arith.constant 4096 : i32
    %mul3A_104 = arith.muli %add3A_102, %mul3A_103 : i32
    %dma_start3A_105 = arith.constant 0 : i32
    %dma_start3A_106 = arith.constant 0 : i32
    %dma_start3A_107 = tpu.memref_slice %arg8[%dma_start3A_105, %dma_start3A_106] : memref<6x4096xf32, #tpu.memory_space<vmem>> -> memref<1x4096xf32, #tpu.memory_space<vmem>>
    %dma_start3A_108 = tpu.memref_squeeze %dma_start3A_107 : memref<1x4096xf32, #tpu.memory_space<vmem>> -> memref<4096xf32, #tpu.memory_space<vmem>>
    %dma_start3A_109 = tpu.memref_slice %arg4[%mul3A_104] : memref<4194304xf32, #tpu.memory_space<hbm>> -> memref<4096xf32, #tpu.memory_space<hbm>>
    %dma_start3A_110 = tpu.memref_slice %arg4[%mul3A_104] : memref<4194304xf32, #tpu.memory_space<hbm>> -> memref<4096xf32, #tpu.memory_space<hbm>>
    %dma_start3A_111 = arith.constant 0 : i32
    %dma_start3A_112 = tpu.memref_slice %arg8[%dma_start3A_105, %dma_start3A_111] : memref<6x4096xf32, #tpu.memory_space<vmem>> -> memref<1x4096xf32, #tpu.memory_space<vmem>>
    %dma_start3A_113 = tpu.memref_squeeze %dma_start3A_112 : memref<1x4096xf32, #tpu.memory_space<vmem>> -> memref<4096xf32, #tpu.memory_space<vmem>>
    tpu.enqueue_dma source(%dma_start3A_113 : memref<4096xf32, #tpu.memory_space<vmem>>) target(%dma_start3A_110 : memref<4096xf32, #tpu.memory_space<hbm>>) target_semaphore(%arg10 : memref<!tpu.dma_semaphore, #tpu.memory_space<semaphore_mem>>)
    %get3A_114 = arith.constant 6 : index
    %get3A_115 = tpu.vector_load %arg6[%get3A_114] {strides = array<i32>} : memref<48xi32, #tpu.memory_space<vmem>>, vector<16xi32>,
    %get3A_116 = vector.shape_cast %get3A_115 : vector<16xi32> to vector<16xi32>
    %slice3A_117 = vector.extract_strided_slice %get3A_116 {offsets = [0], sizes = [1], strides = [1]} : vector<16xi32> to vector<1xi32>
    %squeeze3A_118 = vector.extract %slice3A_117[0] : i32 from vector<1xi32>
    %and3A_119 = arith.constant -8 : i32
    %and3A_120 = arith.andi %squeeze3A_118, %and3A_119 : i32
    %multiple_of3A_121 = tpu.assume_multiple %and3A_120, 8 : i32
    %dma_start3A_122 = arith.constant 0 : i32
    %dma_start3A_123 = tpu.memref_slice %arg7[%dma_start3A_122] : memref<24624xf32, #tpu.memory_space<vmem>> -> memref<4104xf32, #tpu.memory_space<vmem>>
    %dma_start3A_124 = tpu.memref_slice %arg5[%multiple_of3A_121] : memref<108000xf32, #tpu.memory_space<vmem_shared>> -> memref<4104xf32, #tpu.memory_space<vmem_shared>>
    %dma_start3A_125 = arith.constant 0 : i32
    %dma_start3A_126 = tpu.memref_slice %arg7[%dma_start3A_125] : memref<24624xf32, #tpu.memory_space<vmem>> -> memref<4104xf32, #tpu.memory_space<vmem>>
    %dma_start3A_127 = tpu.memref_slice %arg5[%multiple_of3A_121] : memref<108000xf32, #tpu.memory_space<vmem_shared>> -> memref<4104xf32, #tpu.memory_space<vmem_shared>>
    tpu.enqueue_dma source(%dma_start3A_127 : memref<4104xf32, #tpu.memory_space<vmem_shared>>) target(%dma_start3A_126 : memref<4104xf32, #tpu.memory_space<vmem>>) target_semaphore(%arg9 : memref<!tpu.dma_semaphore, #tpu.memory_space<semaphore_mem>>)
    %dma_wait3A_128 = arith.constant 0 : i32
    %dma_wait3A_129 = tpu.memref_slice %arg7[%dma_wait3A_128] : memref<24624xf32, #tpu.memory_space<vmem>> -> memref<4104xf32, #tpu.memory_space<vmem>>
    %dma_wait3A_130 = arith.constant 0 : i32
    %dma_wait3A_131 = tpu.memref_slice %arg2[%dma_wait3A_130] : memref<108000xf32, #tpu.memory_space<hbm>> -> memref<4104xf32, #tpu.memory_space<hbm>>
    %dma_wait3A_132 = arith.constant 0 : i32
    %dma_wait3A_133 = tpu.memref_slice %arg7[%dma_wait3A_132] : memref<24624xf32, #tpu.memory_space<vmem>> -> memref<4104xf32, #tpu.memory_space<vmem>>
    %dma_wait3A_134 = arith.constant 0 : i32
    %dma_wait3A_135 = tpu.memref_slice %arg2[%dma_wait3A_134] : memref<108000xf32, #tpu.memory_space<hbm>> -> memref<4104xf32, #tpu.memory_space<hbm>>
    tpu.wait_dma2 semaphore(%arg9 : memref<!tpu.dma_semaphore, #tpu.memory_space<semaphore_mem>>) src(%dma_wait3A_135 : memref<4104xf32, #tpu.memory_space<hbm>>) dst(%dma_wait3A_133 : memref<4104xf32, #tpu.memory_space<vmem>>)
    %get3A_136 = arith.constant 1 : index
    %get3A_137 = tpu.vector_load %arg6[%get3A_136] {strides = array<i32>} : memref<48xi32, #tpu.memory_space<vmem>>, vector<16xi32>,
    %get3A_138 = vector.shape_cast %get3A_137 : vector<16xi32> to vector<16xi32>
    %slice3A_139 = vector.extract_strided_slice %get3A_138 {offsets = [0], sizes = [1], strides = [1]} : vector<16xi32> to vector<1xi32>
    %squeeze3A_140 = vector.extract %slice3A_139[0] : i32 from vector<1xi32>
    %and3A_141 = arith.constant -8 : i32
    %and3A_142 = arith.andi %squeeze3A_140, %and3A_141 : i32
    %sub3A_143 = arith.subi %squeeze3A_140, %and3A_142 : i32
    %add3A_144 = arith.constant 4104 : i32
    %add3A_145 = arith.addi %add3A_144, %sub3A_143 : i32
    %parallel_loop3A_146 = arith.constant 0 : i32
    %parallel_loop3A_147 = arith.constant 4096 : i32
    %parallel_loop3A_148 = arith.constant 16 : i32
    scf.for %parallel_loop3A_709 = %parallel_loop3A_146 to %parallel_loop3A_147 step %parallel_loop3A_148  : i32 {
      %parallel_loop3A_710 = arith.addi %add3A_145, %parallel_loop3A_709 : i32
      %parallel_loop3A_711 = arith.index_cast %parallel_loop3A_710 : i32 to index
      %parallel_loop3A_712 = tpu.vector_load %arg7[%parallel_loop3A_711] {strides = array<i32>} : memref<24624xf32, #tpu.memory_space<vmem>>, vector<16xf32>,
      %parallel_loop3A_713 = vector.shape_cast %parallel_loop3A_712 : vector<16xf32> to vector<16xf32>
      %parallel_loop3A_714 = arith.constant 1 : i32
      %parallel_loop3A_715 = arith.index_cast %parallel_loop3A_714 : i32 to index
      %parallel_loop3A_716 = arith.index_cast %parallel_loop3A_709 : i32 to index
      %parallel_loop3A_717 = tpu.vector_load %arg8[%parallel_loop3A_715, %parallel_loop3A_716] {strides = array<i32>} : memref<6x4096xf32, #tpu.memory_space<vmem>>, vector<1x16xf32>,
      %parallel_loop3A_718 = vector.shape_cast %parallel_loop3A_717 : vector<1x16xf32> to vector<16xf32>
      %parallel_loop3A_719 = vector.shape_cast %parallel_loop3A_713 : vector<16xf32> to vector<1x16xf32>
      tpu.vector_store %arg8[%parallel_loop3A_715, %parallel_loop3A_716], %parallel_loop3A_719 {strides = array<i32>} : memref<6x4096xf32, #tpu.memory_space<vmem>>, vector<1x16xf32>,
    } {sc.loop_unroll_factor = 16 : i64, sc.parallel_access}
    %add3A_149 = arith.constant 1 : i32
    %add3A_150 = arith.addi %mul3A_2, %add3A_149 : i32
    %mul3A_151 = arith.constant 4096 : i32
    %mul3A_152 = arith.muli %add3A_150, %mul3A_151 : i32
    %dma_start3A_153 = arith.constant 1 : i32
    %dma_start3A_154 = arith.constant 0 : i32
    %dma_start3A_155 = tpu.memref_slice %arg8[%dma_start3A_153, %dma_start3A_154] : memref<6x4096xf32, #tpu.memory_space<vmem>> -> memref<1x4096xf32, #tpu.memory_space<vmem>>
    %dma_start3A_156 = tpu.memref_squeeze %dma_start3A_155 : memref<1x4096xf32, #tpu.memory_space<vmem>> -> memref<4096xf32, #tpu.memory_space<vmem>>
    %dma_start3A_157 = tpu.memref_slice %arg4[%mul3A_152] : memref<4194304xf32, #tpu.memory_space<hbm>> -> memref<4096xf32, #tpu.memory_space<hbm>>
    %dma_start3A_158 = tpu.memref_slice %arg4[%mul3A_152] : memref<4194304xf32, #tpu.memory_space<hbm>> -> memref<4096xf32, #tpu.memory_space<hbm>>
    %dma_start3A_159 = arith.constant 0 : i32
    %dma_start3A_160 = tpu.memref_slice %arg8[%dma_start3A_153, %dma_start3A_159] : memref<6x4096xf32, #tpu.memory_space<vmem>> -> memref<1x4096xf32, #tpu.memory_space<vmem>>
    %dma_start3A_161 = tpu.memref_squeeze %dma_start3A_160 : memref<1x4096xf32, #tpu.memory_space<vmem>> -> memref<4096xf32, #tpu.memory_space<vmem>>
    tpu.enqueue_dma source(%dma_start3A_161 : memref<4096xf32, #tpu.memory_space<vmem>>) target(%dma_start3A_158 : memref<4096xf32, #tpu.memory_space<hbm>>) target_semaphore(%arg10 : memref<!tpu.dma_semaphore, #tpu.memory_space<semaphore_mem>>)
    %get3A_162 = arith.constant 7 : index
    %get3A_163 = tpu.vector_load %arg6[%get3A_162] {strides = array<i32>} : memref<48xi32, #tpu.memory_space<vmem>>, vector<16xi32>,
    %get3A_164 = vector.shape_cast %get3A_163 : vector<16xi32> to vector<16xi32>
    %slice3A_165 = vector.extract_strided_slice %get3A_164 {offsets = [0], sizes = [1], strides = [1]} : vector<16xi32> to vector<1xi32>
    %squeeze3A_166 = vector.extract %slice3A_165[0] : i32 from vector<1xi32>
    %and3A_167 = arith.constant -8 : i32
    %and3A_168 = arith.andi %squeeze3A_166, %and3A_167 : i32
    %multiple_of3A_169 = tpu.assume_multiple %and3A_168, 8 : i32
    %dma_start3A_170 = arith.constant 4104 : i32
    %dma_start3A_171 = tpu.memref_slice %arg7[%dma_start3A_170] : memref<24624xf32, #tpu.memory_space<vmem>> -> memref<4104xf32, #tpu.memory_space<vmem>>
    %dma_start3A_172 = tpu.memref_slice %arg5[%multiple_of3A_169] : memref<108000xf32, #tpu.memory_space<vmem_shared>> -> memref<4104xf32, #tpu.memory_space<vmem_shared>>
    %dma_start3A_173 = arith.constant 4104 : i32
    %dma_start3A_174 = tpu.memref_slice %arg7[%dma_start3A_173] : memref<24624xf32, #tpu.memory_space<vmem>> -> memref<4104xf32, #tpu.memory_space<vmem>>
    %dma_start3A_175 = tpu.memref_slice %arg5[%multiple_of3A_169] : memref<108000xf32, #tpu.memory_space<vmem_shared>> -> memref<4104xf32, #tpu.memory_space<vmem_shared>>
    tpu.enqueue_dma source(%dma_start3A_175 : memref<4104xf32, #tpu.memory_space<vmem_shared>>) target(%dma_start3A_174 : memref<4104xf32, #tpu.memory_space<vmem>>) target_semaphore(%arg9 : memref<!tpu.dma_semaphore, #tpu.memory_space<semaphore_mem>>)
    %dma_wait3A_176 = arith.constant 0 : i32
    %dma_wait3A_177 = tpu.memref_slice %arg7[%dma_wait3A_176] : memref<24624xf32, #tpu.memory_space<vmem>> -> memref<4104xf32, #tpu.memory_space<vmem>>
    %dma_wait3A_178 = arith.constant 0 : i32
    %dma_wait3A_179 = tpu.memref_slice %arg2[%dma_wait3A_178] : memref<108000xf32, #tpu.memory_space<hbm>> -> memref<4104xf32, #tpu.memory_space<hbm>>
    %dma_wait3A_180 = arith.constant 0 : i32
    %dma_wait3A_181 = tpu.memref_slice %arg7[%dma_wait3A_180] : memref<24624xf32, #tpu.memory_space<vmem>> -> memref<4104xf32, #tpu.memory_space<vmem>>
    %dma_wait3A_182 = arith.constant 0 : i32
    %dma_wait3A_183 = tpu.memref_slice %arg2[%dma_wait3A_182] : memref<108000xf32, #tpu.memory_space<hbm>> -> memref<4104xf32, #tpu.memory_space<hbm>>
    tpu.wait_dma2 semaphore(%arg9 : memref<!tpu.dma_semaphore, #tpu.memory_space<semaphore_mem>>) src(%dma_wait3A_183 : memref<4104xf32, #tpu.memory_space<hbm>>) dst(%dma_wait3A_181 : memref<4104xf32, #tpu.memory_space<vmem>>)
    %get3A_184 = arith.constant 2 : index
    %get3A_185 = tpu.vector_load %arg6[%get3A_184] {strides = array<i32>} : memref<48xi32, #tpu.memory_space<vmem>>, vector<16xi32>,
    %get3A_186 = vector.shape_cast %get3A_185 : vector<16xi32> to vector<16xi32>
    %slice3A_187 = vector.extract_strided_slice %get3A_186 {offsets = [0], sizes = [1], strides = [1]} : vector<16xi32> to vector<1xi32>
    %squeeze3A_188 = vector.extract %slice3A_187[0] : i32 from vector<1xi32>
    %and3A_189 = arith.constant -8 : i32
    %and3A_190 = arith.andi %squeeze3A_188, %and3A_189 : i32
    %sub3A_191 = arith.subi %squeeze3A_188, %and3A_190 : i32
    %add3A_192 = arith.constant 8208 : i32
    %add3A_193 = arith.addi %add3A_192, %sub3A_191 : i32
    %parallel_loop3A_194 = arith.constant 0 : i32
    %parallel_loop3A_195 = arith.constant 4096 : i32
    %parallel_loop3A_196 = arith.constant 16 : i32
    scf.for %parallel_loop3A_709 = %parallel_loop3A_194 to %parallel_loop3A_195 step %parallel_loop3A_196  : i32 {
      %parallel_loop3A_710 = arith.addi %add3A_193, %parallel_loop3A_709 : i32
      %parallel_loop3A_711 = arith.index_cast %parallel_loop3A_710 : i32 to index
      %parallel_loop3A_712 = tpu.vector_load %arg7[%parallel_loop3A_711] {strides = array<i32>} : memref<24624xf32, #tpu.memory_space<vmem>>, vector<16xf32>,
      %parallel_loop3A_713 = vector.shape_cast %parallel_loop3A_712 : vector<16xf32> to vector<16xf32>
      %parallel_loop3A_714 = arith.constant 2 : i32
      %parallel_loop3A_715 = arith.index_cast %parallel_loop3A_714 : i32 to index
      %parallel_loop3A_716 = arith.index_cast %parallel_loop3A_709 : i32 to index
      %parallel_loop3A_717 = tpu.vector_load %arg8[%parallel_loop3A_715, %parallel_loop3A_716] {strides = array<i32>} : memref<6x4096xf32, #tpu.memory_space<vmem>>, vector<1x16xf32>,
      %parallel_loop3A_718 = vector.shape_cast %parallel_loop3A_717 : vector<1x16xf32> to vector<16xf32>
      %parallel_loop3A_719 = vector.shape_cast %parallel_loop3A_713 : vector<16xf32> to vector<1x16xf32>
      tpu.vector_store %arg8[%parallel_loop3A_715, %parallel_loop3A_716], %parallel_loop3A_719 {strides = array<i32>} : memref<6x4096xf32, #tpu.memory_space<vmem>>, vector<1x16xf32>,
    } {sc.loop_unroll_factor = 16 : i64, sc.parallel_access}
    %add3A_197 = arith.constant 2 : i32
    %add3A_198 = arith.addi %mul3A_2, %add3A_197 : i32
    %mul3A_199 = arith.constant 4096 : i32
    %mul3A_200 = arith.muli %add3A_198, %mul3A_199 : i32
    %dma_start3A_201 = arith.constant 2 : i32
    %dma_start3A_202 = arith.constant 0 : i32
    %dma_start3A_203 = tpu.memref_slice %arg8[%dma_start3A_201, %dma_start3A_202] : memref<6x4096xf32, #tpu.memory_space<vmem>> -> memref<1x4096xf32, #tpu.memory_space<vmem>>
    %dma_start3A_204 = tpu.memref_squeeze %dma_start3A_203 : memref<1x4096xf32, #tpu.memory_space<vmem>> -> memref<4096xf32, #tpu.memory_space<vmem>>
    %dma_start3A_205 = tpu.memref_slice %arg4[%mul3A_200] : memref<4194304xf32, #tpu.memory_space<hbm>> -> memref<4096xf32, #tpu.memory_space<hbm>>
    %dma_start3A_206 = tpu.memref_slice %arg4[%mul3A_200] : memref<4194304xf32, #tpu.memory_space<hbm>> -> memref<4096xf32, #tpu.memory_space<hbm>>
    %dma_start3A_207 = arith.constant 0 : i32
    %dma_start3A_208 = tpu.memref_slice %arg8[%dma_start3A_201, %dma_start3A_207] : memref<6x4096xf32, #tpu.memory_space<vmem>> -> memref<1x4096xf32, #tpu.memory_space<vmem>>
    %dma_start3A_209 = tpu.memref_squeeze %dma_start3A_208 : memref<1x4096xf32, #tpu.memory_space<vmem>> -> memref<4096xf32, #tpu.memory_space<vmem>>
    tpu.enqueue_dma source(%dma_start3A_209 : memref<4096xf32, #tpu.memory_space<vmem>>) target(%dma_start3A_206 : memref<4096xf32, #tpu.memory_space<hbm>>) target_semaphore(%arg10 : memref<!tpu.dma_semaphore, #tpu.memory_space<semaphore_mem>>)
    %get3A_210 = arith.constant 8 : index
    %get3A_211 = tpu.vector_load %arg6[%get3A_210] {strides = array<i32>} : memref<48xi32, #tpu.memory_space<vmem>>, vector<16xi32>,
    %get3A_212 = vector.shape_cast %get3A_211 : vector<16xi32> to vector<16xi32>
    %slice3A_213 = vector.extract_strided_slice %get3A_212 {offsets = [0], sizes = [1], strides = [1]} : vector<16xi32> to vector<1xi32>
    %squeeze3A_214 = vector.extract %slice3A_213[0] : i32 from vector<1xi32>
    %and3A_215 = arith.constant -8 : i32
    %and3A_216 = arith.andi %squeeze3A_214, %and3A_215 : i32
    %multiple_of3A_217 = tpu.assume_multiple %and3A_216, 8 : i32
    %dma_start3A_218 = arith.constant 8208 : i32
    %dma_start3A_219 = tpu.memref_slice %arg7[%dma_start3A_218] : memref<24624xf32, #tpu.memory_space<vmem>> -> memref<4104xf32, #tpu.memory_space<vmem>>
    %dma_start3A_220 = tpu.memref_slice %arg5[%multiple_of3A_217] : memref<108000xf32, #tpu.memory_space<vmem_shared>> -> memref<4104xf32, #tpu.memory_space<vmem_shared>>
    %dma_start3A_221 = arith.constant 8208 : i32
    %dma_start3A_222 = tpu.memref_slice %arg7[%dma_start3A_221] : memref<24624xf32, #tpu.memory_space<vmem>> -> memref<4104xf32, #tpu.memory_space<vmem>>
    %dma_start3A_223 = tpu.memref_slice %arg5[%multiple_of3A_217] : memref<108000xf32, #tpu.memory_space<vmem_shared>> -> memref<4104xf32, #tpu.memory_space<vmem_shared>>
    tpu.enqueue_dma source(%dma_start3A_223 : memref<4104xf32, #tpu.memory_space<vmem_shared>>) target(%dma_start3A_222 : memref<4104xf32, #tpu.memory_space<vmem>>) target_semaphore(%arg9 : memref<!tpu.dma_semaphore, #tpu.memory_space<semaphore_mem>>)
    %dma_wait3A_224 = arith.constant 0 : i32
    %dma_wait3A_225 = tpu.memref_slice %arg7[%dma_wait3A_224] : memref<24624xf32, #tpu.memory_space<vmem>> -> memref<4104xf32, #tpu.memory_space<vmem>>
    %dma_wait3A_226 = arith.constant 0 : i32
    %dma_wait3A_227 = tpu.memref_slice %arg2[%dma_wait3A_226] : memref<108000xf32, #tpu.memory_space<hbm>> -> memref<4104xf32, #tpu.memory_space<hbm>>
    %dma_wait3A_228 = arith.constant 0 : i32
    %dma_wait3A_229 = tpu.memref_slice %arg7[%dma_wait3A_228] : memref<24624xf32, #tpu.memory_space<vmem>> -> memref<4104xf32, #tpu.memory_space<vmem>>
    %dma_wait3A_230 = arith.constant 0 : i32
    %dma_wait3A_231 = tpu.memref_slice %arg2[%dma_wait3A_230] : memref<108000xf32, #tpu.memory_space<hbm>> -> memref<4104xf32, #tpu.memory_space<hbm>>
    tpu.wait_dma2 semaphore(%arg9 : memref<!tpu.dma_semaphore, #tpu.memory_space<semaphore_mem>>) src(%dma_wait3A_231 : memref<4104xf32, #tpu.memory_space<hbm>>) dst(%dma_wait3A_229 : memref<4104xf32, #tpu.memory_space<vmem>>)
    %get3A_232 = arith.constant 3 : index
    %get3A_233 = tpu.vector_load %arg6[%get3A_232] {strides = array<i32>} : memref<48xi32, #tpu.memory_space<vmem>>, vector<16xi32>,
    %get3A_234 = vector.shape_cast %get3A_233 : vector<16xi32> to vector<16xi32>
    %slice3A_235 = vector.extract_strided_slice %get3A_234 {offsets = [0], sizes = [1], strides = [1]} : vector<16xi32> to vector<1xi32>
    %squeeze3A_236 = vector.extract %slice3A_235[0] : i32 from vector<1xi32>
    %and3A_237 = arith.constant -8 : i32
    %and3A_238 = arith.andi %squeeze3A_236, %and3A_237 : i32
    %sub3A_239 = arith.subi %squeeze3A_236, %and3A_238 : i32
    %add3A_240 = arith.constant 12312 : i32
    %add3A_241 = arith.addi %add3A_240, %sub3A_239 : i32
    %parallel_loop3A_242 = arith.constant 0 : i32
    %parallel_loop3A_243 = arith.constant 4096 : i32
    %parallel_loop3A_244 = arith.constant 16 : i32
    scf.for %parallel_loop3A_709 = %parallel_loop3A_242 to %parallel_loop3A_243 step %parallel_loop3A_244  : i32 {
      %parallel_loop3A_710 = arith.addi %add3A_241, %parallel_loop3A_709 : i32
      %parallel_loop3A_711 = arith.index_cast %parallel_loop3A_710 : i32 to index
      %parallel_loop3A_712 = tpu.vector_load %arg7[%parallel_loop3A_711] {strides = array<i32>} : memref<24624xf32, #tpu.memory_space<vmem>>, vector<16xf32>,
      %parallel_loop3A_713 = vector.shape_cast %parallel_loop3A_712 : vector<16xf32> to vector<16xf32>
      %parallel_loop3A_714 = arith.constant 3 : i32
      %parallel_loop3A_715 = arith.index_cast %parallel_loop3A_714 : i32 to index
      %parallel_loop3A_716 = arith.index_cast %parallel_loop3A_709 : i32 to index
      %parallel_loop3A_717 = tpu.vector_load %arg8[%parallel_loop3A_715, %parallel_loop3A_716] {strides = array<i32>} : memref<6x4096xf32, #tpu.memory_space<vmem>>, vector<1x16xf32>,
      %parallel_loop3A_718 = vector.shape_cast %parallel_loop3A_717 : vector<1x16xf32> to vector<16xf32>
      %parallel_loop3A_719 = vector.shape_cast %parallel_loop3A_713 : vector<16xf32> to vector<1x16xf32>
      tpu.vector_store %arg8[%parallel_loop3A_715, %parallel_loop3A_716], %parallel_loop3A_719 {strides = array<i32>} : memref<6x4096xf32, #tpu.memory_space<vmem>>, vector<1x16xf32>,
    } {sc.loop_unroll_factor = 16 : i64, sc.parallel_access}
    %add3A_245 = arith.constant 3 : i32
    %add3A_246 = arith.addi %mul3A_2, %add3A_245 : i32
    %mul3A_247 = arith.constant 4096 : i32
    %mul3A_248 = arith.muli %add3A_246, %mul3A_247 : i32
    %dma_start3A_249 = arith.constant 3 : i32
    %dma_start3A_250 = arith.constant 0 : i32
    %dma_start3A_251 = tpu.memref_slice %arg8[%dma_start3A_249, %dma_start3A_250] : memref<6x4096xf32, #tpu.memory_space<vmem>> -> memref<1x4096xf32, #tpu.memory_space<vmem>>
    %dma_start3A_252 = tpu.memref_squeeze %dma_start3A_251 : memref<1x4096xf32, #tpu.memory_space<vmem>> -> memref<4096xf32, #tpu.memory_space<vmem>>
    %dma_start3A_253 = tpu.memref_slice %arg4[%mul3A_248] : memref<4194304xf32, #tpu.memory_space<hbm>> -> memref<4096xf32, #tpu.memory_space<hbm>>
    %dma_start3A_254 = tpu.memref_slice %arg4[%mul3A_248] : memref<4194304xf32, #tpu.memory_space<hbm>> -> memref<4096xf32, #tpu.memory_space<hbm>>
    %dma_start3A_255 = arith.constant 0 : i32
    %dma_start3A_256 = tpu.memref_slice %arg8[%dma_start3A_249, %dma_start3A_255] : memref<6x4096xf32, #tpu.memory_space<vmem>> -> memref<1x4096xf32, #tpu.memory_space<vmem>>
    %dma_start3A_257 = tpu.memref_squeeze %dma_start3A_256 : memref<1x4096xf32, #tpu.memory_space<vmem>> -> memref<4096xf32, #tpu.memory_space<vmem>>
    tpu.enqueue_dma source(%dma_start3A_257 : memref<4096xf32, #tpu.memory_space<vmem>>) target(%dma_start3A_254 : memref<4096xf32, #tpu.memory_space<hbm>>) target_semaphore(%arg10 : memref<!tpu.dma_semaphore, #tpu.memory_space<semaphore_mem>>)
    %get3A_258 = arith.constant 9 : index
    %get3A_259 = tpu.vector_load %arg6[%get3A_258] {strides = array<i32>} : memref<48xi32, #tpu.memory_space<vmem>>, vector<16xi32>,
    %get3A_260 = vector.shape_cast %get3A_259 : vector<16xi32> to vector<16xi32>
    %slice3A_261 = vector.extract_strided_slice %get3A_260 {offsets = [0], sizes = [1], strides = [1]} : vector<16xi32> to vector<1xi32>
    %squeeze3A_262 = vector.extract %slice3A_261[0] : i32 from vector<1xi32>
    %and3A_263 = arith.constant -8 : i32
    %and3A_264 = arith.andi %squeeze3A_262, %and3A_263 : i32
    %multiple_of3A_265 = tpu.assume_multiple %and3A_264, 8 : i32
    %dma_start3A_266 = arith.constant 12312 : i32
    %dma_start3A_267 = tpu.memref_slice %arg7[%dma_start3A_266] : memref<24624xf32, #tpu.memory_space<vmem>> -> memref<4104xf32, #tpu.memory_space<vmem>>
    %dma_start3A_268 = tpu.memref_slice %arg5[%multiple_of3A_265] : memref<108000xf32, #tpu.memory_space<vmem_shared>> -> memref<4104xf32, #tpu.memory_space<vmem_shared>>
    %dma_start3A_269 = arith.constant 12312 : i32
    %dma_start3A_270 = tpu.memref_slice %arg7[%dma_start3A_269] : memref<24624xf32, #tpu.memory_space<vmem>> -> memref<4104xf32, #tpu.memory_space<vmem>>
    %dma_start3A_271 = tpu.memref_slice %arg5[%multiple_of3A_265] : memref<108000xf32, #tpu.memory_space<vmem_shared>> -> memref<4104xf32, #tpu.memory_space<vmem_shared>>
    tpu.enqueue_dma source(%dma_start3A_271 : memref<4104xf32, #tpu.memory_space<vmem_shared>>) target(%dma_start3A_270 : memref<4104xf32, #tpu.memory_space<vmem>>) target_semaphore(%arg9 : memref<!tpu.dma_semaphore, #tpu.memory_space<semaphore_mem>>)
    %dma_wait3A_272 = arith.constant 0 : i32
    %dma_wait3A_273 = tpu.memref_slice %arg7[%dma_wait3A_272] : memref<24624xf32, #tpu.memory_space<vmem>> -> memref<4104xf32, #tpu.memory_space<vmem>>
    %dma_wait3A_274 = arith.constant 0 : i32
    %dma_wait3A_275 = tpu.memref_slice %arg2[%dma_wait3A_274] : memref<108000xf32, #tpu.memory_space<hbm>> -> memref<4104xf32, #tpu.memory_space<hbm>>
    %dma_wait3A_276 = arith.constant 0 : i32
    %dma_wait3A_277 = tpu.memref_slice %arg7[%dma_wait3A_276] : memref<24624xf32, #tpu.memory_space<vmem>> -> memref<4104xf32, #tpu.memory_space<vmem>>
    %dma_wait3A_278 = arith.constant 0 : i32
    %dma_wait3A_279 = tpu.memref_slice %arg2[%dma_wait3A_278] : memref<108000xf32, #tpu.memory_space<hbm>> -> memref<4104xf32, #tpu.memory_space<hbm>>
    tpu.wait_dma2 semaphore(%arg9 : memref<!tpu.dma_semaphore, #tpu.memory_space<semaphore_mem>>) src(%dma_wait3A_279 : memref<4104xf32, #tpu.memory_space<hbm>>) dst(%dma_wait3A_277 : memref<4104xf32, #tpu.memory_space<vmem>>)
    %get3A_280 = arith.constant 4 : index
    %get3A_281 = tpu.vector_load %arg6[%get3A_280] {strides = array<i32>} : memref<48xi32, #tpu.memory_space<vmem>>, vector<16xi32>,
    %get3A_282 = vector.shape_cast %get3A_281 : vector<16xi32> to vector<16xi32>
    %slice3A_283 = vector.extract_strided_slice %get3A_282 {offsets = [0], sizes = [1], strides = [1]} : vector<16xi32> to vector<1xi32>
    %squeeze3A_284 = vector.extract %slice3A_283[0] : i32 from vector<1xi32>
    %and3A_285 = arith.constant -8 : i32
    %and3A_286 = arith.andi %squeeze3A_284, %and3A_285 : i32
    %sub3A_287 = arith.subi %squeeze3A_284, %and3A_286 : i32
    %add3A_288 = arith.constant 16416 : i32
    %add3A_289 = arith.addi %add3A_288, %sub3A_287 : i32
    %parallel_loop3A_290 = arith.constant 0 : i32
    %parallel_loop3A_291 = arith.constant 4096 : i32
    %parallel_loop3A_292 = arith.constant 16 : i32
    scf.for %parallel_loop3A_709 = %parallel_loop3A_290 to %parallel_loop3A_291 step %parallel_loop3A_292  : i32 {
      %parallel_loop3A_710 = arith.addi %add3A_289, %parallel_loop3A_709 : i32
      %parallel_loop3A_711 = arith.index_cast %parallel_loop3A_710 : i32 to index
      %parallel_loop3A_712 = tpu.vector_load %arg7[%parallel_loop3A_711] {strides = array<i32>} : memref<24624xf32, #tpu.memory_space<vmem>>, vector<16xf32>,
      %parallel_loop3A_713 = vector.shape_cast %parallel_loop3A_712 : vector<16xf32> to vector<16xf32>
      %parallel_loop3A_714 = arith.constant 4 : i32
      %parallel_loop3A_715 = arith.index_cast %parallel_loop3A_714 : i32 to index
      %parallel_loop3A_716 = arith.index_cast %parallel_loop3A_709 : i32 to index
      %parallel_loop3A_717 = tpu.vector_load %arg8[%parallel_loop3A_715, %parallel_loop3A_716] {strides = array<i32>} : memref<6x4096xf32, #tpu.memory_space<vmem>>, vector<1x16xf32>,
      %parallel_loop3A_718 = vector.shape_cast %parallel_loop3A_717 : vector<1x16xf32> to vector<16xf32>
      %parallel_loop3A_719 = vector.shape_cast %parallel_loop3A_713 : vector<16xf32> to vector<1x16xf32>
      tpu.vector_store %arg8[%parallel_loop3A_715, %parallel_loop3A_716], %parallel_loop3A_719 {strides = array<i32>} : memref<6x4096xf32, #tpu.memory_space<vmem>>, vector<1x16xf32>,
    } {sc.loop_unroll_factor = 16 : i64, sc.parallel_access}
    %add3A_293 = arith.constant 4 : i32
    %add3A_294 = arith.addi %mul3A_2, %add3A_293 : i32
    %mul3A_295 = arith.constant 4096 : i32
    %mul3A_296 = arith.muli %add3A_294, %mul3A_295 : i32
    %dma_start3A_297 = arith.constant 4 : i32
    %dma_start3A_298 = arith.constant 0 : i32
    %dma_start3A_299 = tpu.memref_slice %arg8[%dma_start3A_297, %dma_start3A_298] : memref<6x4096xf32, #tpu.memory_space<vmem>> -> memref<1x4096xf32, #tpu.memory_space<vmem>>
    %dma_start3A_300 = tpu.memref_squeeze %dma_start3A_299 : memref<1x4096xf32, #tpu.memory_space<vmem>> -> memref<4096xf32, #tpu.memory_space<vmem>>
    %dma_start3A_301 = tpu.memref_slice %arg4[%mul3A_296] : memref<4194304xf32, #tpu.memory_space<hbm>> -> memref<4096xf32, #tpu.memory_space<hbm>>
    %dma_start3A_302 = tpu.memref_slice %arg4[%mul3A_296] : memref<4194304xf32, #tpu.memory_space<hbm>> -> memref<4096xf32, #tpu.memory_space<hbm>>
    %dma_start3A_303 = arith.constant 0 : i32
    %dma_start3A_304 = tpu.memref_slice %arg8[%dma_start3A_297, %dma_start3A_303] : memref<6x4096xf32, #tpu.memory_space<vmem>> -> memref<1x4096xf32, #tpu.memory_space<vmem>>
    %dma_start3A_305 = tpu.memref_squeeze %dma_start3A_304 : memref<1x4096xf32, #tpu.memory_space<vmem>> -> memref<4096xf32, #tpu.memory_space<vmem>>
    tpu.enqueue_dma source(%dma_start3A_305 : memref<4096xf32, #tpu.memory_space<vmem>>) target(%dma_start3A_302 : memref<4096xf32, #tpu.memory_space<hbm>>) target_semaphore(%arg10 : memref<!tpu.dma_semaphore, #tpu.memory_space<semaphore_mem>>)
    %get3A_306 = arith.constant 10 : index
    %get3A_307 = tpu.vector_load %arg6[%get3A_306] {strides = array<i32>} : memref<48xi32, #tpu.memory_space<vmem>>, vector<16xi32>,
    %get3A_308 = vector.shape_cast %get3A_307 : vector<16xi32> to vector<16xi32>
    %slice3A_309 = vector.extract_strided_slice %get3A_308 {offsets = [0], sizes = [1], strides = [1]} : vector<16xi32> to vector<1xi32>
    %squeeze3A_310 = vector.extract %slice3A_309[0] : i32 from vector<1xi32>
    %and3A_311 = arith.constant -8 : i32
    %and3A_312 = arith.andi %squeeze3A_310, %and3A_311 : i32
    %multiple_of3A_313 = tpu.assume_multiple %and3A_312, 8 : i32
    %dma_start3A_314 = arith.constant 16416 : i32
    %dma_start3A_315 = tpu.memref_slice %arg7[%dma_start3A_314] : memref<24624xf32, #tpu.memory_space<vmem>> -> memref<4104xf32, #tpu.memory_space<vmem>>
    %dma_start3A_316 = tpu.memref_slice %arg5[%multiple_of3A_313] : memref<108000xf32, #tpu.memory_space<vmem_shared>> -> memref<4104xf32, #tpu.memory_space<vmem_shared>>
    %dma_start3A_317 = arith.constant 16416 : i32
    %dma_start3A_318 = tpu.memref_slice %arg7[%dma_start3A_317] : memref<24624xf32, #tpu.memory_space<vmem>> -> memref<4104xf32, #tpu.memory_space<vmem>>
    %dma_start3A_319 = tpu.memref_slice %arg5[%multiple_of3A_313] : memref<108000xf32, #tpu.memory_space<vmem_shared>> -> memref<4104xf32, #tpu.memory_space<vmem_shared>>
    tpu.enqueue_dma source(%dma_start3A_319 : memref<4104xf32, #tpu.memory_space<vmem_shared>>) target(%dma_start3A_318 : memref<4104xf32, #tpu.memory_space<vmem>>) target_semaphore(%arg9 : memref<!tpu.dma_semaphore, #tpu.memory_space<semaphore_mem>>)
    %dma_wait3A_320 = arith.constant 0 : i32
    %dma_wait3A_321 = tpu.memref_slice %arg7[%dma_wait3A_320] : memref<24624xf32, #tpu.memory_space<vmem>> -> memref<4104xf32, #tpu.memory_space<vmem>>
    %dma_wait3A_322 = arith.constant 0 : i32
    %dma_wait3A_323 = tpu.memref_slice %arg2[%dma_wait3A_322] : memref<108000xf32, #tpu.memory_space<hbm>> -> memref<4104xf32, #tpu.memory_space<hbm>>
    %dma_wait3A_324 = arith.constant 0 : i32
    %dma_wait3A_325 = tpu.memref_slice %arg7[%dma_wait3A_324] : memref<24624xf32, #tpu.memory_space<vmem>> -> memref<4104xf32, #tpu.memory_space<vmem>>
    %dma_wait3A_326 = arith.constant 0 : i32
    %dma_wait3A_327 = tpu.memref_slice %arg2[%dma_wait3A_326] : memref<108000xf32, #tpu.memory_space<hbm>> -> memref<4104xf32, #tpu.memory_space<hbm>>
    tpu.wait_dma2 semaphore(%arg9 : memref<!tpu.dma_semaphore, #tpu.memory_space<semaphore_mem>>) src(%dma_wait3A_327 : memref<4104xf32, #tpu.memory_space<hbm>>) dst(%dma_wait3A_325 : memref<4104xf32, #tpu.memory_space<vmem>>)
    %get3A_328 = arith.constant 5 : index
    %get3A_329 = tpu.vector_load %arg6[%get3A_328] {strides = array<i32>} : memref<48xi32, #tpu.memory_space<vmem>>, vector<16xi32>,
    %get3A_330 = vector.shape_cast %get3A_329 : vector<16xi32> to vector<16xi32>
    %slice3A_331 = vector.extract_strided_slice %get3A_330 {offsets = [0], sizes = [1], strides = [1]} : vector<16xi32> to vector<1xi32>
    %squeeze3A_332 = vector.extract %slice3A_331[0] : i32 from vector<1xi32>
    %and3A_333 = arith.constant -8 : i32
    %and3A_334 = arith.andi %squeeze3A_332, %and3A_333 : i32
    %sub3A_335 = arith.subi %squeeze3A_332, %and3A_334 : i32
    %add3A_336 = arith.constant 20520 : i32
    %add3A_337 = arith.addi %add3A_336, %sub3A_335 : i32
    %parallel_loop3A_338 = arith.constant 0 : i32
    %parallel_loop3A_339 = arith.constant 4096 : i32
    %parallel_loop3A_340 = arith.constant 16 : i32
    scf.for %parallel_loop3A_709 = %parallel_loop3A_338 to %parallel_loop3A_339 step %parallel_loop3A_340  : i32 {
      %parallel_loop3A_710 = arith.addi %add3A_337, %parallel_loop3A_709 : i32
      %parallel_loop3A_711 = arith.index_cast %parallel_loop3A_710 : i32 to index
      %parallel_loop3A_712 = tpu.vector_load %arg7[%parallel_loop3A_711] {strides = array<i32>} : memref<24624xf32, #tpu.memory_space<vmem>>, vector<16xf32>,
      %parallel_loop3A_713 = vector.shape_cast %parallel_loop3A_712 : vector<16xf32> to vector<16xf32>
      %parallel_loop3A_714 = arith.constant 5 : i32
      %parallel_loop3A_715 = arith.index_cast %parallel_loop3A_714 : i32 to index
      %parallel_loop3A_716 = arith.index_cast %parallel_loop3A_709 : i32 to index
      %parallel_loop3A_717 = tpu.vector_load %arg8[%parallel_loop3A_715, %parallel_loop3A_716] {strides = array<i32>} : memref<6x4096xf32, #tpu.memory_space<vmem>>, vector<1x16xf32>,
      %parallel_loop3A_718 = vector.shape_cast %parallel_loop3A_717 : vector<1x16xf32> to vector<16xf32>
      %parallel_loop3A_719 = vector.shape_cast %parallel_loop3A_713 : vector<16xf32> to vector<1x16xf32>
      tpu.vector_store %arg8[%parallel_loop3A_715, %parallel_loop3A_716], %parallel_loop3A_719 {strides = array<i32>} : memref<6x4096xf32, #tpu.memory_space<vmem>>, vector<1x16xf32>,
    } {sc.loop_unroll_factor = 16 : i64, sc.parallel_access}
    %add3A_341 = arith.constant 5 : i32
    %add3A_342 = arith.addi %mul3A_2, %add3A_341 : i32
    %mul3A_343 = arith.constant 4096 : i32
    %mul3A_344 = arith.muli %add3A_342, %mul3A_343 : i32
    %dma_start3A_345 = arith.constant 5 : i32
    %dma_start3A_346 = arith.constant 0 : i32
    %dma_start3A_347 = tpu.memref_slice %arg8[%dma_start3A_345, %dma_start3A_346] : memref<6x4096xf32, #tpu.memory_space<vmem>> -> memref<1x4096xf32, #tpu.memory_space<vmem>>
    %dma_start3A_348 = tpu.memref_squeeze %dma_start3A_347 : memref<1x4096xf32, #tpu.memory_space<vmem>> -> memref<4096xf32, #tpu.memory_space<vmem>>
    %dma_start3A_349 = tpu.memref_slice %arg4[%mul3A_344] : memref<4194304xf32, #tpu.memory_space<hbm>> -> memref<4096xf32, #tpu.memory_space<hbm>>
    %dma_start3A_350 = tpu.memref_slice %arg4[%mul3A_344] : memref<4194304xf32, #tpu.memory_space<hbm>> -> memref<4096xf32, #tpu.memory_space<hbm>>
    %dma_start3A_351 = arith.constant 0 : i32
    %dma_start3A_352 = tpu.memref_slice %arg8[%dma_start3A_345, %dma_start3A_351] : memref<6x4096xf32, #tpu.memory_space<vmem>> -> memref<1x4096xf32, #tpu.memory_space<vmem>>
    %dma_start3A_353 = tpu.memref_squeeze %dma_start3A_352 : memref<1x4096xf32, #tpu.memory_space<vmem>> -> memref<4096xf32, #tpu.memory_space<vmem>>
    tpu.enqueue_dma source(%dma_start3A_353 : memref<4096xf32, #tpu.memory_space<vmem>>) target(%dma_start3A_350 : memref<4096xf32, #tpu.memory_space<hbm>>) target_semaphore(%arg10 : memref<!tpu.dma_semaphore, #tpu.memory_space<semaphore_mem>>)
    %get3A_354 = arith.constant 11 : index
    %get3A_355 = tpu.vector_load %arg6[%get3A_354] {strides = array<i32>} : memref<48xi32, #tpu.memory_space<vmem>>, vector<16xi32>,
    %get3A_356 = vector.shape_cast %get3A_355 : vector<16xi32> to vector<16xi32>
    %slice3A_357 = vector.extract_strided_slice %get3A_356 {offsets = [0], sizes = [1], strides = [1]} : vector<16xi32> to vector<1xi32>
    %squeeze3A_358 = vector.extract %slice3A_357[0] : i32 from vector<1xi32>
    %and3A_359 = arith.constant -8 : i32
    %and3A_360 = arith.andi %squeeze3A_358, %and3A_359 : i32
    %multiple_of3A_361 = tpu.assume_multiple %and3A_360, 8 : i32
    %dma_start3A_362 = arith.constant 20520 : i32
    %dma_start3A_363 = tpu.memref_slice %arg7[%dma_start3A_362] : memref<24624xf32, #tpu.memory_space<vmem>> -> memref<4104xf32, #tpu.memory_space<vmem>>
    %dma_start3A_364 = tpu.memref_slice %arg5[%multiple_of3A_361] : memref<108000xf32, #tpu.memory_space<vmem_shared>> -> memref<4104xf32, #tpu.memory_space<vmem_shared>>
    %dma_start3A_365 = arith.constant 20520 : i32
    %dma_start3A_366 = tpu.memref_slice %arg7[%dma_start3A_365] : memref<24624xf32, #tpu.memory_space<vmem>> -> memref<4104xf32, #tpu.memory_space<vmem>>
    %dma_start3A_367 = tpu.memref_slice %arg5[%multiple_of3A_361] : memref<108000xf32, #tpu.memory_space<vmem_shared>> -> memref<4104xf32, #tpu.memory_space<vmem_shared>>
    tpu.enqueue_dma source(%dma_start3A_367 : memref<4104xf32, #tpu.memory_space<vmem_shared>>) target(%dma_start3A_366 : memref<4104xf32, #tpu.memory_space<vmem>>) target_semaphore(%arg9 : memref<!tpu.dma_semaphore, #tpu.memory_space<semaphore_mem>>)
    %scan3A = arith.constant 0 : i32
    %scan3A_368 = arith.constant 6 : i32
    %scan3A_369 = arith.constant 20 : i32
    %scan3A_370 = arith.addi %scan3A_368, %scan3A_369 : i32
    %scan3A_371 = arith.constant 1 : i32
    scf.for %scan3A_709 = %scan3A_368 to %scan3A_370 step %scan3A_371  : i32 {
      %jit3A = arith.constant 6 : i32
      %eq3A_710 = arith.constant 0 : i32
      %eq3A_711 = arith.cmpi eq, %jit3A, %eq3A_710 : i32
      %jit3A_712 = arith.constant 1 : i32
      %select_n3A = arith.select %eq3A_711, %jit3A_712, %jit3A : i32
      %rem3A = arith.remsi %scan3A_709, %select_n3A : i32
      %ne3A = arith.constant 0 : i32
      %ne3A_713 = arith.cmpi ne, %rem3A, %ne3A : i32
      %lt3A = arith.constant 0 : i32
      %lt3A_714 = arith.cmpi slt, %rem3A, %lt3A : i32
      %lt3A_715 = arith.constant 0 : i32
      %lt3A_716 = arith.cmpi slt, %select_n3A, %lt3A_715 : i32
      %ne3A_717 = arith.xori %lt3A_714, %lt3A_716 : i1
      %and3A_718 = arith.andi %ne3A_717, %ne3A_713 : i1
      %add3A_719 = arith.addi %rem3A, %select_n3A : i32
      %select_n3A_720 = arith.select %and3A_718, %add3A_719, %rem3A : i32
      %dma_wait3A_721 = arith.constant 0 : i32
      %dma_wait3A_722 = tpu.memref_slice %arg7[%dma_wait3A_721] : memref<24624xf32, #tpu.memory_space<vmem>> -> memref<4104xf32, #tpu.memory_space<vmem>>
      %dma_wait3A_723 = arith.constant 0 : i32
      %dma_wait3A_724 = tpu.memref_slice %arg2[%dma_wait3A_723] : memref<108000xf32, #tpu.memory_space<hbm>> -> memref<4104xf32, #tpu.memory_space<hbm>>
      %dma_wait3A_725 = arith.constant 0 : i32
      %dma_wait3A_726 = tpu.memref_slice %arg7[%dma_wait3A_725] : memref<24624xf32, #tpu.memory_space<vmem>> -> memref<4104xf32, #tpu.memory_space<vmem>>
      %dma_wait3A_727 = arith.constant 0 : i32
      %dma_wait3A_728 = tpu.memref_slice %arg2[%dma_wait3A_727] : memref<108000xf32, #tpu.memory_space<hbm>> -> memref<4104xf32, #tpu.memory_space<hbm>>
      tpu.wait_dma2 semaphore(%arg9 : memref<!tpu.dma_semaphore, #tpu.memory_space<semaphore_mem>>) src(%dma_wait3A_728 : memref<4104xf32, #tpu.memory_space<hbm>>) dst(%dma_wait3A_726 : memref<4104xf32, #tpu.memory_space<vmem>>)
      %dma_wait3A_729 = arith.constant 0 : i32
      %dma_wait3A_730 = arith.constant 0 : i32
      %dma_wait3A_731 = tpu.memref_slice %arg8[%dma_wait3A_729, %dma_wait3A_730] : memref<6x4096xf32, #tpu.memory_space<vmem>> -> memref<1x4096xf32, #tpu.memory_space<vmem>>
      %dma_wait3A_732 = tpu.memref_squeeze %dma_wait3A_731 : memref<1x4096xf32, #tpu.memory_space<vmem>> -> memref<4096xf32, #tpu.memory_space<vmem>>
      %dma_wait3A_733 = arith.constant 0 : i32
      %dma_wait3A_734 = tpu.memref_slice %arg2[%dma_wait3A_733] : memref<108000xf32, #tpu.memory_space<hbm>> -> memref<4096xf32, #tpu.memory_space<hbm>>
      %dma_wait3A_735 = arith.constant 0 : i32
      %dma_wait3A_736 = tpu.memref_slice %arg8[%dma_wait3A_729, %dma_wait3A_735] : memref<6x4096xf32, #tpu.memory_space<vmem>> -> memref<1x4096xf32, #tpu.memory_space<vmem>>
      %dma_wait3A_737 = tpu.memref_squeeze %dma_wait3A_736 : memref<1x4096xf32, #tpu.memory_space<vmem>> -> memref<4096xf32, #tpu.memory_space<vmem>>
      %dma_wait3A_738 = arith.constant 0 : i32
      %dma_wait3A_739 = tpu.memref_slice %arg2[%dma_wait3A_738] : memref<108000xf32, #tpu.memory_space<hbm>> -> memref<4096xf32, #tpu.memory_space<hbm>>
      tpu.wait_dma2 semaphore(%arg10 : memref<!tpu.dma_semaphore, #tpu.memory_space<semaphore_mem>>) src(%dma_wait3A_739 : memref<4096xf32, #tpu.memory_space<hbm>>) dst(%dma_wait3A_737 : memref<4096xf32, #tpu.memory_space<vmem>>)
      %get3A_740 = arith.index_cast %scan3A_709 : i32 to index
      %get3A_741 = tpu.vector_load %arg6[%get3A_740] {strides = array<i32>} : memref<48xi32, #tpu.memory_space<vmem>>, vector<16xi32>,
      %get3A_742 = vector.shape_cast %get3A_741 : vector<16xi32> to vector<16xi32>
      %slice3A_743 = vector.extract_strided_slice %get3A_742 {offsets = [0], sizes = [1], strides = [1]} : vector<16xi32> to vector<1xi32>
      %squeeze3A_744 = vector.extract %slice3A_743[0] : i32 from vector<1xi32>
      %mul3A_745 = arith.constant 4104 : i32
      %mul3A_746 = arith.muli %select_n3A_720, %mul3A_745 : i32
      %and3A_747 = arith.constant -8 : i32
      %and3A_748 = arith.andi %squeeze3A_744, %and3A_747 : i32
      %sub3A_749 = arith.subi %squeeze3A_744, %and3A_748 : i32
      %add3A_750 = arith.addi %mul3A_746, %sub3A_749 : i32
      %parallel_loop3A_751 = arith.constant 0 : i32
      %parallel_loop3A_752 = arith.constant 4096 : i32
      %parallel_loop3A_753 = arith.constant 16 : i32
      scf.for %parallel_loop3A_797 = %parallel_loop3A_751 to %parallel_loop3A_752 step %parallel_loop3A_753  : i32 {
        %parallel_loop3A_798 = arith.addi %add3A_750, %parallel_loop3A_797 : i32
        %parallel_loop3A_799 = arith.index_cast %parallel_loop3A_798 : i32 to index
        %parallel_loop3A_800 = tpu.vector_load %arg7[%parallel_loop3A_799] {strides = array<i32>} : memref<24624xf32, #tpu.memory_space<vmem>>, vector<16xf32>,
        %parallel_loop3A_801 = vector.shape_cast %parallel_loop3A_800 : vector<16xf32> to vector<16xf32>
        %parallel_loop3A_802 = arith.index_cast %select_n3A_720 : i32 to index
        %parallel_loop3A_803 = arith.index_cast %parallel_loop3A_797 : i32 to index
        %parallel_loop3A_804 = tpu.vector_load %arg8[%parallel_loop3A_802, %parallel_loop3A_803] {strides = array<i32>} : memref<6x4096xf32, #tpu.memory_space<vmem>>, vector<1x16xf32>,
        %parallel_loop3A_805 = vector.shape_cast %parallel_loop3A_804 : vector<1x16xf32> to vector<16xf32>
        %parallel_loop3A_806 = vector.shape_cast %parallel_loop3A_801 : vector<16xf32> to vector<1x16xf32>
        tpu.vector_store %arg8[%parallel_loop3A_802, %parallel_loop3A_803], %parallel_loop3A_806 {strides = array<i32>} : memref<6x4096xf32, #tpu.memory_space<vmem>>, vector<1x16xf32>,
      } {sc.loop_unroll_factor = 16 : i64, sc.parallel_access}
      %add3A_754 = arith.addi %mul3A_2, %scan3A_709 : i32
      %mul3A_755 = arith.constant 4096 : i32
      %mul3A_756 = arith.muli %add3A_754, %mul3A_755 : i32
      %dma_start3A_757 = arith.constant 0 : i32
      %dma_start3A_758 = tpu.memref_slice %arg8[%select_n3A_720, %dma_start3A_757] : memref<6x4096xf32, #tpu.memory_space<vmem>> -> memref<1x4096xf32, #tpu.memory_space<vmem>>
      %dma_start3A_759 = tpu.memref_squeeze %dma_start3A_758 : memref<1x4096xf32, #tpu.memory_space<vmem>> -> memref<4096xf32, #tpu.memory_space<vmem>>
      %dma_start3A_760 = tpu.memref_slice %arg4[%mul3A_756] : memref<4194304xf32, #tpu.memory_space<hbm>> -> memref<4096xf32, #tpu.memory_space<hbm>>
      %dma_start3A_761 = tpu.memref_slice %arg4[%mul3A_756] : memref<4194304xf32, #tpu.memory_space<hbm>> -> memref<4096xf32, #tpu.memory_space<hbm>>
      %dma_start3A_762 = arith.constant 0 : i32
      %dma_start3A_763 = tpu.memref_slice %arg8[%select_n3A_720, %dma_start3A_762] : memref<6x4096xf32, #tpu.memory_space<vmem>> -> memref<1x4096xf32, #tpu.memory_space<vmem>>
      %dma_start3A_764 = tpu.memref_squeeze %dma_start3A_763 : memref<1x4096xf32, #tpu.memory_space<vmem>> -> memref<4096xf32, #tpu.memory_space<vmem>>
      tpu.enqueue_dma source(%dma_start3A_764 : memref<4096xf32, #tpu.memory_space<vmem>>) target(%dma_start3A_761 : memref<4096xf32, #tpu.memory_space<hbm>>) target_semaphore(%arg10 : memref<!tpu.dma_semaphore, #tpu.memory_space<semaphore_mem>>)
      %add3A_765 = arith.constant 6 : i32
      %add3A_766 = arith.addi %scan3A_709, %add3A_765 : i32
      %get3A_767 = arith.index_cast %add3A_766 : i32 to index
      %get3A_768 = tpu.vector_load %arg6[%get3A_767] {strides = array<i32>} : memref<48xi32, #tpu.memory_space<vmem>>, vector<16xi32>,
      %get3A_769 = vector.shape_cast %get3A_768 : vector<16xi32> to vector<16xi32>
      %slice3A_770 = vector.extract_strided_slice %get3A_769 {offsets = [0], sizes = [1], strides = [1]} : vector<16xi32> to vector<1xi32>
      %squeeze3A_771 = vector.extract %slice3A_770[0] : i32 from vector<1xi32>
      %and3A_772 = arith.constant -8 : i32
      %and3A_773 = arith.andi %squeeze3A_771, %and3A_772 : i32
      %multiple_of3A_774 = tpu.assume_multiple %and3A_773, 8 : i32
      %jit3A_775 = arith.constant 6 : i32
      %eq3A_776 = arith.constant 0 : i32
      %eq3A_777 = arith.cmpi eq, %jit3A_775, %eq3A_776 : i32
      %jit3A_778 = arith.constant 1 : i32
      %select_n3A_779 = arith.select %eq3A_777, %jit3A_778, %jit3A_775 : i32
      %rem3A_780 = arith.remsi %add3A_766, %select_n3A_779 : i32
      %ne3A_781 = arith.constant 0 : i32
      %ne3A_782 = arith.cmpi ne, %rem3A_780, %ne3A_781 : i32
      %lt3A_783 = arith.constant 0 : i32
      %lt3A_784 = arith.cmpi slt, %rem3A_780, %lt3A_783 : i32
      %lt3A_785 = arith.constant 0 : i32
      %lt3A_786 = arith.cmpi slt, %select_n3A_779, %lt3A_785 : i32
      %ne3A_787 = arith.xori %lt3A_784, %lt3A_786 : i1
      %and3A_788 = arith.andi %ne3A_787, %ne3A_782 : i1
      %add3A_789 = arith.addi %rem3A_780, %select_n3A_779 : i32
      %select_n3A_790 = arith.select %and3A_788, %add3A_789, %rem3A_780 : i32
      %mul3A_791 = arith.constant 4104 : i32
      %mul3A_792 = arith.muli %select_n3A_790, %mul3A_791 : i32
      %dma_start3A_793 = tpu.memref_slice %arg7[%mul3A_792] : memref<24624xf32, #tpu.memory_space<vmem>> -> memref<4104xf32, #tpu.memory_space<vmem>>
      %dma_start3A_794 = tpu.memref_slice %arg5[%multiple_of3A_774] : memref<108000xf32, #tpu.memory_space<vmem_shared>> -> memref<4104xf32, #tpu.memory_space<vmem_shared>>
      %dma_start3A_795 = tpu.memref_slice %arg7[%mul3A_792] : memref<24624xf32, #tpu.memory_space<vmem>> -> memref<4104xf32, #tpu.memory_space<vmem>>
      %dma_start3A_796 = tpu.memref_slice %arg5[%multiple_of3A_774] : memref<108000xf32, #tpu.memory_space<vmem_shared>> -> memref<4104xf32, #tpu.memory_space<vmem_shared>>
      tpu.enqueue_dma source(%dma_start3A_796 : memref<4104xf32, #tpu.memory_space<vmem_shared>>) target(%dma_start3A_795 : memref<4104xf32, #tpu.memory_space<vmem>>) target_semaphore(%arg9 : memref<!tpu.dma_semaphore, #tpu.memory_space<semaphore_mem>>)
    }
    %scan3A_372 = arith.constant 20 : i32
    %dma_wait3A_373 = arith.constant 0 : i32
    %dma_wait3A_374 = tpu.memref_slice %arg7[%dma_wait3A_373] : memref<24624xf32, #tpu.memory_space<vmem>> -> memref<4104xf32, #tpu.memory_space<vmem>>
    %dma_wait3A_375 = arith.constant 0 : i32
    %dma_wait3A_376 = tpu.memref_slice %arg2[%dma_wait3A_375] : memref<108000xf32, #tpu.memory_space<hbm>> -> memref<4104xf32, #tpu.memory_space<hbm>>
    %dma_wait3A_377 = arith.constant 0 : i32
    %dma_wait3A_378 = tpu.memref_slice %arg7[%dma_wait3A_377] : memref<24624xf32, #tpu.memory_space<vmem>> -> memref<4104xf32, #tpu.memory_space<vmem>>
    %dma_wait3A_379 = arith.constant 0 : i32
    %dma_wait3A_380 = tpu.memref_slice %arg2[%dma_wait3A_379] : memref<108000xf32, #tpu.memory_space<hbm>> -> memref<4104xf32, #tpu.memory_space<hbm>>
    tpu.wait_dma2 semaphore(%arg9 : memref<!tpu.dma_semaphore, #tpu.memory_space<semaphore_mem>>) src(%dma_wait3A_380 : memref<4104xf32, #tpu.memory_space<hbm>>) dst(%dma_wait3A_378 : memref<4104xf32, #tpu.memory_space<vmem>>)
    %dma_wait3A_381 = arith.constant 0 : i32
    %dma_wait3A_382 = arith.constant 0 : i32
    %dma_wait3A_383 = tpu.memref_slice %arg8[%dma_wait3A_381, %dma_wait3A_382] : memref<6x4096xf32, #tpu.memory_space<vmem>> -> memref<1x4096xf32, #tpu.memory_space<vmem>>
    %dma_wait3A_384 = tpu.memref_squeeze %dma_wait3A_383 : memref<1x4096xf32, #tpu.memory_space<vmem>> -> memref<4096xf32, #tpu.memory_space<vmem>>
    %dma_wait3A_385 = arith.constant 0 : i32
    %dma_wait3A_386 = tpu.memref_slice %arg2[%dma_wait3A_385] : memref<108000xf32, #tpu.memory_space<hbm>> -> memref<4096xf32, #tpu.memory_space<hbm>>
    %dma_wait3A_387 = arith.constant 0 : i32
    %dma_wait3A_388 = tpu.memref_slice %arg8[%dma_wait3A_381, %dma_wait3A_387] : memref<6x4096xf32, #tpu.memory_space<vmem>> -> memref<1x4096xf32, #tpu.memory_space<vmem>>
    %dma_wait3A_389 = tpu.memref_squeeze %dma_wait3A_388 : memref<1x4096xf32, #tpu.memory_space<vmem>> -> memref<4096xf32, #tpu.memory_space<vmem>>
    %dma_wait3A_390 = arith.constant 0 : i32
    %dma_wait3A_391 = tpu.memref_slice %arg2[%dma_wait3A_390] : memref<108000xf32, #tpu.memory_space<hbm>> -> memref<4096xf32, #tpu.memory_space<hbm>>
    tpu.wait_dma2 semaphore(%arg10 : memref<!tpu.dma_semaphore, #tpu.memory_space<semaphore_mem>>) src(%dma_wait3A_391 : memref<4096xf32, #tpu.memory_space<hbm>>) dst(%dma_wait3A_389 : memref<4096xf32, #tpu.memory_space<vmem>>)
    %get3A_392 = arith.constant 26 : index
    %get3A_393 = tpu.vector_load %arg6[%get3A_392] {strides = array<i32>} : memref<48xi32, #tpu.memory_space<vmem>>, vector<16xi32>,
    %get3A_394 = vector.shape_cast %get3A_393 : vector<16xi32> to vector<16xi32>
    %slice3A_395 = vector.extract_strided_slice %get3A_394 {offsets = [0], sizes = [1], strides = [1]} : vector<16xi32> to vector<1xi32>
    %squeeze3A_396 = vector.extract %slice3A_395[0] : i32 from vector<1xi32>
    %and3A_397 = arith.constant -8 : i32
    %and3A_398 = arith.andi %squeeze3A_396, %and3A_397 : i32
    %sub3A_399 = arith.subi %squeeze3A_396, %and3A_398 : i32
    %add3A_400 = arith.constant 8208 : i32
    %add3A_401 = arith.addi %add3A_400, %sub3A_399 : i32
    %parallel_loop3A_402 = arith.constant 0 : i32
    %parallel_loop3A_403 = arith.constant 4096 : i32
    %parallel_loop3A_404 = arith.constant 16 : i32
    scf.for %parallel_loop3A_709 = %parallel_loop3A_402 to %parallel_loop3A_403 step %parallel_loop3A_404  : i32 {
      %parallel_loop3A_710 = arith.addi %add3A_401, %parallel_loop3A_709 : i32
      %parallel_loop3A_711 = arith.index_cast %parallel_loop3A_710 : i32 to index
      %parallel_loop3A_712 = tpu.vector_load %arg7[%parallel_loop3A_711] {strides = array<i32>} : memref<24624xf32, #tpu.memory_space<vmem>>, vector<16xf32>,
      %parallel_loop3A_713 = vector.shape_cast %parallel_loop3A_712 : vector<16xf32> to vector<16xf32>
      %parallel_loop3A_714 = arith.constant 2 : i32
      %parallel_loop3A_715 = arith.index_cast %parallel_loop3A_714 : i32 to index
      %parallel_loop3A_716 = arith.index_cast %parallel_loop3A_709 : i32 to index
      %parallel_loop3A_717 = tpu.vector_load %arg8[%parallel_loop3A_715, %parallel_loop3A_716] {strides = array<i32>} : memref<6x4096xf32, #tpu.memory_space<vmem>>, vector<1x16xf32>,
      %parallel_loop3A_718 = vector.shape_cast %parallel_loop3A_717 : vector<1x16xf32> to vector<16xf32>
      %parallel_loop3A_719 = vector.shape_cast %parallel_loop3A_713 : vector<16xf32> to vector<1x16xf32>
      tpu.vector_store %arg8[%parallel_loop3A_715, %parallel_loop3A_716], %parallel_loop3A_719 {strides = array<i32>} : memref<6x4096xf32, #tpu.memory_space<vmem>>, vector<1x16xf32>,
    } {sc.loop_unroll_factor = 16 : i64, sc.parallel_access}
    %add3A_405 = arith.constant 26 : i32
    %add3A_406 = arith.addi %mul3A_2, %add3A_405 : i32
    %mul3A_407 = arith.constant 4096 : i32
    %mul3A_408 = arith.muli %add3A_406, %mul3A_407 : i32
    %dma_start3A_409 = arith.constant 2 : i32
    %dma_start3A_410 = arith.constant 0 : i32
    %dma_start3A_411 = tpu.memref_slice %arg8[%dma_start3A_409, %dma_start3A_410] : memref<6x4096xf32, #tpu.memory_space<vmem>> -> memref<1x4096xf32, #tpu.memory_space<vmem>>
    %dma_start3A_412 = tpu.memref_squeeze %dma_start3A_411 : memref<1x4096xf32, #tpu.memory_space<vmem>> -> memref<4096xf32, #tpu.memory_space<vmem>>
    %dma_start3A_413 = tpu.memref_slice %arg4[%mul3A_408] : memref<4194304xf32, #tpu.memory_space<hbm>> -> memref<4096xf32, #tpu.memory_space<hbm>>
    %dma_start3A_414 = tpu.memref_slice %arg4[%mul3A_408] : memref<4194304xf32, #tpu.memory_space<hbm>> -> memref<4096xf32, #tpu.memory_space<hbm>>
    %dma_start3A_415 = arith.constant 0 : i32
    %dma_start3A_416 = tpu.memref_slice %arg8[%dma_start3A_409, %dma_start3A_415] : memref<6x4096xf32, #tpu.memory_space<vmem>> -> memref<1x4096xf32, #tpu.memory_space<vmem>>
    %dma_start3A_417 = tpu.memref_squeeze %dma_start3A_416 : memref<1x4096xf32, #tpu.memory_space<vmem>> -> memref<4096xf32, #tpu.memory_space<vmem>>
    tpu.enqueue_dma source(%dma_start3A_417 : memref<4096xf32, #tpu.memory_space<vmem>>) target(%dma_start3A_414 : memref<4096xf32, #tpu.memory_space<hbm>>) target_semaphore(%arg10 : memref<!tpu.dma_semaphore, #tpu.memory_space<semaphore_mem>>)
    %dma_wait3A_418 = arith.constant 0 : i32
    %dma_wait3A_419 = tpu.memref_slice %arg7[%dma_wait3A_418] : memref<24624xf32, #tpu.memory_space<vmem>> -> memref<4104xf32, #tpu.memory_space<vmem>>
    %dma_wait3A_420 = arith.constant 0 : i32
    %dma_wait3A_421 = tpu.memref_slice %arg2[%dma_wait3A_420] : memref<108000xf32, #tpu.memory_space<hbm>> -> memref<4104xf32, #tpu.memory_space<hbm>>
    %dma_wait3A_422 = arith.constant 0 : i32
    %dma_wait3A_423 = tpu.memref_slice %arg7[%dma_wait3A_422] : memref<24624xf32, #tpu.memory_space<vmem>> -> memref<4104xf32, #tpu.memory_space<vmem>>
    %dma_wait3A_424 = arith.constant 0 : i32
    %dma_wait3A_425 = tpu.memref_slice %arg2[%dma_wait3A_424] : memref<108000xf32, #tpu.memory_space<hbm>> -> memref<4104xf32, #tpu.memory_space<hbm>>
    tpu.wait_dma2 semaphore(%arg9 : memref<!tpu.dma_semaphore, #tpu.memory_space<semaphore_mem>>) src(%dma_wait3A_425 : memref<4104xf32, #tpu.memory_space<hbm>>) dst(%dma_wait3A_423 : memref<4104xf32, #tpu.memory_space<vmem>>)
    %dma_wait3A_426 = arith.constant 0 : i32
    %dma_wait3A_427 = arith.constant 0 : i32
    %dma_wait3A_428 = tpu.memref_slice %arg8[%dma_wait3A_426, %dma_wait3A_427] : memref<6x4096xf32, #tpu.memory_space<vmem>> -> memref<1x4096xf32, #tpu.memory_space<vmem>>
    %dma_wait3A_429 = tpu.memref_squeeze %dma_wait3A_428 : memref<1x4096xf32, #tpu.memory_space<vmem>> -> memref<4096xf32, #tpu.memory_space<vmem>>
    %dma_wait3A_430 = arith.constant 0 : i32
    %dma_wait3A_431 = tpu.memref_slice %arg2[%dma_wait3A_430] : memref<108000xf32, #tpu.memory_space<hbm>> -> memref<4096xf32, #tpu.memory_space<hbm>>
    %dma_wait3A_432 = arith.constant 0 : i32
    %dma_wait3A_433 = tpu.memref_slice %arg8[%dma_wait3A_426, %dma_wait3A_432] : memref<6x4096xf32, #tpu.memory_space<vmem>> -> memref<1x4096xf32, #tpu.memory_space<vmem>>
    %dma_wait3A_434 = tpu.memref_squeeze %dma_wait3A_433 : memref<1x4096xf32, #tpu.memory_space<vmem>> -> memref<4096xf32, #tpu.memory_space<vmem>>
    %dma_wait3A_435 = arith.constant 0 : i32
    %dma_wait3A_436 = tpu.memref_slice %arg2[%dma_wait3A_435] : memref<108000xf32, #tpu.memory_space<hbm>> -> memref<4096xf32, #tpu.memory_space<hbm>>
    tpu.wait_dma2 semaphore(%arg10 : memref<!tpu.dma_semaphore, #tpu.memory_space<semaphore_mem>>) src(%dma_wait3A_436 : memref<4096xf32, #tpu.memory_space<hbm>>) dst(%dma_wait3A_434 : memref<4096xf32, #tpu.memory_space<vmem>>)
    %get3A_437 = arith.constant 27 : index
    %get3A_438 = tpu.vector_load %arg6[%get3A_437] {strides = array<i32>} : memref<48xi32, #tpu.memory_space<vmem>>, vector<16xi32>,
    %get3A_439 = vector.shape_cast %get3A_438 : vector<16xi32> to vector<16xi32>
    %slice3A_440 = vector.extract_strided_slice %get3A_439 {offsets = [0], sizes = [1], strides = [1]} : vector<16xi32> to vector<1xi32>
    %squeeze3A_441 = vector.extract %slice3A_440[0] : i32 from vector<1xi32>
    %and3A_442 = arith.constant -8 : i32
    %and3A_443 = arith.andi %squeeze3A_441, %and3A_442 : i32
    %sub3A_444 = arith.subi %squeeze3A_441, %and3A_443 : i32
    %add3A_445 = arith.constant 12312 : i32
    %add3A_446 = arith.addi %add3A_445, %sub3A_444 : i32
    %parallel_loop3A_447 = arith.constant 0 : i32
    %parallel_loop3A_448 = arith.constant 4096 : i32
    %parallel_loop3A_449 = arith.constant 16 : i32
    scf.for %parallel_loop3A_709 = %parallel_loop3A_447 to %parallel_loop3A_448 step %parallel_loop3A_449  : i32 {
      %parallel_loop3A_710 = arith.addi %add3A_446, %parallel_loop3A_709 : i32
      %parallel_loop3A_711 = arith.index_cast %parallel_loop3A_710 : i32 to index
      %parallel_loop3A_712 = tpu.vector_load %arg7[%parallel_loop3A_711] {strides = array<i32>} : memref<24624xf32, #tpu.memory_space<vmem>>, vector<16xf32>,
      %parallel_loop3A_713 = vector.shape_cast %parallel_loop3A_712 : vector<16xf32> to vector<16xf32>
      %parallel_loop3A_714 = arith.constant 3 : i32
      %parallel_loop3A_715 = arith.index_cast %parallel_loop3A_714 : i32 to index
      %parallel_loop3A_716 = arith.index_cast %parallel_loop3A_709 : i32 to index
      %parallel_loop3A_717 = tpu.vector_load %arg8[%parallel_loop3A_715, %parallel_loop3A_716] {strides = array<i32>} : memref<6x4096xf32, #tpu.memory_space<vmem>>, vector<1x16xf32>,
      %parallel_loop3A_718 = vector.shape_cast %parallel_loop3A_717 : vector<1x16xf32> to vector<16xf32>
      %parallel_loop3A_719 = vector.shape_cast %parallel_loop3A_713 : vector<16xf32> to vector<1x16xf32>
      tpu.vector_store %arg8[%parallel_loop3A_715, %parallel_loop3A_716], %parallel_loop3A_719 {strides = array<i32>} : memref<6x4096xf32, #tpu.memory_space<vmem>>, vector<1x16xf32>,
    } {sc.loop_unroll_factor = 16 : i64, sc.parallel_access}
    %add3A_450 = arith.constant 27 : i32
    %add3A_451 = arith.addi %mul3A_2, %add3A_450 : i32
    %mul3A_452 = arith.constant 4096 : i32
    %mul3A_453 = arith.muli %add3A_451, %mul3A_452 : i32
    %dma_start3A_454 = arith.constant 3 : i32
    %dma_start3A_455 = arith.constant 0 : i32
    %dma_start3A_456 = tpu.memref_slice %arg8[%dma_start3A_454, %dma_start3A_455] : memref<6x4096xf32, #tpu.memory_space<vmem>> -> memref<1x4096xf32, #tpu.memory_space<vmem>>
    %dma_start3A_457 = tpu.memref_squeeze %dma_start3A_456 : memref<1x4096xf32, #tpu.memory_space<vmem>> -> memref<4096xf32, #tpu.memory_space<vmem>>
    %dma_start3A_458 = tpu.memref_slice %arg4[%mul3A_453] : memref<4194304xf32, #tpu.memory_space<hbm>> -> memref<4096xf32, #tpu.memory_space<hbm>>
    %dma_start3A_459 = tpu.memref_slice %arg4[%mul3A_453] : memref<4194304xf32, #tpu.memory_space<hbm>> -> memref<4096xf32, #tpu.memory_space<hbm>>
    %dma_start3A_460 = arith.constant 0 : i32
    %dma_start3A_461 = tpu.memref_slice %arg8[%dma_start3A_454, %dma_start3A_460] : memref<6x4096xf32, #tpu.memory_space<vmem>> -> memref<1x4096xf32, #tpu.memory_space<vmem>>
    %dma_start3A_462 = tpu.memref_squeeze %dma_start3A_461 : memref<1x4096xf32, #tpu.memory_space<vmem>> -> memref<4096xf32, #tpu.memory_space<vmem>>
    tpu.enqueue_dma source(%dma_start3A_462 : memref<4096xf32, #tpu.memory_space<vmem>>) target(%dma_start3A_459 : memref<4096xf32, #tpu.memory_space<hbm>>) target_semaphore(%arg10 : memref<!tpu.dma_semaphore, #tpu.memory_space<semaphore_mem>>)
    %dma_wait3A_463 = arith.constant 0 : i32
    %dma_wait3A_464 = tpu.memref_slice %arg7[%dma_wait3A_463] : memref<24624xf32, #tpu.memory_space<vmem>> -> memref<4104xf32, #tpu.memory_space<vmem>>
    %dma_wait3A_465 = arith.constant 0 : i32
    %dma_wait3A_466 = tpu.memref_slice %arg2[%dma_wait3A_465] : memref<108000xf32, #tpu.memory_space<hbm>> -> memref<4104xf32, #tpu.memory_space<hbm>>
    %dma_wait3A_467 = arith.constant 0 : i32
    %dma_wait3A_468 = tpu.memref_slice %arg7[%dma_wait3A_467] : memref<24624xf32, #tpu.memory_space<vmem>> -> memref<4104xf32, #tpu.memory_space<vmem>>
    %dma_wait3A_469 = arith.constant 0 : i32
    %dma_wait3A_470 = tpu.memref_slice %arg2[%dma_wait3A_469] : memref<108000xf32, #tpu.memory_space<hbm>> -> memref<4104xf32, #tpu.memory_space<hbm>>
    tpu.wait_dma2 semaphore(%arg9 : memref<!tpu.dma_semaphore, #tpu.memory_space<semaphore_mem>>) src(%dma_wait3A_470 : memref<4104xf32, #tpu.memory_space<hbm>>) dst(%dma_wait3A_468 : memref<4104xf32, #tpu.memory_space<vmem>>)
    %dma_wait3A_471 = arith.constant 0 : i32
    %dma_wait3A_472 = arith.constant 0 : i32
    %dma_wait3A_473 = tpu.memref_slice %arg8[%dma_wait3A_471, %dma_wait3A_472] : memref<6x4096xf32, #tpu.memory_space<vmem>> -> memref<1x4096xf32, #tpu.memory_space<vmem>>
    %dma_wait3A_474 = tpu.memref_squeeze %dma_wait3A_473 : memref<1x4096xf32, #tpu.memory_space<vmem>> -> memref<4096xf32, #tpu.memory_space<vmem>>
    %dma_wait3A_475 = arith.constant 0 : i32
    %dma_wait3A_476 = tpu.memref_slice %arg2[%dma_wait3A_475] : memref<108000xf32, #tpu.memory_space<hbm>> -> memref<4096xf32, #tpu.memory_space<hbm>>
    %dma_wait3A_477 = arith.constant 0 : i32
    %dma_wait3A_478 = tpu.memref_slice %arg8[%dma_wait3A_471, %dma_wait3A_477] : memref<6x4096xf32, #tpu.memory_space<vmem>> -> memref<1x4096xf32, #tpu.memory_space<vmem>>
    %dma_wait3A_479 = tpu.memref_squeeze %dma_wait3A_478 : memref<1x4096xf32, #tpu.memory_space<vmem>> -> memref<4096xf32, #tpu.memory_space<vmem>>
    %dma_wait3A_480 = arith.constant 0 : i32
    %dma_wait3A_481 = tpu.memref_slice %arg2[%dma_wait3A_480] : memref<108000xf32, #tpu.memory_space<hbm>> -> memref<4096xf32, #tpu.memory_space<hbm>>
    tpu.wait_dma2 semaphore(%arg10 : memref<!tpu.dma_semaphore, #tpu.memory_space<semaphore_mem>>) src(%dma_wait3A_481 : memref<4096xf32, #tpu.memory_space<hbm>>) dst(%dma_wait3A_479 : memref<4096xf32, #tpu.memory_space<vmem>>)
    %get3A_482 = arith.constant 28 : index
    %get3A_483 = tpu.vector_load %arg6[%get3A_482] {strides = array<i32>} : memref<48xi32, #tpu.memory_space<vmem>>, vector<16xi32>,
    %get3A_484 = vector.shape_cast %get3A_483 : vector<16xi32> to vector<16xi32>
    %slice3A_485 = vector.extract_strided_slice %get3A_484 {offsets = [0], sizes = [1], strides = [1]} : vector<16xi32> to vector<1xi32>
    %squeeze3A_486 = vector.extract %slice3A_485[0] : i32 from vector<1xi32>
    %and3A_487 = arith.constant -8 : i32
    %and3A_488 = arith.andi %squeeze3A_486, %and3A_487 : i32
    %sub3A_489 = arith.subi %squeeze3A_486, %and3A_488 : i32
    %add3A_490 = arith.constant 16416 : i32
    %add3A_491 = arith.addi %add3A_490, %sub3A_489 : i32
    %parallel_loop3A_492 = arith.constant 0 : i32
    %parallel_loop3A_493 = arith.constant 4096 : i32
    %parallel_loop3A_494 = arith.constant 16 : i32
    scf.for %parallel_loop3A_709 = %parallel_loop3A_492 to %parallel_loop3A_493 step %parallel_loop3A_494  : i32 {
      %parallel_loop3A_710 = arith.addi %add3A_491, %parallel_loop3A_709 : i32
      %parallel_loop3A_711 = arith.index_cast %parallel_loop3A_710 : i32 to index
      %parallel_loop3A_712 = tpu.vector_load %arg7[%parallel_loop3A_711] {strides = array<i32>} : memref<24624xf32, #tpu.memory_space<vmem>>, vector<16xf32>,
      %parallel_loop3A_713 = vector.shape_cast %parallel_loop3A_712 : vector<16xf32> to vector<16xf32>
      %parallel_loop3A_714 = arith.constant 4 : i32
      %parallel_loop3A_715 = arith.index_cast %parallel_loop3A_714 : i32 to index
      %parallel_loop3A_716 = arith.index_cast %parallel_loop3A_709 : i32 to index
      %parallel_loop3A_717 = tpu.vector_load %arg8[%parallel_loop3A_715, %parallel_loop3A_716] {strides = array<i32>} : memref<6x4096xf32, #tpu.memory_space<vmem>>, vector<1x16xf32>,
      %parallel_loop3A_718 = vector.shape_cast %parallel_loop3A_717 : vector<1x16xf32> to vector<16xf32>
      %parallel_loop3A_719 = vector.shape_cast %parallel_loop3A_713 : vector<16xf32> to vector<1x16xf32>
      tpu.vector_store %arg8[%parallel_loop3A_715, %parallel_loop3A_716], %parallel_loop3A_719 {strides = array<i32>} : memref<6x4096xf32, #tpu.memory_space<vmem>>, vector<1x16xf32>,
    } {sc.loop_unroll_factor = 16 : i64, sc.parallel_access}
    %add3A_495 = arith.constant 28 : i32
    %add3A_496 = arith.addi %mul3A_2, %add3A_495 : i32
    %mul3A_497 = arith.constant 4096 : i32
    %mul3A_498 = arith.muli %add3A_496, %mul3A_497 : i32
    %dma_start3A_499 = arith.constant 4 : i32
    %dma_start3A_500 = arith.constant 0 : i32
    %dma_start3A_501 = tpu.memref_slice %arg8[%dma_start3A_499, %dma_start3A_500] : memref<6x4096xf32, #tpu.memory_space<vmem>> -> memref<1x4096xf32, #tpu.memory_space<vmem>>
    %dma_start3A_502 = tpu.memref_squeeze %dma_start3A_501 : memref<1x4096xf32, #tpu.memory_space<vmem>> -> memref<4096xf32, #tpu.memory_space<vmem>>
    %dma_start3A_503 = tpu.memref_slice %arg4[%mul3A_498] : memref<4194304xf32, #tpu.memory_space<hbm>> -> memref<4096xf32, #tpu.memory_space<hbm>>
    %dma_start3A_504 = tpu.memref_slice %arg4[%mul3A_498] : memref<4194304xf32, #tpu.memory_space<hbm>> -> memref<4096xf32, #tpu.memory_space<hbm>>
    %dma_start3A_505 = arith.constant 0 : i32
    %dma_start3A_506 = tpu.memref_slice %arg8[%dma_start3A_499, %dma_start3A_505] : memref<6x4096xf32, #tpu.memory_space<vmem>> -> memref<1x4096xf32, #tpu.memory_space<vmem>>
    %dma_start3A_507 = tpu.memref_squeeze %dma_start3A_506 : memref<1x4096xf32, #tpu.memory_space<vmem>> -> memref<4096xf32, #tpu.memory_space<vmem>>
    tpu.enqueue_dma source(%dma_start3A_507 : memref<4096xf32, #tpu.memory_space<vmem>>) target(%dma_start3A_504 : memref<4096xf32, #tpu.memory_space<hbm>>) target_semaphore(%arg10 : memref<!tpu.dma_semaphore, #tpu.memory_space<semaphore_mem>>)
    %dma_wait3A_508 = arith.constant 0 : i32
    %dma_wait3A_509 = tpu.memref_slice %arg7[%dma_wait3A_508] : memref<24624xf32, #tpu.memory_space<vmem>> -> memref<4104xf32, #tpu.memory_space<vmem>>
    %dma_wait3A_510 = arith.constant 0 : i32
    %dma_wait3A_511 = tpu.memref_slice %arg2[%dma_wait3A_510] : memref<108000xf32, #tpu.memory_space<hbm>> -> memref<4104xf32, #tpu.memory_space<hbm>>
    %dma_wait3A_512 = arith.constant 0 : i32
    %dma_wait3A_513 = tpu.memref_slice %arg7[%dma_wait3A_512] : memref<24624xf32, #tpu.memory_space<vmem>> -> memref<4104xf32, #tpu.memory_space<vmem>>
    %dma_wait3A_514 = arith.constant 0 : i32
    %dma_wait3A_515 = tpu.memref_slice %arg2[%dma_wait3A_514] : memref<108000xf32, #tpu.memory_space<hbm>> -> memref<4104xf32, #tpu.memory_space<hbm>>
    tpu.wait_dma2 semaphore(%arg9 : memref<!tpu.dma_semaphore, #tpu.memory_space<semaphore_mem>>) src(%dma_wait3A_515 : memref<4104xf32, #tpu.memory_space<hbm>>) dst(%dma_wait3A_513 : memref<4104xf32, #tpu.memory_space<vmem>>)
    %dma_wait3A_516 = arith.constant 0 : i32
    %dma_wait3A_517 = arith.constant 0 : i32
    %dma_wait3A_518 = tpu.memref_slice %arg8[%dma_wait3A_516, %dma_wait3A_517] : memref<6x4096xf32, #tpu.memory_space<vmem>> -> memref<1x4096xf32, #tpu.memory_space<vmem>>
    %dma_wait3A_519 = tpu.memref_squeeze %dma_wait3A_518 : memref<1x4096xf32, #tpu.memory_space<vmem>> -> memref<4096xf32, #tpu.memory_space<vmem>>
    %dma_wait3A_520 = arith.constant 0 : i32
    %dma_wait3A_521 = tpu.memref_slice %arg2[%dma_wait3A_520] : memref<108000xf32, #tpu.memory_space<hbm>> -> memref<4096xf32, #tpu.memory_space<hbm>>
    %dma_wait3A_522 = arith.constant 0 : i32
    %dma_wait3A_523 = tpu.memref_slice %arg8[%dma_wait3A_516, %dma_wait3A_522] : memref<6x4096xf32, #tpu.memory_space<vmem>> -> memref<1x4096xf32, #tpu.memory_space<vmem>>
    %dma_wait3A_524 = tpu.memref_squeeze %dma_wait3A_523 : memref<1x4096xf32, #tpu.memory_space<vmem>> -> memref<4096xf32, #tpu.memory_space<vmem>>
    %dma_wait3A_525 = arith.constant 0 : i32
    %dma_wait3A_526 = tpu.memref_slice %arg2[%dma_wait3A_525] : memref<108000xf32, #tpu.memory_space<hbm>> -> memref<4096xf32, #tpu.memory_space<hbm>>
    tpu.wait_dma2 semaphore(%arg10 : memref<!tpu.dma_semaphore, #tpu.memory_space<semaphore_mem>>) src(%dma_wait3A_526 : memref<4096xf32, #tpu.memory_space<hbm>>) dst(%dma_wait3A_524 : memref<4096xf32, #tpu.memory_space<vmem>>)
    %get3A_527 = arith.constant 29 : index
    %get3A_528 = tpu.vector_load %arg6[%get3A_527] {strides = array<i32>} : memref<48xi32, #tpu.memory_space<vmem>>, vector<16xi32>,
    %get3A_529 = vector.shape_cast %get3A_528 : vector<16xi32> to vector<16xi32>
    %slice3A_530 = vector.extract_strided_slice %get3A_529 {offsets = [0], sizes = [1], strides = [1]} : vector<16xi32> to vector<1xi32>
    %squeeze3A_531 = vector.extract %slice3A_530[0] : i32 from vector<1xi32>
    %and3A_532 = arith.constant -8 : i32
    %and3A_533 = arith.andi %squeeze3A_531, %and3A_532 : i32
    %sub3A_534 = arith.subi %squeeze3A_531, %and3A_533 : i32
    %add3A_535 = arith.constant 20520 : i32
    %add3A_536 = arith.addi %add3A_535, %sub3A_534 : i32
    %parallel_loop3A_537 = arith.constant 0 : i32
    %parallel_loop3A_538 = arith.constant 4096 : i32
    %parallel_loop3A_539 = arith.constant 16 : i32
    scf.for %parallel_loop3A_709 = %parallel_loop3A_537 to %parallel_loop3A_538 step %parallel_loop3A_539  : i32 {
      %parallel_loop3A_710 = arith.addi %add3A_536, %parallel_loop3A_709 : i32
      %parallel_loop3A_711 = arith.index_cast %parallel_loop3A_710 : i32 to index
      %parallel_loop3A_712 = tpu.vector_load %arg7[%parallel_loop3A_711] {strides = array<i32>} : memref<24624xf32, #tpu.memory_space<vmem>>, vector<16xf32>,
      %parallel_loop3A_713 = vector.shape_cast %parallel_loop3A_712 : vector<16xf32> to vector<16xf32>
      %parallel_loop3A_714 = arith.constant 5 : i32
      %parallel_loop3A_715 = arith.index_cast %parallel_loop3A_714 : i32 to index
      %parallel_loop3A_716 = arith.index_cast %parallel_loop3A_709 : i32 to index
      %parallel_loop3A_717 = tpu.vector_load %arg8[%parallel_loop3A_715, %parallel_loop3A_716] {strides = array<i32>} : memref<6x4096xf32, #tpu.memory_space<vmem>>, vector<1x16xf32>,
      %parallel_loop3A_718 = vector.shape_cast %parallel_loop3A_717 : vector<1x16xf32> to vector<16xf32>
      %parallel_loop3A_719 = vector.shape_cast %parallel_loop3A_713 : vector<16xf32> to vector<1x16xf32>
      tpu.vector_store %arg8[%parallel_loop3A_715, %parallel_loop3A_716], %parallel_loop3A_719 {strides = array<i32>} : memref<6x4096xf32, #tpu.memory_space<vmem>>, vector<1x16xf32>,
    } {sc.loop_unroll_factor = 16 : i64, sc.parallel_access}
    %add3A_540 = arith.constant 29 : i32
    %add3A_541 = arith.addi %mul3A_2, %add3A_540 : i32
    %mul3A_542 = arith.constant 4096 : i32
    %mul3A_543 = arith.muli %add3A_541, %mul3A_542 : i32
    %dma_start3A_544 = arith.constant 5 : i32
    %dma_start3A_545 = arith.constant 0 : i32
    %dma_start3A_546 = tpu.memref_slice %arg8[%dma_start3A_544, %dma_start3A_545] : memref<6x4096xf32, #tpu.memory_space<vmem>> -> memref<1x4096xf32, #tpu.memory_space<vmem>>
    %dma_start3A_547 = tpu.memref_squeeze %dma_start3A_546 : memref<1x4096xf32, #tpu.memory_space<vmem>> -> memref<4096xf32, #tpu.memory_space<vmem>>
    %dma_start3A_548 = tpu.memref_slice %arg4[%mul3A_543] : memref<4194304xf32, #tpu.memory_space<hbm>> -> memref<4096xf32, #tpu.memory_space<hbm>>
    %dma_start3A_549 = tpu.memref_slice %arg4[%mul3A_543] : memref<4194304xf32, #tpu.memory_space<hbm>> -> memref<4096xf32, #tpu.memory_space<hbm>>
    %dma_start3A_550 = arith.constant 0 : i32
    %dma_start3A_551 = tpu.memref_slice %arg8[%dma_start3A_544, %dma_start3A_550] : memref<6x4096xf32, #tpu.memory_space<vmem>> -> memref<1x4096xf32, #tpu.memory_space<vmem>>
    %dma_start3A_552 = tpu.memref_squeeze %dma_start3A_551 : memref<1x4096xf32, #tpu.memory_space<vmem>> -> memref<4096xf32, #tpu.memory_space<vmem>>
    tpu.enqueue_dma source(%dma_start3A_552 : memref<4096xf32, #tpu.memory_space<vmem>>) target(%dma_start3A_549 : memref<4096xf32, #tpu.memory_space<hbm>>) target_semaphore(%arg10 : memref<!tpu.dma_semaphore, #tpu.memory_space<semaphore_mem>>)
    %dma_wait3A_553 = arith.constant 0 : i32
    %dma_wait3A_554 = tpu.memref_slice %arg7[%dma_wait3A_553] : memref<24624xf32, #tpu.memory_space<vmem>> -> memref<4104xf32, #tpu.memory_space<vmem>>
    %dma_wait3A_555 = arith.constant 0 : i32
    %dma_wait3A_556 = tpu.memref_slice %arg2[%dma_wait3A_555] : memref<108000xf32, #tpu.memory_space<hbm>> -> memref<4104xf32, #tpu.memory_space<hbm>>
    %dma_wait3A_557 = arith.constant 0 : i32
    %dma_wait3A_558 = tpu.memref_slice %arg7[%dma_wait3A_557] : memref<24624xf32, #tpu.memory_space<vmem>> -> memref<4104xf32, #tpu.memory_space<vmem>>
    %dma_wait3A_559 = arith.constant 0 : i32
    %dma_wait3A_560 = tpu.memref_slice %arg2[%dma_wait3A_559] : memref<108000xf32, #tpu.memory_space<hbm>> -> memref<4104xf32, #tpu.memory_space<hbm>>
    tpu.wait_dma2 semaphore(%arg9 : memref<!tpu.dma_semaphore, #tpu.memory_space<semaphore_mem>>) src(%dma_wait3A_560 : memref<4104xf32, #tpu.memory_space<hbm>>) dst(%dma_wait3A_558 : memref<4104xf32, #tpu.memory_space<vmem>>)
    %dma_wait3A_561 = arith.constant 0 : i32
    %dma_wait3A_562 = arith.constant 0 : i32
    %dma_wait3A_563 = tpu.memref_slice %arg8[%dma_wait3A_561, %dma_wait3A_562] : memref<6x4096xf32, #tpu.memory_space<vmem>> -> memref<1x4096xf32, #tpu.memory_space<vmem>>
    %dma_wait3A_564 = tpu.memref_squeeze %dma_wait3A_563 : memref<1x4096xf32, #tpu.memory_space<vmem>> -> memref<4096xf32, #tpu.memory_space<vmem>>
    %dma_wait3A_565 = arith.constant 0 : i32
    %dma_wait3A_566 = tpu.memref_slice %arg2[%dma_wait3A_565] : memref<108000xf32, #tpu.memory_space<hbm>> -> memref<4096xf32, #tpu.memory_space<hbm>>
    %dma_wait3A_567 = arith.constant 0 : i32
    %dma_wait3A_568 = tpu.memref_slice %arg8[%dma_wait3A_561, %dma_wait3A_567] : memref<6x4096xf32, #tpu.memory_space<vmem>> -> memref<1x4096xf32, #tpu.memory_space<vmem>>
    %dma_wait3A_569 = tpu.memref_squeeze %dma_wait3A_568 : memref<1x4096xf32, #tpu.memory_space<vmem>> -> memref<4096xf32, #tpu.memory_space<vmem>>
    %dma_wait3A_570 = arith.constant 0 : i32
    %dma_wait3A_571 = tpu.memref_slice %arg2[%dma_wait3A_570] : memref<108000xf32, #tpu.memory_space<hbm>> -> memref<4096xf32, #tpu.memory_space<hbm>>
    tpu.wait_dma2 semaphore(%arg10 : memref<!tpu.dma_semaphore, #tpu.memory_space<semaphore_mem>>) src(%dma_wait3A_571 : memref<4096xf32, #tpu.memory_space<hbm>>) dst(%dma_wait3A_569 : memref<4096xf32, #tpu.memory_space<vmem>>)
    %get3A_572 = arith.constant 30 : index
    %get3A_573 = tpu.vector_load %arg6[%get3A_572] {strides = array<i32>} : memref<48xi32, #tpu.memory_space<vmem>>, vector<16xi32>,
    %get3A_574 = vector.shape_cast %get3A_573 : vector<16xi32> to vector<16xi32>
    %slice3A_575 = vector.extract_strided_slice %get3A_574 {offsets = [0], sizes = [1], strides = [1]} : vector<16xi32> to vector<1xi32>
    %squeeze3A_576 = vector.extract %slice3A_575[0] : i32 from vector<1xi32>
    %and3A_577 = arith.constant -8 : i32
    %and3A_578 = arith.andi %squeeze3A_576, %and3A_577 : i32
    %sub3A_579 = arith.subi %squeeze3A_576, %and3A_578 : i32
    %add3A_580 = arith.constant 0 : i32
    %add3A_581 = arith.addi %add3A_580, %sub3A_579 : i32
    %parallel_loop3A_582 = arith.constant 0 : i32
    %parallel_loop3A_583 = arith.constant 4096 : i32
    %parallel_loop3A_584 = arith.constant 16 : i32
    scf.for %parallel_loop3A_709 = %parallel_loop3A_582 to %parallel_loop3A_583 step %parallel_loop3A_584  : i32 {
      %parallel_loop3A_710 = arith.addi %add3A_581, %parallel_loop3A_709 : i32
      %parallel_loop3A_711 = arith.index_cast %parallel_loop3A_710 : i32 to index
      %parallel_loop3A_712 = tpu.vector_load %arg7[%parallel_loop3A_711] {strides = array<i32>} : memref<24624xf32, #tpu.memory_space<vmem>>, vector<16xf32>,
      %parallel_loop3A_713 = vector.shape_cast %parallel_loop3A_712 : vector<16xf32> to vector<16xf32>
      %parallel_loop3A_714 = arith.constant 0 : i32
      %parallel_loop3A_715 = arith.index_cast %parallel_loop3A_714 : i32 to index
      %parallel_loop3A_716 = arith.index_cast %parallel_loop3A_709 : i32 to index
      %parallel_loop3A_717 = tpu.vector_load %arg8[%parallel_loop3A_715, %parallel_loop3A_716] {strides = array<i32>} : memref<6x4096xf32, #tpu.memory_space<vmem>>, vector<1x16xf32>,
      %parallel_loop3A_718 = vector.shape_cast %parallel_loop3A_717 : vector<1x16xf32> to vector<16xf32>
      %parallel_loop3A_719 = vector.shape_cast %parallel_loop3A_713 : vector<16xf32> to vector<1x16xf32>
      tpu.vector_store %arg8[%parallel_loop3A_715, %parallel_loop3A_716], %parallel_loop3A_719 {strides = array<i32>} : memref<6x4096xf32, #tpu.memory_space<vmem>>, vector<1x16xf32>,
    } {sc.loop_unroll_factor = 16 : i64, sc.parallel_access}
    %add3A_585 = arith.constant 30 : i32
    %add3A_586 = arith.addi %mul3A_2, %add3A_585 : i32
    %mul3A_587 = arith.constant 4096 : i32
    %mul3A_588 = arith.muli %add3A_586, %mul3A_587 : i32
    %dma_start3A_589 = arith.constant 0 : i32
    %dma_start3A_590 = arith.constant 0 : i32
    %dma_start3A_591 = tpu.memref_slice %arg8[%dma_start3A_589, %dma_start3A_590] : memref<6x4096xf32, #tpu.memory_space<vmem>> -> memref<1x4096xf32, #tpu.memory_space<vmem>>
    %dma_start3A_592 = tpu.memref_squeeze %dma_start3A_591 : memref<1x4096xf32, #tpu.memory_space<vmem>> -> memref<4096xf32, #tpu.memory_space<vmem>>
    %dma_start3A_593 = tpu.memref_slice %arg4[%mul3A_588] : memref<4194304xf32, #tpu.memory_space<hbm>> -> memref<4096xf32, #tpu.memory_space<hbm>>
    %dma_start3A_594 = tpu.memref_slice %arg4[%mul3A_588] : memref<4194304xf32, #tpu.memory_space<hbm>> -> memref<4096xf32, #tpu.memory_space<hbm>>
    %dma_start3A_595 = arith.constant 0 : i32
    %dma_start3A_596 = tpu.memref_slice %arg8[%dma_start3A_589, %dma_start3A_595] : memref<6x4096xf32, #tpu.memory_space<vmem>> -> memref<1x4096xf32, #tpu.memory_space<vmem>>
    %dma_start3A_597 = tpu.memref_squeeze %dma_start3A_596 : memref<1x4096xf32, #tpu.memory_space<vmem>> -> memref<4096xf32, #tpu.memory_space<vmem>>
    tpu.enqueue_dma source(%dma_start3A_597 : memref<4096xf32, #tpu.memory_space<vmem>>) target(%dma_start3A_594 : memref<4096xf32, #tpu.memory_space<hbm>>) target_semaphore(%arg10 : memref<!tpu.dma_semaphore, #tpu.memory_space<semaphore_mem>>)
    %dma_wait3A_598 = arith.constant 0 : i32
    %dma_wait3A_599 = tpu.memref_slice %arg7[%dma_wait3A_598] : memref<24624xf32, #tpu.memory_space<vmem>> -> memref<4104xf32, #tpu.memory_space<vmem>>
    %dma_wait3A_600 = arith.constant 0 : i32
    %dma_wait3A_601 = tpu.memref_slice %arg2[%dma_wait3A_600] : memref<108000xf32, #tpu.memory_space<hbm>> -> memref<4104xf32, #tpu.memory_space<hbm>>
    %dma_wait3A_602 = arith.constant 0 : i32
    %dma_wait3A_603 = tpu.memref_slice %arg7[%dma_wait3A_602] : memref<24624xf32, #tpu.memory_space<vmem>> -> memref<4104xf32, #tpu.memory_space<vmem>>
    %dma_wait3A_604 = arith.constant 0 : i32
    %dma_wait3A_605 = tpu.memref_slice %arg2[%dma_wait3A_604] : memref<108000xf32, #tpu.memory_space<hbm>> -> memref<4104xf32, #tpu.memory_space<hbm>>
    tpu.wait_dma2 semaphore(%arg9 : memref<!tpu.dma_semaphore, #tpu.memory_space<semaphore_mem>>) src(%dma_wait3A_605 : memref<4104xf32, #tpu.memory_space<hbm>>) dst(%dma_wait3A_603 : memref<4104xf32, #tpu.memory_space<vmem>>)
    %dma_wait3A_606 = arith.constant 0 : i32
    %dma_wait3A_607 = arith.constant 0 : i32
    %dma_wait3A_608 = tpu.memref_slice %arg8[%dma_wait3A_606, %dma_wait3A_607] : memref<6x4096xf32, #tpu.memory_space<vmem>> -> memref<1x4096xf32, #tpu.memory_space<vmem>>
    %dma_wait3A_609 = tpu.memref_squeeze %dma_wait3A_608 : memref<1x4096xf32, #tpu.memory_space<vmem>> -> memref<4096xf32, #tpu.memory_space<vmem>>
    %dma_wait3A_610 = arith.constant 0 : i32
    %dma_wait3A_611 = tpu.memref_slice %arg2[%dma_wait3A_610] : memref<108000xf32, #tpu.memory_space<hbm>> -> memref<4096xf32, #tpu.memory_space<hbm>>
    %dma_wait3A_612 = arith.constant 0 : i32
    %dma_wait3A_613 = tpu.memref_slice %arg8[%dma_wait3A_606, %dma_wait3A_612] : memref<6x4096xf32, #tpu.memory_space<vmem>> -> memref<1x4096xf32, #tpu.memory_space<vmem>>
    %dma_wait3A_614 = tpu.memref_squeeze %dma_wait3A_613 : memref<1x4096xf32, #tpu.memory_space<vmem>> -> memref<4096xf32, #tpu.memory_space<vmem>>
    %dma_wait3A_615 = arith.constant 0 : i32
    %dma_wait3A_616 = tpu.memref_slice %arg2[%dma_wait3A_615] : memref<108000xf32, #tpu.memory_space<hbm>> -> memref<4096xf32, #tpu.memory_space<hbm>>
    tpu.wait_dma2 semaphore(%arg10 : memref<!tpu.dma_semaphore, #tpu.memory_space<semaphore_mem>>) src(%dma_wait3A_616 : memref<4096xf32, #tpu.memory_space<hbm>>) dst(%dma_wait3A_614 : memref<4096xf32, #tpu.memory_space<vmem>>)
    %get3A_617 = arith.constant 31 : index
    %get3A_618 = tpu.vector_load %arg6[%get3A_617] {strides = array<i32>} : memref<48xi32, #tpu.memory_space<vmem>>, vector<16xi32>,
    %get3A_619 = vector.shape_cast %get3A_618 : vector<16xi32> to vector<16xi32>
    %slice3A_620 = vector.extract_strided_slice %get3A_619 {offsets = [0], sizes = [1], strides = [1]} : vector<16xi32> to vector<1xi32>
    %squeeze3A_621 = vector.extract %slice3A_620[0] : i32 from vector<1xi32>
    %and3A_622 = arith.constant -8 : i32
    %and3A_623 = arith.andi %squeeze3A_621, %and3A_622 : i32
    %sub3A_624 = arith.subi %squeeze3A_621, %and3A_623 : i32
    %add3A_625 = arith.constant 4104 : i32
    %add3A_626 = arith.addi %add3A_625, %sub3A_624 : i32
    %parallel_loop3A_627 = arith.constant 0 : i32
    %parallel_loop3A_628 = arith.constant 4096 : i32
    %parallel_loop3A_629 = arith.constant 16 : i32
    scf.for %parallel_loop3A_709 = %parallel_loop3A_627 to %parallel_loop3A_628 step %parallel_loop3A_629  : i32 {
      %parallel_loop3A_710 = arith.addi %add3A_626, %parallel_loop3A_709 : i32
      %parallel_loop3A_711 = arith.index_cast %parallel_loop3A_710 : i32 to index
      %parallel_loop3A_712 = tpu.vector_load %arg7[%parallel_loop3A_711] {strides = array<i32>} : memref<24624xf32, #tpu.memory_space<vmem>>, vector<16xf32>,
      %parallel_loop3A_713 = vector.shape_cast %parallel_loop3A_712 : vector<16xf32> to vector<16xf32>
      %parallel_loop3A_714 = arith.constant 1 : i32
      %parallel_loop3A_715 = arith.index_cast %parallel_loop3A_714 : i32 to index
      %parallel_loop3A_716 = arith.index_cast %parallel_loop3A_709 : i32 to index
      %parallel_loop3A_717 = tpu.vector_load %arg8[%parallel_loop3A_715, %parallel_loop3A_716] {strides = array<i32>} : memref<6x4096xf32, #tpu.memory_space<vmem>>, vector<1x16xf32>,
      %parallel_loop3A_718 = vector.shape_cast %parallel_loop3A_717 : vector<1x16xf32> to vector<16xf32>
      %parallel_loop3A_719 = vector.shape_cast %parallel_loop3A_713 : vector<16xf32> to vector<1x16xf32>
      tpu.vector_store %arg8[%parallel_loop3A_715, %parallel_loop3A_716], %parallel_loop3A_719 {strides = array<i32>} : memref<6x4096xf32, #tpu.memory_space<vmem>>, vector<1x16xf32>,
    } {sc.loop_unroll_factor = 16 : i64, sc.parallel_access}
    %add3A_630 = arith.constant 31 : i32
    %add3A_631 = arith.addi %mul3A_2, %add3A_630 : i32
    %mul3A_632 = arith.constant 4096 : i32
    %mul3A_633 = arith.muli %add3A_631, %mul3A_632 : i32
    %dma_start3A_634 = arith.constant 1 : i32
    %dma_start3A_635 = arith.constant 0 : i32
    %dma_start3A_636 = tpu.memref_slice %arg8[%dma_start3A_634, %dma_start3A_635] : memref<6x4096xf32, #tpu.memory_space<vmem>> -> memref<1x4096xf32, #tpu.memory_space<vmem>>
    %dma_start3A_637 = tpu.memref_squeeze %dma_start3A_636 : memref<1x4096xf32, #tpu.memory_space<vmem>> -> memref<4096xf32, #tpu.memory_space<vmem>>
    %dma_start3A_638 = tpu.memref_slice %arg4[%mul3A_633] : memref<4194304xf32, #tpu.memory_space<hbm>> -> memref<4096xf32, #tpu.memory_space<hbm>>
    %dma_start3A_639 = tpu.memref_slice %arg4[%mul3A_633] : memref<4194304xf32, #tpu.memory_space<hbm>> -> memref<4096xf32, #tpu.memory_space<hbm>>
    %dma_start3A_640 = arith.constant 0 : i32
    %dma_start3A_641 = tpu.memref_slice %arg8[%dma_start3A_634, %dma_start3A_640] : memref<6x4096xf32, #tpu.memory_space<vmem>> -> memref<1x4096xf32, #tpu.memory_space<vmem>>
    %dma_start3A_642 = tpu.memref_squeeze %dma_start3A_641 : memref<1x4096xf32, #tpu.memory_space<vmem>> -> memref<4096xf32, #tpu.memory_space<vmem>>
    tpu.enqueue_dma source(%dma_start3A_642 : memref<4096xf32, #tpu.memory_space<vmem>>) target(%dma_start3A_639 : memref<4096xf32, #tpu.memory_space<hbm>>) target_semaphore(%arg10 : memref<!tpu.dma_semaphore, #tpu.memory_space<semaphore_mem>>)
    %dma_wait3A_643 = arith.constant 0 : i32
    %dma_wait3A_644 = arith.constant 0 : i32
    %dma_wait3A_645 = tpu.memref_slice %arg8[%dma_wait3A_643, %dma_wait3A_644] : memref<6x4096xf32, #tpu.memory_space<vmem>> -> memref<1x4096xf32, #tpu.memory_space<vmem>>
    %dma_wait3A_646 = tpu.memref_squeeze %dma_wait3A_645 : memref<1x4096xf32, #tpu.memory_space<vmem>> -> memref<4096xf32, #tpu.memory_space<vmem>>
    %dma_wait3A_647 = arith.constant 0 : i32
    %dma_wait3A_648 = tpu.memref_slice %arg2[%dma_wait3A_647] : memref<108000xf32, #tpu.memory_space<hbm>> -> memref<4096xf32, #tpu.memory_space<hbm>>
    %dma_wait3A_649 = arith.constant 0 : i32
    %dma_wait3A_650 = tpu.memref_slice %arg8[%dma_wait3A_643, %dma_wait3A_649] : memref<6x4096xf32, #tpu.memory_space<vmem>> -> memref<1x4096xf32, #tpu.memory_space<vmem>>
    %dma_wait3A_651 = tpu.memref_squeeze %dma_wait3A_650 : memref<1x4096xf32, #tpu.memory_space<vmem>> -> memref<4096xf32, #tpu.memory_space<vmem>>
    %dma_wait3A_652 = arith.constant 0 : i32
    %dma_wait3A_653 = tpu.memref_slice %arg2[%dma_wait3A_652] : memref<108000xf32, #tpu.memory_space<hbm>> -> memref<4096xf32, #tpu.memory_space<hbm>>
    tpu.wait_dma2 semaphore(%arg10 : memref<!tpu.dma_semaphore, #tpu.memory_space<semaphore_mem>>) src(%dma_wait3A_653 : memref<4096xf32, #tpu.memory_space<hbm>>) dst(%dma_wait3A_651 : memref<4096xf32, #tpu.memory_space<vmem>>)
    %dma_wait3A_654 = arith.constant 0 : i32
    %dma_wait3A_655 = arith.constant 0 : i32
    %dma_wait3A_656 = tpu.memref_slice %arg8[%dma_wait3A_654, %dma_wait3A_655] : memref<6x4096xf32, #tpu.memory_space<vmem>> -> memref<1x4096xf32, #tpu.memory_space<vmem>>
    %dma_wait3A_657 = tpu.memref_squeeze %dma_wait3A_656 : memref<1x4096xf32, #tpu.memory_space<vmem>> -> memref<4096xf32, #tpu.memory_space<vmem>>
    %dma_wait3A_658 = arith.constant 0 : i32
    %dma_wait3A_659 = tpu.memref_slice %arg2[%dma_wait3A_658] : memref<108000xf32, #tpu.memory_space<hbm>> -> memref<4096xf32, #tpu.memory_space<hbm>>
    %dma_wait3A_660 = arith.constant 0 : i32
    %dma_wait3A_661 = tpu.memref_slice %arg8[%dma_wait3A_654, %dma_wait3A_660] : memref<6x4096xf32, #tpu.memory_space<vmem>> -> memref<1x4096xf32, #tpu.memory_space<vmem>>
    %dma_wait3A_662 = tpu.memref_squeeze %dma_wait3A_661 : memref<1x4096xf32, #tpu.memory_space<vmem>> -> memref<4096xf32, #tpu.memory_space<vmem>>
    %dma_wait3A_663 = arith.constant 0 : i32
    %dma_wait3A_664 = tpu.memref_slice %arg2[%dma_wait3A_663] : memref<108000xf32, #tpu.memory_space<hbm>> -> memref<4096xf32, #tpu.memory_space<hbm>>
    tpu.wait_dma2 semaphore(%arg10 : memref<!tpu.dma_semaphore, #tpu.memory_space<semaphore_mem>>) src(%dma_wait3A_664 : memref<4096xf32, #tpu.memory_space<hbm>>) dst(%dma_wait3A_662 : memref<4096xf32, #tpu.memory_space<vmem>>)
    %dma_wait3A_665 = arith.constant 0 : i32
    %dma_wait3A_666 = arith.constant 0 : i32
    %dma_wait3A_667 = tpu.memref_slice %arg8[%dma_wait3A_665, %dma_wait3A_666] : memref<6x4096xf32, #tpu.memory_space<vmem>> -> memref<1x4096xf32, #tpu.memory_space<vmem>>
    %dma_wait3A_668 = tpu.memref_squeeze %dma_wait3A_667 : memref<1x4096xf32, #tpu.memory_space<vmem>> -> memref<4096xf32, #tpu.memory_space<vmem>>
    %dma_wait3A_669 = arith.constant 0 : i32
    %dma_wait3A_670 = tpu.memref_slice %arg2[%dma_wait3A_669] : memref<108000xf32, #tpu.memory_space<hbm>> -> memref<4096xf32, #tpu.memory_space<hbm>>
    %dma_wait3A_671 = arith.constant 0 : i32
    %dma_wait3A_672 = tpu.memref_slice %arg8[%dma_wait3A_665, %dma_wait3A_671] : memref<6x4096xf32, #tpu.memory_space<vmem>> -> memref<1x4096xf32, #tpu.memory_space<vmem>>
    %dma_wait3A_673 = tpu.memref_squeeze %dma_wait3A_672 : memref<1x4096xf32, #tpu.memory_space<vmem>> -> memref<4096xf32, #tpu.memory_space<vmem>>
    %dma_wait3A_674 = arith.constant 0 : i32
    %dma_wait3A_675 = tpu.memref_slice %arg2[%dma_wait3A_674] : memref<108000xf32, #tpu.memory_space<hbm>> -> memref<4096xf32, #tpu.memory_space<hbm>>
    tpu.wait_dma2 semaphore(%arg10 : memref<!tpu.dma_semaphore, #tpu.memory_space<semaphore_mem>>) src(%dma_wait3A_675 : memref<4096xf32, #tpu.memory_space<hbm>>) dst(%dma_wait3A_673 : memref<4096xf32, #tpu.memory_space<vmem>>)
    %dma_wait3A_676 = arith.constant 0 : i32
    %dma_wait3A_677 = arith.constant 0 : i32
    %dma_wait3A_678 = tpu.memref_slice %arg8[%dma_wait3A_676, %dma_wait3A_677] : memref<6x4096xf32, #tpu.memory_space<vmem>> -> memref<1x4096xf32, #tpu.memory_space<vmem>>
    %dma_wait3A_679 = tpu.memref_squeeze %dma_wait3A_678 : memref<1x4096xf32, #tpu.memory_space<vmem>> -> memref<4096xf32, #tpu.memory_space<vmem>>
    %dma_wait3A_680 = arith.constant 0 : i32
    %dma_wait3A_681 = tpu.memref_slice %arg2[%dma_wait3A_680] : memref<108000xf32, #tpu.memory_space<hbm>> -> memref<4096xf32, #tpu.memory_space<hbm>>
    %dma_wait3A_682 = arith.constant 0 : i32
    %dma_wait3A_683 = tpu.memref_slice %arg8[%dma_wait3A_676, %dma_wait3A_682] : memref<6x4096xf32, #tpu.memory_space<vmem>> -> memref<1x4096xf32, #tpu.memory_space<vmem>>
    %dma_wait3A_684 = tpu.memref_squeeze %dma_wait3A_683 : memref<1x4096xf32, #tpu.memory_space<vmem>> -> memref<4096xf32, #tpu.memory_space<vmem>>
    %dma_wait3A_685 = arith.constant 0 : i32
    %dma_wait3A_686 = tpu.memref_slice %arg2[%dma_wait3A_685] : memref<108000xf32, #tpu.memory_space<hbm>> -> memref<4096xf32, #tpu.memory_space<hbm>>
    tpu.wait_dma2 semaphore(%arg10 : memref<!tpu.dma_semaphore, #tpu.memory_space<semaphore_mem>>) src(%dma_wait3A_686 : memref<4096xf32, #tpu.memory_space<hbm>>) dst(%dma_wait3A_684 : memref<4096xf32, #tpu.memory_space<vmem>>)
    %dma_wait3A_687 = arith.constant 0 : i32
    %dma_wait3A_688 = arith.constant 0 : i32
    %dma_wait3A_689 = tpu.memref_slice %arg8[%dma_wait3A_687, %dma_wait3A_688] : memref<6x4096xf32, #tpu.memory_space<vmem>> -> memref<1x4096xf32, #tpu.memory_space<vmem>>
    %dma_wait3A_690 = tpu.memref_squeeze %dma_wait3A_689 : memref<1x4096xf32, #tpu.memory_space<vmem>> -> memref<4096xf32, #tpu.memory_space<vmem>>
    %dma_wait3A_691 = arith.constant 0 : i32
    %dma_wait3A_692 = tpu.memref_slice %arg2[%dma_wait3A_691] : memref<108000xf32, #tpu.memory_space<hbm>> -> memref<4096xf32, #tpu.memory_space<hbm>>
    %dma_wait3A_693 = arith.constant 0 : i32
    %dma_wait3A_694 = tpu.memref_slice %arg8[%dma_wait3A_687, %dma_wait3A_693] : memref<6x4096xf32, #tpu.memory_space<vmem>> -> memref<1x4096xf32, #tpu.memory_space<vmem>>
    %dma_wait3A_695 = tpu.memref_squeeze %dma_wait3A_694 : memref<1x4096xf32, #tpu.memory_space<vmem>> -> memref<4096xf32, #tpu.memory_space<vmem>>
    %dma_wait3A_696 = arith.constant 0 : i32
    %dma_wait3A_697 = tpu.memref_slice %arg2[%dma_wait3A_696] : memref<108000xf32, #tpu.memory_space<hbm>> -> memref<4096xf32, #tpu.memory_space<hbm>>
    tpu.wait_dma2 semaphore(%arg10 : memref<!tpu.dma_semaphore, #tpu.memory_space<semaphore_mem>>) src(%dma_wait3A_697 : memref<4096xf32, #tpu.memory_space<hbm>>) dst(%dma_wait3A_695 : memref<4096xf32, #tpu.memory_space<vmem>>)
    %dma_wait3A_698 = arith.constant 0 : i32
    %dma_wait3A_699 = arith.constant 0 : i32
    %dma_wait3A_700 = tpu.memref_slice %arg8[%dma_wait3A_698, %dma_wait3A_699] : memref<6x4096xf32, #tpu.memory_space<vmem>> -> memref<1x4096xf32, #tpu.memory_space<vmem>>
    %dma_wait3A_701 = tpu.memref_squeeze %dma_wait3A_700 : memref<1x4096xf32, #tpu.memory_space<vmem>> -> memref<4096xf32, #tpu.memory_space<vmem>>
    %dma_wait3A_702 = arith.constant 0 : i32
    %dma_wait3A_703 = tpu.memref_slice %arg2[%dma_wait3A_702] : memref<108000xf32, #tpu.memory_space<hbm>> -> memref<4096xf32, #tpu.memory_space<hbm>>
    %dma_wait3A_704 = arith.constant 0 : i32
    %dma_wait3A_705 = tpu.memref_slice %arg8[%dma_wait3A_698, %dma_wait3A_704] : memref<6x4096xf32, #tpu.memory_space<vmem>> -> memref<1x4096xf32, #tpu.memory_space<vmem>>
    %dma_wait3A_706 = tpu.memref_squeeze %dma_wait3A_705 : memref<1x4096xf32, #tpu.memory_space<vmem>> -> memref<4096xf32, #tpu.memory_space<vmem>>
    %dma_wait3A_707 = arith.constant 0 : i32
    %dma_wait3A_708 = tpu.memref_slice %arg2[%dma_wait3A_707] : memref<108000xf32, #tpu.memory_space<hbm>> -> memref<4096xf32, #tpu.memory_space<hbm>>
    tpu.wait_dma2 semaphore(%arg10 : memref<!tpu.dma_semaphore, #tpu.memory_space<semaphore_mem>>) src(%dma_wait3A_708 : memref<4096xf32, #tpu.memory_space<hbm>>) dst(%dma_wait3A_706 : memref<4096xf32, #tpu.memory_space<vmem>>)
    return
  }
}

</mosaic_0001>

<sc_bundles>
// kernel: _run.3.cloned.1.call-start
scs
__scs_entry_jumppad:
0x0: {  	(pc) =	sbr.rel $0x88, $3  }
0x1: {  	(tag) =	ssettag $0x0;
	lr =	simm.s32 $0x1  }
0x2: {  	[smem:$0x3F9F] =	sst lr;
	_ =	strace $0xD0000000  }
0x3: {  	_ = 	snop  }
0x4: {  	_ = 	snop  }
0x5: {  	_ = 	snop  }
0x6: {  	_ = 	snop  }
0x7: {  	_ = 	snop  }
__scs_overlays_trampoline_lowered:
0x8: {  	[smem:$0x3FAE] =	sst s0  }
0x9: {  	[smem:$0x3FAF] =	sst s1  }
0xa: {  	[smem:$0x3FB0] =	sst s2  }
0xb: {  	[smem:$0x3FB1] =	sst s3  }
0xc: {  	[smem:$0x3FB2] =	sst s4  }
0xd: {  	[smem:$0x3FB3] =	sst s5  }
0xe: {  	[smem:$0x3FB4] =	sst s6  }
0xf: {  	[smem:$0x3FB5] =	sst s7  }
0x10: {  	[smem:$0x3FB6] =	sst s8  }
0x11: {  	[smem:$0x3FB7] =	sst s9;
	s0 =	simm.s32 @!p0 $0x0  }
0x12: {  	s1 =	sld [smem:$0x3F9D];
	s0 =	simm.s32 @p0 $0x1  }
0x13: {  	[smem:$0x3FB8] =	sst s0;
	s0 =	simm.s32 @!p1 $0x0  }
0x14: {  	s2 =	sld [smem:$0x3F9C];
	s0 =	simm.s32 @p1 $0x1  }
0x15: {  	[smem:$0x3FB9] =	sst s0;
	s0 =	simm.s32 @!p2 $0x0  }
0x16: {  	s3 =	sld [smem:$0x3FDB];
	s0 =	simm.s32 @p2 $0x1  }
0x17: {  	s4 =	simm.s32 $0x1BF5;
	[smem:$0x3FBB] =	sst s0  }
0x18: {  	s0 =	sld [smem:$0x3F9E];
	_ =	swait.ge [sflag:s4], $0x0  }
0x19: {  	s7 =	sld [smem:$0x3F9F]  }
0x1a: {  	s8 =	sadd.s32 $0xFFFFE003, lr  }
0x1b: {  	s9 =	sadd.s32 $0xFFFFFEF7, lr;
	s5 =	simm.s32 $0xFFFFFFFF;
	p2 =	slt.u32 s8, $0xFFFFF086  }
0x1c: {  	p1 =	slt.u32 s9, $0xF7A;
	s5 =	simm.s32 @!p2 $0x0  }
0x1d: {  	s5 =	simm.s32 @p1 $0x1;
	p0 =	seq.s32 s7, s2  }
0x1e: {  	s7 =	smul.u32 @!p0 $0xF7A, s2;
	p2 =	seq.s32 @!p0 s5, $0x0  }
0x1f: {  	s9 =	smul.u32 $0xF7A, s1;
	s8 =	simm.s32 @!p0 $0x1BF5;
	p2 =	por !p2, p0  }
0x20: {  	[sflag:s8] =	ssyncset.s32 @!p0 $0xFFFFF086;
	s6 =	sadd.s32 @!p0 s3, s7;
	s7 =	simm.s32 @!p0 $0x108  }
0x21: {  	s3 =	sadd.s32 s3, s9;
	s6 =	sadd.s32 @!p0 $0x88, s6;
	s7 =	simm.s32 @p2 $0x1082  }
0x22: {  	[simem:s7], [sflag:s8] =	dma.local @!p0 [hbm:s6], $0xF7A  }
0x23: {  	s9 =	sor.u32 $0xD0000000, s2;
	s6 =	simm.s32 $0x108;
	_ =	swait.ge @!p0 [sflag:s8], $0x0  }
0x24: {  	s3 =	sadd.s32 $0x88, s3;
	s6 =	simm.s32 @!p1 $0x1082;
	[sflag:s4] =	ssyncset.s32 $0xFFFFF086  }
0x25: {  	[simem:s6], [sflag:s4] =	dma.local [hbm:s3], $0xF7A  }
0x26: {  	[smem:$0x3F9F] =	sst s1;
	(tag) =	ssettag s2;
	_ =	strace s9  }
0x27: {  	s1 =	sld [smem:$0x3FAF]  }
0x28: {  	s2 =	sld [smem:$0x3FB0]  }
0x29: {  	s4 =	sld [smem:$0x3FB2]  }
0x2a: {  	p0 =	seq.s32 s5, $0x0;
	s5 =	sld [smem:$0x3FB3]  }
0x2b: {  	s6 =	sld [smem:$0x3FB4]  }
0x2c: {  	s7 =	sld [smem:$0x3FB5]  }
0x2d: {  	s3 =	simm.s32 $0x108;
	s8 =	sld [smem:$0x3FB6]  }
0x2e: {  	s3 =	simm.s32 @!p0 $0x1082;
	s9 =	sld [smem:$0x3FB7]  }
0x2f: {  	lr =	sadd.s32 s0, s3;
	s0 =	sld [smem:$0x3FAE]  }
0x30: {  	s3 =	sld [smem:$0x3FB1]  }
0x31: {  	[smem:$0x3FBA] =	sst s10  }
0x32: {  	s10 =	sld [smem:$0x3FB8];
	_ =	sdelay $0x3  }
0x33: {  	p0 =	seq.s32 s10, $0x1;
	s10 =	sld [smem:$0x3FBA];
	_ =	sdelay $0x3  }
0x34: {  	[smem:$0x3FBA] =	sst s10  }
0x35: {  	s10 =	sld [smem:$0x3FB9];
	_ =	sdelay $0x3  }
0x36: {  	p1 =	seq.s32 s10, $0x1;
	s10 =	sld [smem:$0x3FBA];
	_ =	sdelay $0x3  }
0x37: {  	[smem:$0x3FBA] =	sst s10  }
0x38: {  	s10 =	sld [smem:$0x3FBB]  }
0x39: {  	_ = 	snop;
	(pc) =	sbr.ind lr, $3  }
0x3a: {  	_ = 	snop  }
0x3b: {  	_ = 	snop  }
0x3c: {  	p2 =	seq.s32 s10, $0x1;
	s10 =	sld [smem:$0x3FBA]  }
0x3d: {  	_ =	shalt  }
0x3e: {  	_ =	shalt  }
0x3f: {  	_ =	shalt  }
0x40: {  	_ =	shalt  }
0x41: {  	_ =	shalt  }
0x42: {  	_ =	shalt  }
0x43: {  	_ =	shalt  }
0x44: {  	_ =	shalt  }
0x45: {  	_ =	shalt  }
0x46: {  	_ =	shalt  }
0x47: {  	_ =	shalt  }
0x48: {  	_ =	shalt  }
0x49: {  	_ =	shalt  }
0x4a: {  	_ =	shalt  }
0x4b: {  	_ =	shalt  }
0x4c: {  	_ =	shalt  }
0x4d: {  	_ =	shalt  }
0x4e: {  	_ =	shalt  }
0x4f: {  	_ =	shalt  }
0x50: {  	_ =	shalt  }
0x51: {  	_ =	shalt  }
0x52: {  	_ =	shalt  }
0x53: {  	_ =	shalt  }
0x54: {  	_ =	shalt  }
0x55: {  	_ =	shalt  }
0x56: {  	_ =	shalt  }
0x57: {  	_ =	shalt  }
0x58: {  	_ =	shalt  }
0x59: {  	_ =	shalt  }
0x5a: {  	_ =	shalt  }
0x5b: {  	_ =	shalt  }
0x5c: {  	_ =	shalt  }
0x5d: {  	_ =	shalt  }
0x5e: {  	_ =	shalt  }
0x5f: {  	_ =	shalt  }
0x60: {  	_ =	shalt  }
0x61: {  	_ =	shalt  }
0x62: {  	_ =	shalt  }
0x63: {  	_ =	shalt  }
0x64: {  	_ =	shalt  }
0x65: {  	_ =	shalt  }
0x66: {  	_ =	shalt  }
0x67: {  	_ =	shalt  }
0x68: {  	_ =	shalt  }
0x69: {  	_ =	shalt  }
0x6a: {  	_ =	shalt  }
0x6b: {  	_ =	shalt  }
0x6c: {  	_ =	shalt  }
0x6d: {  	_ =	shalt  }
0x6e: {  	_ =	shalt  }
0x6f: {  	_ =	shalt  }
0x70: {  	_ =	shalt  }
0x71: {  	_ =	shalt  }
0x72: {  	_ =	shalt  }
0x73: {  	_ =	shalt  }
0x74: {  	_ =	shalt  }
0x75: {  	_ =	shalt  }
0x76: {  	_ =	shalt  }
0x77: {  	_ =	shalt  }
0x78: {  	_ =	shalt  }
0x79: {  	_ =	shalt  }
0x7a: {  	_ =	shalt  }
0x7b: {  	_ =	shalt  }
0x7c: {  	_ =	shalt  }
0x7d: {  	_ =	shalt  }
0x7e: {  	_ =	shalt  }
0x7f: {  	_ =	shalt  }
0x80: {  	_ =	shalt  }
0x81: {  	_ =	shalt  }
0x82: {  	_ =	shalt  }
0x83: {  	_ =	shalt  }
0x84: {  	_ =	shalt  }
0x85: {  	_ =	shalt  }
0x86: {  	_ =	shalt  }
0x87: {  	_ =	shalt  }
.Lfunc_end0:
.L_simem_size_0:
called_computation_lowered:
.L_overlay_start_0:
0x88: {  	s2 =	sld [smem:$0x3FD9]  }
0x89: {  	s3 =	sld [smem:$0x3FFE];
	_ =	sdelay $0x1  }
0x8a: {  	s1 =	srdreg.scid  }
0x8b: {  	s0 =	sand.u32 $0x1, s1  }
0x8c: {  	s17 =	sshll.u32 s0, $0xA;
	s2 =	sadd.s32 s3, s2  }
0x8d: {  	s2 =	sadd.s32 s2, s17  }
0x8e: {  	[smem:$0x3FC6] =	sst s2  }
0x8f: {  	_ = 	snop  }
0x90: {  	s2 =	sld [smem:$0x3FC8]  }
0x91: {  	s18 =	sld [smem:$0x3FD0];
	(tm) =	ssettm $0x1  }
0x92: {  	s4 =	sld [smem:$0x3FFB];
	_ =	sdelay $0x3  }
0x93: {  	_ =	strace s4  }
0x94: {  	s4 =	sld [smem:$0x3FFC];
	_ =	sdelay $0x3  }
0x95: {  	_ =	strace s4  }
0x96: {  	s4 =	sld [smem:$0x3FFD];
	_ =	sdelay $0x3  }
0x97: {  	_ =	strace s4  }
0x98: {  	_ =	strace $0x8FFFFFFF  }
0x99: {  	s19 =	sld [smem:$0x3FDB];
	_ =	sdelay $0x1  }
0x9a: {  	s5 =	simm.s32 $_scs_section_size  }
0x9b: {  	s6 =	simm.s32 $_size__tile_overlayer_lowered;
	s7 =	simm.s32 $_tile_overlayer_lowered  }
0x9c: {  	s22 =	simm.s32 $0x1BFF;
	s21 =	sshll.u32 s7, $0x1;
	s4 =	sadd.s32 s5, s19  }
0x9d: {  	s8 =	simm.s32 $0x0;
	s20 =	sshll.u32 s6, $0x1;
	s6 =	sadd.s32 s21, s4  }
0x9e: {  	[timem:s8], [sflag:s22] =	dma.local [hbm:s6], s20  }
0x9f: {  	_ =	swait.ge [sflag:s22], s20  }
0xa0: {  	s5 =	ssub.s32 $0x0, s20;
	[sflag:s22] =	ssyncset.done $0x0  }
0xa1: {  	[sflag:s22] =	ssyncadd.s32 s5;
	_ =	sdelay $0x1  }
0xa2: {  	s23 =	simm.s32 $0x1B8B  }
0xa3: {  	_ =	swait.ge [sflag:s23], $0x1  }
0xa4: {  	[sflag:s23] =	ssyncset.done $0x0  }
0xa5: {  	s25 =	simm.s32 $0x1B8E;
	s24 =	sld [smem:$0x3FFE];
	[sflag:s23] =	ssyncadd.s32 $0xFFFFFFFF  }
0xa6: {  	s26 =	simm.s32 $execute0_lowered;
	[smem:$0x3FD2] =	sst s25  }
0xa7: {  	s6 =	sshll.u32 s26, $0x1;
	_ =	strace $0x80000046;
	[dreg:$0x1] =	wrdreg $0xFFFFFFFF  }
0xa8: {  	s28 =	simm.s32 $_size_execute0_lowered;
	s4 =	sadd.s32 s4, s6;
	[dreg:$0x0] =	wrdreg $0x0  }
0xa9: {  	s6 =	sshll.u32 s28, $0x1;
	[dreg:$0x2] =	wrdreg s4  }
0xaa: {  	[dreg:$0x3] =	wrdreg s6  }
0xab: {  	[dreg:$0x4] =	wrdreg $0xC0  }
0xac: {  	_ =	task [dreg:s8], $0x5FFFF  }
0xad: {  	[dreg:$0x1] =	wrdreg $0xFFFFFFFF  }
0xae: {  	[dreg:$0x0] =	wrdreg $0x60  }
0xaf: {  	[dreg:$0x2] =	wrdreg s24  }
0xb0: {  	[dreg:$0x3] =	wrdreg s2  }
0xb1: {  	[dreg:$0x4] =	wrdreg s18  }
0xb2: {  	[dreg:$0x5] =	wrdreg $0x0  }
0xb3: {  	[dreg:$0x6] =	wrdreg $0x9  }
0xb4: {  	_ =	task.clear_ibuf [dreg:s8], $0x7FFFF;
	_ =	strace $0x90000046  }
0xb5: {  	s29 =	simm.s32 $0x9;
	_ =	strace $0x80000048  }
0xb6: {  	_ =	swait.ge [sflag:s29], $0x1  }
0xb7: {  	[sflag:s29] =	ssyncadd.s32 $0xFFFFFFFF  }
0xb8: {  	_ =	strace $0x90000048  }
0xb9: {  	_ =	sfence  }
0xba: {  	s30 =	sld [smem:$0x0];
	_ =	sdelay $0x2  }
0xbb: {  	s31 =	sshll.u32 s1, $0xD;
	s1 =	sshrl.u32 s1, $0x2  }
0xbc: {  	s3 =	sand.u32 $0x4000, s31;
	s1 =	sadd.s32 s1, s30  }
0xbd: {  	s0 =	sor.u32 s3, s0;
	s1 =	sshll.u32 s1, $0x11  }
0xbe: {  	s0 =	sor.u32 s1, s0  }
0xbf: {  	s0 =	sadd.s32 $0x8F2B, s0  }
0xc0: {  	[sflag:s0] =	ssyncadd.remote.s32 $0x1  }
0xc1: {  	_ =	sfence.sel $0xFFFF  }
0xc2: {  	[dreg:$0x0] =	wrdreg $0xFFFFFFFF;
	(pc) =	sbr.abs _section_cstart, $3  }
0xc3: {  	[dreg:$0x1] =	wrdreg $0xFFFFFFFF  }
0xc4: {  	_ =	task.clear_ibuf [dreg:s8], $0x2FFFF;
	_ =	strace $0x9FFFFFFF  }
0xc5: {  	(tm) =	ssettm $0x7FFFFFFF  }
tec
execute0_lowered:
.L_overlay_start_1:
0x0: {  	(tag) =	ssettag $0x1  }
0x1: {  	s0 =	rddreg [dreg:$0x1]  }
0x2: {  	s1 =	rddreg [dreg:$0x2]  }
0x3: {  	s2 =	rddreg [dreg:$0x3]  }
0x4: {  	s4 =	srdreg.scid;
	s18 =	stileid.u32;
	s3 =	simm.s32 $0x0  }
0x5: {  	s19 =	simm.s32 $0x3;
	s17 =	simm.s32 $0x2AE8;
	s31 =	simm.s32 $0x4AF8  }
0x6: {  	s28 =	simm.s32 $0x1;
	s29 =	simm.s32 $0x2;
	s30 =	simm.s32 $0x0  }
0x7: {  	s4 =	sand.u32 $0x1, s4;
	s5 =	sshll.u32 s18, $0x1;
	[smem:$0x7FF] =	sst s3  }
0x8: {  	p0 =	sne.s32 s18, $0x0;
	s5 =	sor.u32 s4, s5;
	_ =	strace $0x80000047  }
0x9: {  	s6 =	ssub.s32 $0x2, s4;
	s20 =	sshrl.u32 @!p0 s2, $0x3;
	s24 =	sshll.u32 s5, $0xE  }
0xa: {  	s7 =	sshrl.u32 s6, $0x1;
	s5 =	sshll.u32 s5, $0x2;
	s4 =	sadd.s32 s1, s24  }
0xb: {  	s25 =	ssub.s32 s6, s7;
	s0 =	sadd.s32 s0, s5;
	s5 =	simm.s32 $0x1AE0  }
0xc: {  	[dreg:$0x5] =	wrdreg s0;
	s6 =	sadd.s32 $0x200, s4;
	s7 =	sadd.s32 $0x400, s4  }
0xd: {  	s8 =	sadd.s32 $0x600, s4;
	s9 =	sadd.s32 $0x800, s4;
	s10 =	sadd.s32 $0xA00, s4  }
0xe: {  	s11 =	sadd.s32 $0x3400, s4;
	s12 =	sadd.s32 $0x3600, s4;
	s13 =	sadd.s32 $0x3800, s4  }
0xf: {  	s14 =	sadd.s32 $0x3A00, s4;
	s15 =	sadd.s32 $0x3C00, s4;
	s26 =	smax.u32 s25, $0x1  }
0x10: {  	s16 =	sadd.s32 $0x3E00, s4;
	[dreg:$0x6] =	wrdreg s26;
	s26 =	simm.s32 $0x3AF0  }
.LBB2_1:
0x11: {  	s0 =	rddreg [dreg:$0x5];
	s1 =	simm.s32 $0x1A60  }
0x12: {  	[tilespmem:s1], [sflag:$0x3] =	stream.linear.gather [hbm4b:s0+s3], $0x20, $0x38;
	[tilespmem:$0xFB60] =	vst v63  }
0x13: {  	_ =	swait.ge [sflag:s19], $0x20  }
0x14: {  	[sflag:s19] =	ssyncset.done $0x0  }
0x15: {  	[sflag:s19] =	ssyncadd.s32 $0xFFFFFFE0  }
0x16: {  	s0 =	simm.s32 @!p0 $0x1C03;
	s1 =	rddreg [dreg:$0x0]  }
0x17: {  	[spmem:s20], [sflag:s0] =	dma.local @!p0 [hbm:s1], $0x34C0  }
0x18: {  	s0 =	simm.s32 @!p0 $0x3  }
0x19: {  	_ =	swait.ge @!p0 [sflag:s0], $0x34C0  }
0x1a: {  	[sflag:s0] =	ssyncset.done @!p0 $0x0  }
0x1b: {  	[sflag:s0] =	ssyncadd.s32 @!p0 $0xFFFFCB40  }
0x1c: {  	[bflag:$0x0] =	sbarrier.arrive $0xFFFF  }
0x1d: {  	v0 =	vld [tilespmem:$0x1A60];
	_ =	sdelay $0x4  }
0x1e: {  	(v2sf) =	vpush v0, $0x0;
	_ =	sdelay $0xe  }
0x1f: {  	s24 =	spop (v2sf)  }
0x20: {  	s0 =	sand.u32 $0xFFFFFFF8, s24  }
0x21: {  	s0 =	sadd.s32 s0, s2  }
0x22: {  	[tilespmem:s5], [sflag:$0x1] =	stream.linear.gather [spmem:s0], $0x1008, $0x38;
	[tilespmem:$0xFB60] =	vst v63  }
0x23: {  	v0 =	vld [tilespmem:$0x1A61];
	_ =	sdelay $0x4  }
0x24: {  	(v2sf) =	vpush v0, $0x0;
	_ =	sdelay $0xe  }
0x25: {  	s25 =	spop (v2sf)  }
0x26: {  	s0 =	sand.u32 $0xFFFFFFF8, s25  }
0x27: {  	s0 =	sadd.s32 s0, s2  }
0x28: {  	[tilespmem:s17], [sflag:$0x1] =	stream.linear.gather [spmem:s0], $0x1008, $0x38;
	[tilespmem:$0xFB60] =	vst v63  }
0x29: {  	v0 =	vld [tilespmem:$0x1A62];
	_ =	sdelay $0x4  }
0x2a: {  	(v2sf) =	vpush v0, $0x0;
	_ =	sdelay $0xe  }
0x2b: {  	s1 =	spop (v2sf)  }
0x2c: {  	s0 =	sand.u32 $0xFFFFFFF8, s1  }
0x2d: {  	s0 =	sadd.s32 s0, s2  }
0x2e: {  	[tilespmem:s26], [sflag:$0x1] =	stream.linear.gather [spmem:s0], $0x1008, $0x38;
	[tilespmem:$0xFB60] =	vst v63  }
0x2f: {  	v0 =	vld [tilespmem:$0x1A63];
	_ =	sdelay $0x4  }
0x30: {  	(v2sf) =	vpush v0, $0x0;
	_ =	sdelay $0xe  }
0x31: {  	s18 =	spop (v2sf)  }
0x32: {  	s0 =	sand.u32 $0xFFFFFFF8, s18  }
0x33: {  	s0 =	sadd.s32 s0, s2  }
0x34: {  	[tilespmem:s31], [sflag:$0x1] =	stream.linear.gather [spmem:s0], $0x1008, $0x38;
	[tilespmem:$0xFB60] =	vst v63  }
0x35: {  	v0 =	vld [tilespmem:$0x1A64];
	_ =	sdelay $0x4  }
0x36: {  	(v2sf) =	vpush v0, $0x0;
	_ =	sdelay $0xe  }
0x37: {  	s21 =	spop (v2sf)  }
0x38: {  	s0 =	sand.u32 $0xFFFFFFF8, s21  }
0x39: {  	s22 =	simm.s32 $0x5B00;
	s0 =	sadd.s32 s0, s2  }
0x3a: {  	[tilespmem:s22], [sflag:$0x1] =	stream.linear.gather [spmem:s0], $0x1008, $0x38;
	[tilespmem:$0xFB60] =	vst v63  }
0x3b: {  	v0 =	vld [tilespmem:$0x1A65];
	_ =	sdelay $0x4  }
0x3c: {  	(v2sf) =	vpush v0, $0x0;
	_ =	sdelay $0xe  }
0x3d: {  	s23 =	spop (v2sf)  }
0x3e: {  	s0 =	sand.u32 $0xFFFFFFF8, s23  }
0x3f: {  	s24 =	simm.s32 $0x6B08;
	s0 =	sadd.s32 s0, s2  }
0x40: {  	[tilespmem:s24], [sflag:$0x1] =	stream.linear.gather [spmem:s0], $0x1008, $0x38;
	[tilespmem:$0xFB60] =	vst v63  }
0x41: {  	_ =	swait.ge [sflag:s28], $0x1008  }
0x42: {  	[sflag:s28] =	ssyncset.done $0x0  }
0x43: {  	[sflag:s28] =	ssyncadd.s32 $0xFFFFEFF8  }
0x44: {  	v0 =	vld [tilespmem:$0x1A60];
	_ =	sdelay $0x4  }
0x45: {  	(v2sf) =	vpush v0, $0x0;
	_ =	sdelay $0xe  }
0x46: {  	s25 =	spop (v2sf)  }
0x47: {  	s0 =	sand.u32 $0x7, s25  }
0x48: {  	s18 =	sor.u32 $0x1B60, s0  }
0x49: {  	v0 =	vld [tilespmem:s18+$0x70]  }
0x4a: {  	v1 =	vld [tilespmem:s18+$0xFFFFFF90]  }
0x4b: {  	v2 =	vld [tilespmem:s18+$0xFFFFFFA0]  }
0x4c: {  	v3 =	vld [tilespmem:s18+$0xFFFFFFB0]  }
0x4d: {  	s0 =	simm.s32 $0x7F60;
	v4 =	vld [tilespmem:s18+$0xFFFFFFC0]  }
0x4e: {  	v5 =	vld [tilespmem:s18+$0xFFFFFFD0];
	[tilespmem:s0+$0x70] =	vst v0  }
0x4f: {  	[tilespmem:s0+$0xFFFFFC10] =	vst v1;
	v0 =	vld [tilespmem:s18+$0xFFFFFFE0]  }
0x50: {  	[tilespmem:s0+$0xFFFFFC20] =	vst v2;
	v1 =	vld [tilespmem:s18+$0xFFFFFFF0]  }
0x51: {  	[tilespmem:s0+$0xFFFFFC30] =	vst v3;
	v2 =	vld [tilespmem:s18+$0x0]  }
0x52: {  	[tilespmem:s0+$0xFFFFFC40] =	vst v4;
	v3 =	vld [tilespmem:s18+$0x10]  }
0x53: {  	[tilespmem:s0+$0xFFFFFC50] =	vst v5;
	v5 =	vld [tilespmem:s18+$0x20]  }
0x54: {  	[tilespmem:s0+$0xFFFFFC60] =	vst v0;
	v0 =	vld [tilespmem:s18+$0x30]  }
0x55: {  	[tilespmem:s0+$0xFFFFFC70] =	vst v1;
	v1 =	vld [tilespmem:s18+$0x40]  }
0x56: {  	[tilespmem:s0+$0x0] =	vst v2;
	v2 =	vld [tilespmem:s18+$0x50]  }
0x57: {  	v4 =	vld [tilespmem:s18+$0x60];
	[tilespmem:s0+$0x10] =	vst v3  }
0x58: {  	s1 =	simm.s32 $0x0;
	v3 =	vld [tilespmem:s18+$0xFFFFFF80];
	[tilespmem:s0+$0x20] =	vst v5;
	s18 =	sadd.s32 $0x100, s18  }
.LBB2_2:
0x59: {  	v5 =	vld [tilespmem:s18+$0x70];
	s1 =	sadd.s32 $0x100, s1;
	[tilespmem:s0+$0x30] =	vst v0  }
0x5a: {  	v0 =	vld [tilespmem:s18+$0xFFFFFF90];
	p1 =	slt.u32 s1, $0xF00;
	[tilespmem:s0+$0x40] =	vst v1  }
0x5b: {  	v1 =	vld [tilespmem:s18+$0xFFFFFFA0];
	[tilespmem:s0+$0x50] =	vst v2  }
0x5c: {  	v2 =	vld [tilespmem:s18+$0xFFFFFFB0];
	[tilespmem:s0+$0x60] =	vst v4  }
0x5d: {  	v4 =	vld [tilespmem:s18+$0xFFFFFFC0];
	[tilespmem:s0+$0xFFFFFC00] =	vst v3;
	s0 =	sadd.s32 $0x800, s0  }
0x5e: {  	v3 =	vld [tilespmem:s18+$0xFFFFFFD0];
	[tilespmem:s0+$0x70] =	vst v5  }
0x5f: {  	[tilespmem:s0+$0xFFFFFC10] =	vst v0;
	v0 =	vld [tilespmem:s18+$0xFFFFFFE0]  }
0x60: {  	[tilespmem:s0+$0xFFFFFC20] =	vst v1;
	v1 =	vld [tilespmem:s18+$0xFFFFFFF0]  }
0x61: {  	[tilespmem:s0+$0xFFFFFC30] =	vst v2;
	v2 =	vld [tilespmem:s18+$0x0]  }
0x62: {  	[tilespmem:s0+$0xFFFFFC40] =	vst v4;
	v4 =	vld [tilespmem:s18+$0x10]  }
0x63: {  	[tilespmem:s0+$0xFFFFFC50] =	vst v3;
	v5 =	vld [tilespmem:s18+$0x20]  }
.Ltmp0:
0x64: {  	[tilespmem:s0+$0xFFFFFC60] =	vst v0;
	v0 =	vld [tilespmem:s18+$0x30];
	(pc) =	sbr.rel @p1 .LBB2_2-.Ltmp0, $4  }
0x65: {  	[tilespmem:s0+$0xFFFFFC70] =	vst v1;
	v1 =	vld [tilespmem:s18+$0x40]  }
0x66: {  	[tilespmem:s0+$0x0] =	vst v2;
	v2 =	vld [tilespmem:s18+$0x50]  }
0x67: {  	[tilespmem:s0+$0x10] =	vst v4;
	v4 =	vld [tilespmem:s18+$0x60]  }
0x68: {  	v3 =	vld [tilespmem:s18+$0xFFFFFF80];
	[tilespmem:s0+$0x20] =	vst v5;
	s18 =	sadd.s32 $0x100, s18  }
0x69: {  	[tilespmem:s0+$0x30] =	vst v0  }
0x6a: {  	[tilespmem:s0+$0x40] =	vst v1  }
0x6b: {  	[tilespmem:s0+$0x50] =	vst v2  }
0x6c: {  	s1 =	simm.s32 $0x7B60;
	[tilespmem:s0+$0x60] =	vst v4  }
0x6d: {  	s21 =	sadd.s32 $0x0, s4;
	s18 =	simm.s32 $0x7F60;
	[tilespmem:s0+$0xFFFFFC00] =	vst v3;
	s0 =	simm.s32 $0x10  }
.LBB2_4:
0x6e: {  	[hbm4b:s21+s3] =	stream.linear.scatter [tilespmem:s1], [sflag:$0x2], $0x80, $0x38;
	[tilespmem:$0xFB60] =	vst v63  }
0x6f: {  	s21 =	smov.u32 s0;
	s1 =	smov.u32 s18;
	p1 =	sne.s32 s0, $0x1F0  }
.Ltmp1:
0x70: {  	s0 =	sadd.s32 $0x10, s0;
	(pc) =	sbr.rel @p1 .LBB2_4-.Ltmp1, $2  }
0x71: {  	_ =	sdelay $0x2  }
0x72: {  	s18 =	sadd.s32 $0x400, s18;
	s21 =	sadd.s32 s21, s4  }
0x73: {  	[hbm4b:s21+s3] =	stream.linear.scatter [tilespmem:s1], [sflag:$0x2], $0x80, $0x38;
	[tilespmem:$0xFB60] =	vst v63  }
0x74: {  	v0 =	vld [tilespmem:$0x1A66];
	_ =	sdelay $0x4  }
0x75: {  	(v2sf) =	vpush v0, $0x0;
	_ =	sdelay $0xe  }
0x76: {  	s0 =	spop (v2sf)  }
0x77: {  	s0 =	sand.u32 $0xFFFFFFF8, s0  }
0x78: {  	s0 =	sadd.s32 s0, s2  }
0x79: {  	[tilespmem:s5], [sflag:$0x1] =	stream.linear.gather [spmem:s0], $0x1008, $0x38;
	[tilespmem:$0xFB60] =	vst v63  }
0x7a: {  	_ =	swait.ge [sflag:s28], $0x1008  }
0x7b: {  	[sflag:s28] =	ssyncset.done $0x0  }
0x7c: {  	[sflag:s28] =	ssyncadd.s32 $0xFFFFEFF8  }
0x7d: {  	v0 =	vld [tilespmem:$0x1A61];
	_ =	sdelay $0x4  }
0x7e: {  	(v2sf) =	vpush v0, $0x0;
	_ =	sdelay $0xe  }
0x7f: {  	s24 =	spop (v2sf)  }
0x80: {  	s0 =	sand.u32 $0x7, s24  }
0x81: {  	s25 =	sor.u32 $0x2BD8, s0  }
0x82: {  	v0 =	vld [tilespmem:s25+$0x0]  }
0x83: {  	v1 =	vld [tilespmem:s25+$0xFFFFFF20]  }
0x84: {  	v2 =	vld [tilespmem:s25+$0xFFFFFF30]  }
0x85: {  	s1 =	simm.s32 $0x780;
	v3 =	vld [tilespmem:s25+$0xFFFFFF40]  }
0x86: {  	s18 =	sand.u32 $0x7C80, s1;
	v4 =	vld [tilespmem:s25+$0xFFFFFF50]  }
0x87: {  	s0 =	simm.s32 $0x7FE0;
	v5 =	vld [tilespmem:s25+$0xFFFFFF60];
	[tilespmem:s18+$0x7BD0] =	vst v0  }
0x88: {  	[tilespmem:s0+$0xFFFFFC10] =	vst v1;
	v0 =	vld [tilespmem:s25+$0xFFFFFF70]  }
0x89: {  	[tilespmem:s0+$0xFFFFFC20] =	vst v2;
	v1 =	vld [tilespmem:s25+$0xFFFFFF80]  }
0x8a: {  	[tilespmem:s0+$0xFFFFFC30] =	vst v3;
	v2 =	vld [tilespmem:s25+$0xFFFFFF90]  }
0x8b: {  	[tilespmem:s0+$0xFFFFFC40] =	vst v4;
	v3 =	vld [tilespmem:s25+$0xFFFFFFA0]  }
0x8c: {  	[tilespmem:s0+$0xFFFFFC50] =	vst v5;
	v5 =	vld [tilespmem:s25+$0xFFFFFFB0]  }
0x8d: {  	[tilespmem:s0+$0xFFFFFC60] =	vst v0;
	v0 =	vld [tilespmem:s25+$0xFFFFFFC0]  }
0x8e: {  	[tilespmem:s0+$0xFFFFFC70] =	vst v1;
	v1 =	vld [tilespmem:s25+$0xFFFFFFD0]  }
0x8f: {  	s22 =	simm.s32 $0x580;
	[tilespmem:s0+$0x0] =	vst v2;
	v2 =	vld [tilespmem:s25+$0xFFFFFFE0]  }
0x90: {  	s23 =	sand.u32 $0x7C80, s22;
	s24 =	simm.s32 $0x680;
	v4 =	vld [tilespmem:s25+$0xFFFFFFF0];
	[tilespmem:s0+$0x10] =	vst v3  }
0x91: {  	s22 =	sand.u32 $0x7C80, s24;
	s21 =	sadd.s32 $0x100, s25;
	s18 =	simm.s32 $0x0;
	v3 =	vld [tilespmem:s25+$0xFFFFFF10];
	[tilespmem:s0+$0x20] =	vst v5  }
.LBB2_6:
0x92: {  	v5 =	vld [tilespmem:s21+$0x0];
	s18 =	sadd.s32 $0x100, s18;
	[tilespmem:s23+$0x7B90] =	vst v0  }
0x93: {  	v0 =	vld [tilespmem:s21+$0xFFFFFF20];
	p1 =	slt.u32 s18, $0xF00;
	[tilespmem:s0+$0x40] =	vst v1  }
0x94: {  	v1 =	vld [tilespmem:s21+$0xFFFFFF30];
	[tilespmem:s22+$0x7BB0] =	vst v2  }
0x95: {  	s1 =	sadd.s32 $0x800, s1;
	v2 =	vld [tilespmem:s21+$0xFFFFFF40];
	[tilespmem:s0+$0x60] =	vst v4  }
0x96: {  	s24 =	sadd.s32 $0xFFFFFF00, s1;
	s25 =	sand.u32 $0x7C80, s1;
	s22 =	sadd.s32 $0xFFFFFE00, s1;
	v4 =	vld [tilespmem:s21+$0xFFFFFF50];
	[tilespmem:s0+$0xFFFFFC00] =	vst v3  }
0x97: {  	s23 =	sand.u32 $0x7C80, s22;
	s22 =	sand.u32 $0x7C80, s24;
	s0 =	sadd.s32 $0x800, s0;
	v3 =	vld [tilespmem:s21+$0xFFFFFF60];
	[tilespmem:s25+$0x7BD0] =	vst v5  }
0x98: {  	[tilespmem:s0+$0xFFFFFC10] =	vst v0;
	v0 =	vld [tilespmem:s21+$0xFFFFFF70]  }
0x99: {  	[tilespmem:s0+$0xFFFFFC20] =	vst v1;
	v1 =	vld [tilespmem:s21+$0xFFFFFF80]  }
0x9a: {  	[tilespmem:s0+$0xFFFFFC30] =	vst v2;
	v2 =	vld [tilespmem:s21+$0xFFFFFF90]  }
0x9b: {  	[tilespmem:s0+$0xFFFFFC40] =	vst v4;
	v4 =	vld [tilespmem:s21+$0xFFFFFFA0]  }
0x9c: {  	[tilespmem:s0+$0xFFFFFC50] =	vst v3;
	v5 =	vld [tilespmem:s21+$0xFFFFFFB0]  }
.Ltmp2:
0x9d: {  	[tilespmem:s0+$0xFFFFFC60] =	vst v0;
	v0 =	vld [tilespmem:s21+$0xFFFFFFC0];
	(pc) =	sbr.rel @p1 .LBB2_6-.Ltmp2, $4  }
0x9e: {  	[tilespmem:s0+$0xFFFFFC70] =	vst v1;
	v1 =	vld [tilespmem:s21+$0xFFFFFFD0]  }
0x9f: {  	[tilespmem:s0+$0x0] =	vst v2;
	v2 =	vld [tilespmem:s21+$0xFFFFFFE0]  }
0xa0: {  	[tilespmem:s0+$0x10] =	vst v4;
	v4 =	vld [tilespmem:s21+$0xFFFFFFF0]  }
0xa1: {  	v3 =	vld [tilespmem:s21+$0xFFFFFF10];
	[tilespmem:s0+$0x20] =	vst v5;
	s21 =	sadd.s32 $0x100, s21  }
0xa2: {  	[tilespmem:s23+$0x7B90] =	vst v0  }
0xa3: {  	[tilespmem:s0+$0x40] =	vst v1  }
0xa4: {  	[tilespmem:s22+$0x7BB0] =	vst v2  }
0xa5: {  	s1 =	simm.s32 $0x7BE0;
	[tilespmem:s0+$0x60] =	vst v4  }
0xa6: {  	s21 =	sadd.s32 $0x0, s6;
	s18 =	simm.s32 $0x7FE0;
	[tilespmem:s0+$0xFFFFFC00] =	vst v3;
	s0 =	simm.s32 $0x10  }
.LBB2_8:
0xa7: {  	[hbm4b:s21+s3] =	stream.linear.scatter [tilespmem:s1], [sflag:$0x2], $0x80, $0x38;
	[tilespmem:$0xFB60] =	vst v63  }
0xa8: {  	s21 =	smov.u32 s0;
	s1 =	smov.u32 s18;
	p1 =	sne.s32 s0, $0x1F0  }
.Ltmp3:
0xa9: {  	s0 =	sadd.s32 $0x10, s0;
	(pc) =	sbr.rel @p1 .LBB2_8-.Ltmp3, $2  }
0xaa: {  	_ =	sdelay $0x2  }
0xab: {  	s18 =	sadd.s32 $0x400, s18;
	s21 =	sadd.s32 s21, s6  }
0xac: {  	[hbm4b:s21+s3] =	stream.linear.scatter [tilespmem:s1], [sflag:$0x2], $0x80, $0x38;
	[tilespmem:$0xFB60] =	vst v63  }
0xad: {  	v0 =	vld [tilespmem:$0x1A67];
	_ =	sdelay $0x4  }
0xae: {  	(v2sf) =	vpush v0, $0x0;
	_ =	sdelay $0xe  }
0xaf: {  	s0 =	spop (v2sf)  }
0xb0: {  	s0 =	sand.u32 $0xFFFFFFF8, s0  }
0xb1: {  	s0 =	sadd.s32 s0, s2  }
0xb2: {  	[tilespmem:s17], [sflag:$0x1] =	stream.linear.gather [spmem:s0], $0x1008, $0x38;
	[tilespmem:$0xFB60] =	vst v63  }
0xb3: {  	_ =	swait.ge [sflag:s28], $0x1008  }
0xb4: {  	[sflag:s28] =	ssyncset.done $0x0  }
0xb5: {  	[sflag:s28] =	ssyncadd.s32 $0xFFFFEFF8  }
0xb6: {  	v0 =	vld [tilespmem:$0x1A62];
	_ =	sdelay $0x4  }
0xb7: {  	(v2sf) =	vpush v0, $0x0;
	_ =	sdelay $0xe  }
0xb8: {  	s23 =	spop (v2sf)  }
0xb9: {  	s0 =	sand.u32 $0x7, s23  }
0xba: {  	s0 =	sor.u32 $0x3BE0, s0  }
0xbb: {  	v0 =	vld [tilespmem:s0+$0x0]  }
0xbc: {  	v1 =	vld [tilespmem:s0+$0xFFFFFF20]  }
0xbd: {  	v2 =	vld [tilespmem:s0+$0xFFFFFF30]  }
0xbe: {  	v3 =	vld [tilespmem:s0+$0xFFFFFF40]  }
0xbf: {  	s24 =	simm.s32 $0x8060;
	v4 =	vld [tilespmem:s0+$0xFFFFFF50]  }
0xc0: {  	v5 =	vld [tilespmem:s0+$0xFFFFFF60];
	s25 =	sadd.s32 $0x100, s0;
	[tilespmem:s24+$0x70] =	vst v0  }
0xc1: {  	v6 =	vld [tilespmem:s25+$0xFFFFFFA0];
	[tilespmem:s24+$0xFFFFFC10] =	vst v1  }
0xc2: {  	v0 =	vld [tilespmem:s0+$0xFFFFFF70];
	[tilespmem:s24+$0xFFFFFC20] =	vst v2  }
0xc3: {  	v1 =	vld [tilespmem:s0+$0xFFFFFF80];
	[tilespmem:s24+$0xFFFFFC30] =	vst v3  }
0xc4: {  	v2 =	vld [tilespmem:s0+$0xFFFFFF90];
	[tilespmem:s24+$0xFFFFFC40] =	vst v4  }
0xc5: {  	s1 =	simm.s32 $0x8860;
	v3 =	vld [tilespmem:s0+$0xFFFFFFA0];
	[tilespmem:s24+$0xFFFFFC50] =	vst v5  }
0xc6: {  	v4 =	vld [tilespmem:s0+$0xFFFFFFB0];
	[tilespmem:s1+$0x10] =	vst v6  }
0xc7: {  	v5 =	vld [tilespmem:s0+$0xFFFFFF10];
	[tilespmem:s24+$0xFFFFFC60] =	vst v0  }
0xc8: {  	v0 =	vld [tilespmem:s0+$0xFFFFFFC0];
	[tilespmem:s24+$0xFFFFFC70] =	vst v1  }
0xc9: {  	[tilespmem:s24+$0x0] =	vst v2;
	v2 =	vld [tilespmem:s0+$0xFFFFFFE0]  }
0xca: {  	v1 =	vld [tilespmem:s0+$0xFFFFFFD0];
	[tilespmem:s24+$0x10] =	vst v3  }
0xcb: {  	v3 =	vld [tilespmem:s0+$0xFFFFFFF0];
	[tilespmem:s24+$0x20] =	vst v4  }
0xcc: {  	v4 =	vld [tilespmem:s25+$0x0];
	[tilespmem:s24+$0xFFFFFC00] =	vst v5  }
0xcd: {  	v5 =	vld [tilespmem:s25+$0xFFFFFF60];
	[tilespmem:s24+$0x30] =	vst v0  }
0xce: {  	s0 =	simm.s32 $0x700;
	[tilespmem:s24+$0x50] =	vst v2;
	v2 =	vld [tilespmem:s25+$0xFFFFFF40]  }
0xcf: {  	s18 =	sand.u32 $0x7D00, s0;
	[tilespmem:s24+$0x40] =	vst v1;
	v1 =	vld [tilespmem:s25+$0xFFFFFF30]  }
0xd0: {  	v0 =	vld [tilespmem:s25+$0xFFFFFF20];
	[tilespmem:s18+$0x7BC0] =	vst v3  }
0xd1: {  	v3 =	vld [tilespmem:s25+$0xFFFFFF50];
	[tilespmem:s1+$0x70] =	vst v4  }
0xd2: {  	[tilespmem:s1+$0xFFFFFC50] =	vst v5;
	v5 =	vld [tilespmem:s25+$0xFFFFFFB0]  }
0xd3: {  	[tilespmem:s1+$0xFFFFFC30] =	vst v2;
	v2 =	vld [tilespmem:s25+$0xFFFFFF90]  }
0xd4: {  	[tilespmem:s1+$0xFFFFFC20] =	vst v1;
	v1 =	vld [tilespmem:s25+$0xFFFFFF80]  }
0xd5: {  	[tilespmem:s1+$0xFFFFFC10] =	vst v0;
	v0 =	vld [tilespmem:s25+$0xFFFFFF70]  }
0xd6: {  	[tilespmem:s1+$0xFFFFFC40] =	vst v3;
	v3 =	vld [tilespmem:s25+$0xFFFFFFC0]  }
0xd7: {  	v4 =	vld [tilespmem:s25+$0xFFFFFFD0];
	[tilespmem:s1+$0x20] =	vst v5  }
0xd8: {  	[tilespmem:s1+$0x0] =	vst v2;
	v2 =	vld [tilespmem:s25+$0xFFFFFFE0]  }
0xd9: {  	[tilespmem:s1+$0xFFFFFC70] =	vst v1;
	v1 =	vld [tilespmem:s25+$0xFFFFFFF0]  }
0xda: {  	s21 =	sadd.s32 $0x100, s25;
	s18 =	simm.s32 $0x100;
	[tilespmem:s1+$0xFFFFFC60] =	vst v0;
	v0 =	vld [tilespmem:s25+$0xFFFFFF10]  }
.LBB2_10:
0xdb: {  	v5 =	vld [tilespmem:s21+$0x0];
	s18 =	sadd.s32 $0x100, s18;
	[tilespmem:s1+$0x30] =	vst v3  }
0xdc: {  	s0 =	sadd.s32 $0x800, s0;
	v3 =	vld [tilespmem:s21+$0xFFFFFF20];
	p1 =	slt.u32 s18, $0xF00;
	[tilespmem:s1+$0x40] =	vst v4  }
0xdd: {  	s22 =	sand.u32 $0x7D00, s0;
	v4 =	vld [tilespmem:s21+$0xFFFFFF30];
	[tilespmem:s1+$0x50] =	vst v2  }
0xde: {  	v2 =	vld [tilespmem:s21+$0xFFFFFF40];
	[tilespmem:s22+$0x7BC0] =	vst v1  }
0xdf: {  	v1 =	vld [tilespmem:s21+$0xFFFFFF50];
	[tilespmem:s1+$0xFFFFFC00] =	vst v0;
	s1 =	sadd.s32 $0x800, s1  }
0xe0: {  	v0 =	vld [tilespmem:s21+$0xFFFFFF60];
	[tilespmem:s1+$0x70] =	vst v5  }
0xe1: {  	[tilespmem:s1+$0xFFFFFC10] =	vst v3;
	v3 =	vld [tilespmem:s21+$0xFFFFFF70]  }
0xe2: {  	[tilespmem:s1+$0xFFFFFC20] =	vst v4;
	v4 =	vld [tilespmem:s21+$0xFFFFFF80]  }
0xe3: {  	[tilespmem:s1+$0xFFFFFC30] =	vst v2;
	v2 =	vld [tilespmem:s21+$0xFFFFFF90]  }
0xe4: {  	[tilespmem:s1+$0xFFFFFC40] =	vst v1;
	v1 =	vld [tilespmem:s21+$0xFFFFFFA0]  }
0xe5: {  	[tilespmem:s1+$0xFFFFFC50] =	vst v0;
	v5 =	vld [tilespmem:s21+$0xFFFFFFB0]  }
.Ltmp4:
0xe6: {  	[tilespmem:s1+$0xFFFFFC60] =	vst v3;
	v3 =	vld [tilespmem:s21+$0xFFFFFFC0];
	(pc) =	sbr.rel @p1 .LBB2_10-.Ltmp4, $4  }
0xe7: {  	[tilespmem:s1+$0xFFFFFC70] =	vst v4;
	v4 =	vld [tilespmem:s21+$0xFFFFFFD0]  }
0xe8: {  	[tilespmem:s1+$0x0] =	vst v2;
	v2 =	vld [tilespmem:s21+$0xFFFFFFE0]  }
0xe9: {  	[tilespmem:s1+$0x10] =	vst v1;
	v1 =	vld [tilespmem:s21+$0xFFFFFFF0]  }
0xea: {  	v0 =	vld [tilespmem:s21+$0xFFFFFF10];
	[tilespmem:s1+$0x20] =	vst v5;
	s21 =	sadd.s32 $0x100, s21  }
0xeb: {  	[tilespmem:s1+$0x30] =	vst v3  }
0xec: {  	s0 =	sadd.s32 $0x800, s0;
	[tilespmem:s1+$0x40] =	vst v4  }
0xed: {  	s0 =	sand.u32 $0x7D00, s0;
	[tilespmem:s1+$0x50] =	vst v2  }
0xee: {  	s21 =	sadd.s32 $0x0, s7;
	[tilespmem:s0+$0x7BC0] =	vst v1  }
0xef: {  	s18 =	simm.s32 $0x8060;
	s0 =	simm.s32 $0x7C60;
	[tilespmem:s1+$0xFFFFFC00] =	vst v0;
	s1 =	simm.s32 $0x10  }
.LBB2_12:
0xf0: {  	[hbm4b:s21+s3] =	stream.linear.scatter [tilespmem:s0], [sflag:$0x2], $0x80, $0x38;
	[tilespmem:$0xFB60] =	vst v63  }
0xf1: {  	s21 =	smov.u32 s1;
	s0 =	smov.u32 s18;
	p1 =	sne.s32 s1, $0x1F0  }
.Ltmp5:
0xf2: {  	s1 =	sadd.s32 $0x10, s1;
	(pc) =	sbr.rel @p1 .LBB2_12-.Ltmp5, $2  }
0xf3: {  	_ =	sdelay $0x2  }
0xf4: {  	s18 =	sadd.s32 $0x400, s18;
	s21 =	sadd.s32 s21, s7  }
0xf5: {  	[hbm4b:s21+s3] =	stream.linear.scatter [tilespmem:s0], [sflag:$0x2], $0x80, $0x38;
	[tilespmem:$0xFB60] =	vst v63  }
0xf6: {  	v0 =	vld [tilespmem:$0x1A68];
	_ =	sdelay $0x4  }
0xf7: {  	(v2sf) =	vpush v0, $0x0;
	_ =	sdelay $0xe  }
0xf8: {  	s24 =	spop (v2sf)  }
0xf9: {  	s0 =	sand.u32 $0xFFFFFFF8, s24  }
0xfa: {  	s0 =	sadd.s32 s0, s2  }
0xfb: {  	[tilespmem:s26], [sflag:$0x1] =	stream.linear.gather [spmem:s0], $0x1008, $0x38;
	[tilespmem:$0xFB60] =	vst v63  }
0xfc: {  	_ =	swait.ge [sflag:s28], $0x1008  }
0xfd: {  	[sflag:s28] =	ssyncset.done $0x0  }
0xfe: {  	[sflag:s28] =	ssyncadd.s32 $0xFFFFEFF8  }
0xff: {  	v0 =	vld [tilespmem:$0x1A63];
	_ =	sdelay $0x4  }
0x100: {  	(v2sf) =	vpush v0, $0x0;
	_ =	sdelay $0xe  }
0x101: {  	s25 =	spop (v2sf)  }
0x102: {  	s0 =	sand.u32 $0x7, s25  }
0x103: {  	s26 =	sor.u32 $0x4BE8, s0  }
0x104: {  	v0 =	vld [tilespmem:s26+$0x0]  }
0x105: {  	v1 =	vld [tilespmem:s26+$0xFFFFFF20]  }
0x106: {  	v2 =	vld [tilespmem:s26+$0xFFFFFF30]  }
0x107: {  	v3 =	vld [tilespmem:s26+$0xFFFFFF40]  }
0x108: {  	s0 =	simm.s32 $0x80E0;
	v4 =	vld [tilespmem:s26+$0xFFFFFF50]  }
0x109: {  	v5 =	vld [tilespmem:s26+$0xFFFFFF60];
	[tilespmem:s0+$0x70] =	vst v0  }
0x10a: {  	[tilespmem:s0+$0xFFFFFC10] =	vst v1;
	v0 =	vld [tilespmem:s26+$0xFFFFFF70]  }
0x10b: {  	[tilespmem:s0+$0xFFFFFC20] =	vst v2;
	v1 =	vld [tilespmem:s26+$0xFFFFFF80]  }
0x10c: {  	[tilespmem:s0+$0xFFFFFC30] =	vst v3;
	v2 =	vld [tilespmem:s26+$0xFFFFFF90]  }
0x10d: {  	[tilespmem:s0+$0xFFFFFC40] =	vst v4;
	v3 =	vld [tilespmem:s26+$0xFFFFFFA0]  }
0x10e: {  	[tilespmem:s0+$0xFFFFFC50] =	vst v5;
	v5 =	vld [tilespmem:s26+$0xFFFFFFB0]  }
0x10f: {  	[tilespmem:s0+$0xFFFFFC60] =	vst v0;
	v0 =	vld [tilespmem:s26+$0xFFFFFFC0]  }
0x110: {  	s1 =	simm.s32 $0x480;
	[tilespmem:s0+$0xFFFFFC70] =	vst v1;
	v1 =	vld [tilespmem:s26+$0xFFFFFFD0]  }
0x111: {  	s22 =	simm.s32 $0x500;
	s18 =	sor.u32 $0x190, s1;
	[tilespmem:s0+$0x0] =	vst v2;
	v2 =	vld [tilespmem:s26+$0xFFFFFFE0]  }
0x112: {  	s22 =	sor.u32 $0x1A0, s22;
	v4 =	vld [tilespmem:s26+$0xFFFFFFF0];
	[tilespmem:s18+$0x7B60] =	vst v3  }
0x113: {  	s21 =	sadd.s32 $0x100, s26;
	s18 =	simm.s32 $0x0;
	v3 =	vld [tilespmem:s26+$0xFFFFFF10];
	[tilespmem:s22+$0x7B60] =	vst v5  }
.LBB2_14:
0x114: {  	v5 =	vld [tilespmem:s21+$0x0];
	s18 =	sadd.s32 $0x100, s18;
	[tilespmem:s0+$0x30] =	vst v0  }
0x115: {  	v0 =	vld [tilespmem:s21+$0xFFFFFF20];
	p1 =	slt.u32 s18, $0xF00;
	[tilespmem:s0+$0x40] =	vst v1  }
0x116: {  	v1 =	vld [tilespmem:s21+$0xFFFFFF30];
	[tilespmem:s0+$0x50] =	vst v2  }
0x117: {  	v2 =	vld [tilespmem:s21+$0xFFFFFF40];
	[tilespmem:s0+$0x60] =	vst v4  }
0x118: {  	v4 =	vld [tilespmem:s21+$0xFFFFFF50];
	[tilespmem:s0+$0xFFFFFC00] =	vst v3;
	s0 =	sadd.s32 $0x800, s0  }
0x119: {  	v3 =	vld [tilespmem:s21+$0xFFFFFF60];
	[tilespmem:s0+$0x70] =	vst v5  }
0x11a: {  	[tilespmem:s0+$0xFFFFFC10] =	vst v0;
	v0 =	vld [tilespmem:s21+$0xFFFFFF70]  }
0x11b: {  	[tilespmem:s0+$0xFFFFFC20] =	vst v1;
	v1 =	vld [tilespmem:s21+$0xFFFFFF80]  }
0x11c: {  	[tilespmem:s0+$0xFFFFFC30] =	vst v2;
	v2 =	vld [tilespmem:s21+$0xFFFFFF90]  }
0x11d: {  	[tilespmem:s0+$0xFFFFFC40] =	vst v4;
	v4 =	vld [tilespmem:s21+$0xFFFFFFA0]  }
0x11e: {  	[tilespmem:s0+$0xFFFFFC50] =	vst v3;
	v5 =	vld [tilespmem:s21+$0xFFFFFFB0]  }
.Ltmp6:
0x11f: {  	[tilespmem:s0+$0xFFFFFC60] =	vst v0;
	v0 =	vld [tilespmem:s21+$0xFFFFFFC0];
	(pc) =	sbr.rel @p1 .LBB2_14-.Ltmp6, $4  }
0x120: {  	s1 =	sadd.s32 $0x800, s1;
	[tilespmem:s0+$0xFFFFFC70] =	vst v1;
	v1 =	vld [tilespmem:s21+$0xFFFFFFD0]  }
0x121: {  	s22 =	sor.u32 $0x190, s1;
	s23 =	sadd.s32 $0x80, s1;
	[tilespmem:s0+$0x0] =	vst v2;
	v2 =	vld [tilespmem:s21+$0xFFFFFFE0]  }
0x122: {  	[tilespmem:s22+$0x7B60] =	vst v4;
	s22 =	sor.u32 $0x1A0, s23;
	v4 =	vld [tilespmem:s21+$0xFFFFFFF0]  }
0x123: {  	v3 =	vld [tilespmem:s21+$0xFFFFFF10];
	[tilespmem:s22+$0x7B60] =	vst v5;
	s21 =	sadd.s32 $0x100, s21  }
0x124: {  	[tilespmem:s0+$0x30] =	vst v0  }
0x125: {  	[tilespmem:s0+$0x40] =	vst v1  }
0x126: {  	[tilespmem:s0+$0x50] =	vst v2  }
0x127: {  	s1 =	simm.s32 $0x7CE0;
	[tilespmem:s0+$0x60] =	vst v4  }
0x128: {  	s21 =	sadd.s32 $0x0, s8;
	s18 =	simm.s32 $0x80E0;
	[tilespmem:s0+$0xFFFFFC00] =	vst v3;
	s0 =	simm.s32 $0x10  }
.LBB2_16:
0x129: {  	[hbm4b:s21+s3] =	stream.linear.scatter [tilespmem:s1], [sflag:$0x2], $0x80, $0x38;
	[tilespmem:$0xFB60] =	vst v63  }
0x12a: {  	s21 =	smov.u32 s0;
	s1 =	smov.u32 s18;
	p1 =	sne.s32 s0, $0x1F0  }
.Ltmp7:
0x12b: {  	s0 =	sadd.s32 $0x10, s0;
	(pc) =	sbr.rel @p1 .LBB2_16-.Ltmp7, $2  }
0x12c: {  	_ =	sdelay $0x2  }
0x12d: {  	s18 =	sadd.s32 $0x400, s18;
	s21 =	sadd.s32 s21, s8  }
0x12e: {  	[hbm4b:s21+s3] =	stream.linear.scatter [tilespmem:s1], [sflag:$0x2], $0x80, $0x38;
	[tilespmem:$0xFB60] =	vst v63  }
0x12f: {  	v0 =	vld [tilespmem:$0x1A69];
	_ =	sdelay $0x4  }
0x130: {  	(v2sf) =	vpush v0, $0x0;
	_ =	sdelay $0xe  }
0x131: {  	s0 =	spop (v2sf)  }
0x132: {  	s0 =	sand.u32 $0xFFFFFFF8, s0  }
0x133: {  	s0 =	sadd.s32 s0, s2  }
0x134: {  	[tilespmem:s31], [sflag:$0x1] =	stream.linear.gather [spmem:s0], $0x1008, $0x38;
	[tilespmem:$0xFB60] =	vst v63  }
0x135: {  	_ =	swait.ge [sflag:s28], $0x1008  }
0x136: {  	[sflag:s28] =	ssyncset.done $0x0  }
0x137: {  	[sflag:s28] =	ssyncadd.s32 $0xFFFFEFF8  }
0x138: {  	v0 =	vld [tilespmem:$0x1A64];
	_ =	sdelay $0x4  }
0x139: {  	(v2sf) =	vpush v0, $0x0;
	_ =	sdelay $0xe  }
0x13a: {  	s31 =	spop (v2sf)  }
0x13b: {  	s0 =	sand.u32 $0x7, s31  }
0x13c: {  	s18 =	sor.u32 $0x5BF0, s0  }
0x13d: {  	v0 =	vld [tilespmem:s18+$0x0]  }
0x13e: {  	v1 =	vld [tilespmem:s18+$0xFFFFFF20]  }
0x13f: {  	v2 =	vld [tilespmem:s18+$0xFFFFFF30]  }
0x140: {  	v3 =	vld [tilespmem:s18+$0xFFFFFF40]  }
0x141: {  	s0 =	simm.s32 $0x8160;
	v4 =	vld [tilespmem:s18+$0xFFFFFF50]  }
0x142: {  	v5 =	vld [tilespmem:s18+$0xFFFFFF60];
	[tilespmem:s0+$0x70] =	vst v0  }
0x143: {  	[tilespmem:s0+$0xFFFFFC10] =	vst v1;
	v0 =	vld [tilespmem:s18+$0xFFFFFF70]  }
0x144: {  	[tilespmem:s0+$0xFFFFFC20] =	vst v2;
	v1 =	vld [tilespmem:s18+$0xFFFFFF80]  }
0x145: {  	[tilespmem:s0+$0xFFFFFC30] =	vst v3;
	v2 =	vld [tilespmem:s18+$0xFFFFFF90]  }
0x146: {  	[tilespmem:s0+$0xFFFFFC40] =	vst v4;
	v3 =	vld [tilespmem:s18+$0xFFFFFFA0]  }
0x147: {  	[tilespmem:s0+$0xFFFFFC50] =	vst v5;
	v5 =	vld [tilespmem:s18+$0xFFFFFFB0]  }
0x148: {  	[tilespmem:s0+$0xFFFFFC60] =	vst v0;
	v0 =	vld [tilespmem:s18+$0xFFFFFFC0]  }
0x149: {  	[tilespmem:s0+$0xFFFFFC70] =	vst v1;
	v1 =	vld [tilespmem:s18+$0xFFFFFFD0]  }
0x14a: {  	[tilespmem:s0+$0x0] =	vst v2;
	v2 =	vld [tilespmem:s18+$0xFFFFFFE0]  }
0x14b: {  	v4 =	vld [tilespmem:s18+$0xFFFFFFF0];
	[tilespmem:s0+$0x10] =	vst v3  }
0x14c: {  	s1 =	simm.s32 $0x0;
	v3 =	vld [tilespmem:s18+$0xFFFFFF10];
	[tilespmem:s0+$0x20] =	vst v5;
	s18 =	sadd.s32 $0x100, s18  }
.LBB2_18:
0x14d: {  	v5 =	vld [tilespmem:s18+$0x0];
	s1 =	sadd.s32 $0x100, s1;
	[tilespmem:s0+$0x30] =	vst v0  }
0x14e: {  	v0 =	vld [tilespmem:s18+$0xFFFFFF20];
	p1 =	slt.u32 s1, $0xF00;
	[tilespmem:s0+$0x40] =	vst v1  }
0x14f: {  	v1 =	vld [tilespmem:s18+$0xFFFFFF30];
	[tilespmem:s0+$0x50] =	vst v2  }
0x150: {  	v2 =	vld [tilespmem:s18+$0xFFFFFF40];
	[tilespmem:s0+$0x60] =	vst v4  }
0x151: {  	v4 =	vld [tilespmem:s18+$0xFFFFFF50];
	[tilespmem:s0+$0xFFFFFC00] =	vst v3;
	s0 =	sadd.s32 $0x800, s0  }
0x152: {  	v3 =	vld [tilespmem:s18+$0xFFFFFF60];
	[tilespmem:s0+$0x70] =	vst v5  }
0x153: {  	[tilespmem:s0+$0xFFFFFC10] =	vst v0;
	v0 =	vld [tilespmem:s18+$0xFFFFFF70]  }
0x154: {  	[tilespmem:s0+$0xFFFFFC20] =	vst v1;
	v1 =	vld [tilespmem:s18+$0xFFFFFF80]  }
0x155: {  	[tilespmem:s0+$0xFFFFFC30] =	vst v2;
	v2 =	vld [tilespmem:s18+$0xFFFFFF90]  }
0x156: {  	[tilespmem:s0+$0xFFFFFC40] =	vst v4;
	v4 =	vld [tilespmem:s18+$0xFFFFFFA0]  }
0x157: {  	[tilespmem:s0+$0xFFFFFC50] =	vst v3;
	v5 =	vld [tilespmem:s18+$0xFFFFFFB0]  }
.Ltmp8:
0x158: {  	[tilespmem:s0+$0xFFFFFC60] =	vst v0;
	v0 =	vld [tilespmem:s18+$0xFFFFFFC0];
	(pc) =	sbr.rel @p1 .LBB2_18-.Ltmp8, $4  }
0x159: {  	[tilespmem:s0+$0xFFFFFC70] =	vst v1;
	v1 =	vld [tilespmem:s18+$0xFFFFFFD0]  }
0x15a: {  	[tilespmem:s0+$0x0] =	vst v2;
	v2 =	vld [tilespmem:s18+$0xFFFFFFE0]  }
0x15b: {  	[tilespmem:s0+$0x10] =	vst v4;
	v4 =	vld [tilespmem:s18+$0xFFFFFFF0]  }
0x15c: {  	v3 =	vld [tilespmem:s18+$0xFFFFFF10];
	[tilespmem:s0+$0x20] =	vst v5;
	s18 =	sadd.s32 $0x100, s18  }
0x15d: {  	[tilespmem:s0+$0x30] =	vst v0  }
0x15e: {  	[tilespmem:s0+$0x40] =	vst v1  }
0x15f: {  	[tilespmem:s0+$0x50] =	vst v2  }
0x160: {  	s1 =	simm.s32 $0x7D60;
	[tilespmem:s0+$0x60] =	vst v4  }
0x161: {  	s21 =	sadd.s32 $0x0, s9;
	s18 =	simm.s32 $0x8160;
	[tilespmem:s0+$0xFFFFFC00] =	vst v3;
	s0 =	simm.s32 $0x10  }
.LBB2_20:
0x162: {  	[hbm4b:s21+s3] =	stream.linear.scatter [tilespmem:s1], [sflag:$0x2], $0x80, $0x38;
	[tilespmem:$0xFB60] =	vst v63  }
0x163: {  	s21 =	smov.u32 s0;
	s1 =	smov.u32 s18;
	p1 =	sne.s32 s0, $0x1F0  }
.Ltmp9:
0x164: {  	s0 =	sadd.s32 $0x10, s0;
	(pc) =	sbr.rel @p1 .LBB2_20-.Ltmp9, $2  }
0x165: {  	_ =	sdelay $0x2  }
0x166: {  	s18 =	sadd.s32 $0x400, s18;
	s21 =	sadd.s32 s21, s9  }
0x167: {  	[hbm4b:s21+s3] =	stream.linear.scatter [tilespmem:s1], [sflag:$0x2], $0x80, $0x38;
	[tilespmem:$0xFB60] =	vst v63  }
0x168: {  	v0 =	vld [tilespmem:$0x1A6A];
	_ =	sdelay $0x4  }
0x169: {  	(v2sf) =	vpush v0, $0x0;
	_ =	sdelay $0xe  }
0x16a: {  	s0 =	spop (v2sf)  }
0x16b: {  	s0 =	sand.u32 $0xFFFFFFF8, s0  }
0x16c: {  	s24 =	simm.s32 $0x5B00;
	s0 =	sadd.s32 s0, s2  }
0x16d: {  	[tilespmem:s24], [sflag:$0x1] =	stream.linear.gather [spmem:s0], $0x1008, $0x38;
	[tilespmem:$0xFB60] =	vst v63  }
0x16e: {  	_ =	swait.ge [sflag:s28], $0x1008  }
0x16f: {  	[sflag:s28] =	ssyncset.done $0x0  }
0x170: {  	[sflag:s28] =	ssyncadd.s32 $0xFFFFEFF8  }
0x171: {  	v0 =	vld [tilespmem:$0x1A65];
	_ =	sdelay $0x4  }
0x172: {  	(v2sf) =	vpush v0, $0x0;
	_ =	sdelay $0xe  }
0x173: {  	s25 =	spop (v2sf)  }
0x174: {  	s0 =	sand.u32 $0x7, s25  }
0x175: {  	s26 =	sor.u32 $0x6BF8, s0  }
0x176: {  	v0 =	vld [tilespmem:s26+$0x0]  }
0x177: {  	v1 =	vld [tilespmem:s26+$0xFFFFFF20]  }
0x178: {  	v2 =	vld [tilespmem:s26+$0xFFFFFF30]  }
0x179: {  	s1 =	simm.s32 $0x780;
	v3 =	vld [tilespmem:s26+$0xFFFFFF40]  }
0x17a: {  	s18 =	sand.u32 $0x7E80, s1;
	v4 =	vld [tilespmem:s26+$0xFFFFFF50]  }
0x17b: {  	s0 =	simm.s32 $0x81E0;
	v5 =	vld [tilespmem:s26+$0xFFFFFF60];
	[tilespmem:s18+$0x7BD0] =	vst v0  }
0x17c: {  	[tilespmem:s0+$0xFFFFFC10] =	vst v1;
	v0 =	vld [tilespmem:s26+$0xFFFFFF70]  }
0x17d: {  	[tilespmem:s0+$0xFFFFFC20] =	vst v2;
	v1 =	vld [tilespmem:s26+$0xFFFFFF80]  }
0x17e: {  	[tilespmem:s0+$0xFFFFFC30] =	vst v3;
	v2 =	vld [tilespmem:s26+$0xFFFFFF90]  }
0x17f: {  	[tilespmem:s0+$0xFFFFFC40] =	vst v4;
	v4 =	vld [tilespmem:s26+$0xFFFFFFA0]  }
0x180: {  	[tilespmem:s0+$0xFFFFFC50] =	vst v5;
	v5 =	vld [tilespmem:s26+$0xFFFFFFB0]  }
0x181: {  	[tilespmem:s0+$0xFFFFFC60] =	vst v0;
	v0 =	vld [tilespmem:s26+$0xFFFFFFC0]  }
0x182: {  	s31 =	simm.s32 $0x480;
	[tilespmem:s0+$0xFFFFFC70] =	vst v1;
	v1 =	vld [tilespmem:s26+$0xFFFFFFD0]  }
0x183: {  	s18 =	sor.u32 $0x290, s31;
	v3 =	vld [tilespmem:s26+$0xFFFFFFE0];
	[tilespmem:s0+$0x0] =	vst v2  }
0x184: {  	s22 =	simm.s32 $0x600;
	[tilespmem:s18+$0x7B60] =	vst v4;
	v4 =	vld [tilespmem:s26+$0xFFFFFFF0]  }
0x185: {  	s22 =	sor.u32 $0x2C0, s22;
	s21 =	sadd.s32 $0x100, s26;
	s18 =	simm.s32 $0x0;
	v2 =	vld [tilespmem:s26+$0xFFFFFF10];
	[tilespmem:s0+$0x20] =	vst v5  }
.LBB2_22:
0x186: {  	v5 =	vld [tilespmem:s21+$0x0];
	s18 =	sadd.s32 $0x100, s18;
	[tilespmem:s0+$0x30] =	vst v0  }
0x187: {  	v0 =	vld [tilespmem:s21+$0xFFFFFF20];
	p1 =	slt.u32 s18, $0xF00;
	[tilespmem:s22+$0x7B60] =	vst v1  }
0x188: {  	v1 =	vld [tilespmem:s21+$0xFFFFFF30];
	[tilespmem:s0+$0x50] =	vst v3  }
0x189: {  	s1 =	sadd.s32 $0x800, s1;
	v3 =	vld [tilespmem:s21+$0xFFFFFF40];
	[tilespmem:s0+$0x60] =	vst v4  }
0x18a: {  	s22 =	sadd.s32 $0xFFFFFD00, s1;
	s23 =	sadd.s32 $0xFFFFFE80, s1;
	s24 =	sand.u32 $0x7E80, s1;
	v4 =	vld [tilespmem:s21+$0xFFFFFF50];
	[tilespmem:s0+$0xFFFFFC00] =	vst v2  }
0x18b: {  	s25 =	sor.u32 $0x290, s22;
	s22 =	sor.u32 $0x2C0, s23;
	s0 =	sadd.s32 $0x800, s0;
	v2 =	vld [tilespmem:s21+$0xFFFFFF60];
	[tilespmem:s24+$0x7BD0] =	vst v5  }
0x18c: {  	[tilespmem:s0+$0xFFFFFC10] =	vst v0;
	v0 =	vld [tilespmem:s21+$0xFFFFFF70]  }
0x18d: {  	[tilespmem:s0+$0xFFFFFC20] =	vst v1;
	v1 =	vld [tilespmem:s21+$0xFFFFFF80]  }
0x18e: {  	[tilespmem:s0+$0xFFFFFC30] =	vst v3;
	v3 =	vld [tilespmem:s21+$0xFFFFFF90]  }
0x18f: {  	[tilespmem:s0+$0xFFFFFC40] =	vst v4;
	v4 =	vld [tilespmem:s21+$0xFFFFFFA0]  }
0x190: {  	[tilespmem:s0+$0xFFFFFC50] =	vst v2;
	v5 =	vld [tilespmem:s21+$0xFFFFFFB0]  }
.Ltmp10:
0x191: {  	[tilespmem:s0+$0xFFFFFC60] =	vst v0;
	v0 =	vld [tilespmem:s21+$0xFFFFFFC0];
	(pc) =	sbr.rel @p1 .LBB2_22-.Ltmp10, $4  }
0x192: {  	[tilespmem:s0+$0xFFFFFC70] =	vst v1;
	v1 =	vld [tilespmem:s21+$0xFFFFFFD0]  }
0x193: {  	[tilespmem:s0+$0x0] =	vst v3;
	v3 =	vld [tilespmem:s21+$0xFFFFFFE0]  }
0x194: {  	[tilespmem:s25+$0x7B60] =	vst v4;
	v4 =	vld [tilespmem:s21+$0xFFFFFFF0]  }
0x195: {  	v2 =	vld [tilespmem:s21+$0xFFFFFF10];
	[tilespmem:s0+$0x20] =	vst v5;
	s21 =	sadd.s32 $0x100, s21  }
0x196: {  	[tilespmem:s0+$0x30] =	vst v0  }
0x197: {  	[tilespmem:s22+$0x7B60] =	vst v1  }
0x198: {  	[tilespmem:s0+$0x50] =	vst v3  }
0x199: {  	s1 =	simm.s32 $0x7DE0;
	[tilespmem:s0+$0x60] =	vst v4  }
0x19a: {  	s21 =	sadd.s32 $0x0, s10;
	s18 =	simm.s32 $0x81E0;
	[tilespmem:s0+$0xFFFFFC00] =	vst v2;
	s0 =	simm.s32 $0x10  }
.LBB2_24:
0x19b: {  	[hbm4b:s21+s3] =	stream.linear.scatter [tilespmem:s1], [sflag:$0x2], $0x80, $0x38;
	[tilespmem:$0xFB60] =	vst v63  }
0x19c: {  	s21 =	smov.u32 s0;
	s1 =	smov.u32 s18;
	p1 =	sne.s32 s0, $0x1F0  }
.Ltmp11:
0x19d: {  	s0 =	sadd.s32 $0x10, s0;
	(pc) =	sbr.rel @p1 .LBB2_24-.Ltmp11, $2  }
0x19e: {  	_ =	sdelay $0x2  }
0x19f: {  	s18 =	sadd.s32 $0x400, s18;
	s21 =	sadd.s32 s21, s10  }
0x1a0: {  	[hbm4b:s21+s3] =	stream.linear.scatter [tilespmem:s1], [sflag:$0x2], $0x80, $0x38;
	[tilespmem:$0xFB60] =	vst v63  }
0x1a1: {  	v0 =	vld [tilespmem:$0x1A6B];
	_ =	sdelay $0x4  }
0x1a2: {  	(v2sf) =	vpush v0, $0x0;
	_ =	sdelay $0xe  }
0x1a3: {  	s26 =	simm.s32 $0x6B08;
	s31 =	simm.s32 $0x6;
	s0 =	spop (v2sf)  }
0x1a4: {  	s25 =	simm.s32 $0x82D0;
	s1 =	simm.s32 $0x0;
	s0 =	sand.u32 $0xFFFFFFF8, s0  }
0x1a5: {  	s18 =	simm.s32 $0x6030;
	s21 =	simm.s32 $0x7E60;
	s0 =	sadd.s32 s0, s2  }
0x1a6: {  	[tilespmem:s26], [sflag:$0x1] =	stream.linear.gather [spmem:s0], $0x1008, $0x38;
	[tilespmem:$0xFB60] =	vst v63  }
.LBB2_26:
0x1a7: {  	_ =	swait.ge [sflag:s28], $0x1008  }
0x1a8: {  	[sflag:s28] =	ssyncset.done $0x0  }
0x1a9: {  	[sflag:s28] =	ssyncadd.s32 $0xFFFFEFF8  }
0x1aa: {  	_ =	swait.ge [sflag:s29], $0x1000  }
0x1ab: {  	[sflag:s29] =	ssyncset.done $0x0  }
0x1ac: {  	[sflag:s29] =	ssyncadd.s32 $0xFFFFF000  }
0x1ad: {  	v0 =	vld [tilespmem:s31+$0x1A60];
	_ =	sdelay $0x4  }
0x1ae: {  	(v2sf) =	vpush v0, $0x0;
	_ =	sdelay $0x7  }
0x1af: {  	s0 =	smul.u32 $0xAB, s31;
	_ =	sdelay $0x1  }
0x1b0: {  	s0 =	sshrl.u32 s0, $0xA  }
0x1b1: {  	s0 =	sand.u32 $0x3F, s0  }
0x1b2: {  	s0 =	smul.u32 $0x6, s0;
	_ =	sdelay $0x1  }
0x1b3: {  	s23 =	smulhi.u32 $0xAAAAAAAB, s31;
	s0 =	ssub.s32 s31, s0  }
0x1b4: {  	s0 =	smul.u32 $0x1008, s0;
	s22 =	spop (v2sf)  }
0x1b5: {  	s22 =	sand.u32 $0x7, s22  }
0x1b6: {  	s24 =	sshrl.u32 s23, $0x2;
	s0 =	sor.u32 s0, s22  }
0x1b7: {  	s26 =	smul.u32 $0x6030, s24;
	s0 =	sand.u32 $0x7F, s0  }
0x1b8: {  	s22 =	sadd.s32 s22, s18;
	s0 =	sadd.s32 $0x1AE0, s0  }
0x1b9: {  	s23 =	ssub.s32 s1, s26;
	v0 =	vmov s0;
	s0 =	ssub.s32 s22, s26  }
0x1ba: {  	s24 =	smul.u32 $0xFFFFF400, s24;
	s5 =	sadd.s32 $0xFFFFFF00, s23;
	s0 =	sshll.u32 s0, $0x2  }
0x1bb: {  	s17 =	sadd.s32 $0x61B0, s5;
	s0 =	sshra.s32 s0, $0x2  }
0x1bc: {  	s22 =	sadd.s32 $0x6130, s5;
	s5 =	sshra.s32 s24, $0x2;
	s24 =	sadd.s32 $0x1B70, s0  }
0x1bd: {  	v4 =	vld [tilespmem:s24+$0xFFFFFF80]  }
0x1be: {  	v1 =	vmov s5;
	v6 =	vld [tilespmem:s24+$0xFFFFFF90]  }
0x1bf: {  	v8 =	vld [tilespmem:s24+$0xFFFFFFA0]  }
0x1c0: {  	v9 =	vld [tilespmem:s24+$0xFFFFFFB0]  }
0x1c1: {  	s22 =	sand.u32 $0xFF80, s22;
	v10 =	vld [tilespmem:s24+$0xFFFFFFC0]  }
0x1c2: {  	s26 =	sand.u32 $0xFF80, s17;
	v3 =	vld.idx.msk [tilespmem:v0+s22+$0x0 ss:$0x1], $0xffff  }
0x1c3: {  	v2 =	vld.idx.msk [tilespmem:v0+s26+$0x0 ss:$0x1], $0xffff;
	[tilespmem:v1+s25+$0xFFFFFBA0 ss:$0x1] =	vst.idx.msk $0xffff, v4  }
0x1c4: {  	v7 =	vld [tilespmem:s24+$0xFFFFFFD0];
	[tilespmem:v1+s25+$0xFFFFFBB0 ss:$0x1] =	vst.idx.msk $0xffff, v6  }
0x1c5: {  	v5 =	vld [tilespmem:s24+$0xFFFFFFE0];
	[tilespmem:v1+s25+$0xFFFFFBC0 ss:$0x1] =	vst.idx.msk $0xffff, v8  }
0x1c6: {  	[tilespmem:v1+s25+$0xFFFFFBD0 ss:$0x1] =	vst.idx.msk $0xffff, v9;
	v4 =	vld [tilespmem:s24+$0x20]  }
0x1c7: {  	[tilespmem:v1+s25+$0xFFFFFB90 ss:$0x1] =	vst.idx.msk $0xffff, v3;
	v3 =	vld [tilespmem:s24+$0x0]  }
0x1c8: {  	[tilespmem:v1+s25+$0xFFFFFF90 ss:$0x1] =	vst.idx.msk $0xffff, v2;
	v2 =	vld [tilespmem:s24+$0x10]  }
0x1c9: {  	s0 =	smov.u32 s25;
	s22 =	sadd.s32 s5, s21;
	s26 =	simm.s32 $0x0;
	[tilespmem:v1+s25+$0xFFFFFBE0 ss:$0x1] =	vst.idx.msk $0xffff, v10;
	v6 =	vld [tilespmem:s24+$0x30]  }
.LBB2_27:
0x1ca: {  	s5 =	sadd.s32 s26, s23;
	s26 =	sadd.s32 $0x100, s26;
	[tilespmem:v1+s0+$0xFFFFFBF0 ss:$0x1] =	vst.idx.msk $0xffff, v7;
	v7 =	vld [tilespmem:s24+$0x40]  }
0x1cb: {  	s17 =	sadd.s32 $0x6130, s5;
	s5 =	sadd.s32 $0x61B0, s5;
	p1 =	slt.u32 s26, $0xF00;
	[tilespmem:v1+s0+$0xFFFFFC00 ss:$0x1] =	vst.idx.msk $0xffff, v5;
	v5 =	vld [tilespmem:s24+$0x50]  }
0x1cc: {  	s17 =	sand.u32 $0xFF80, s17;
	s5 =	sand.u32 $0xFF80, s5;
	[tilespmem:v1+s0+$0xFFFFFFA0 ss:$0x1] =	vst.idx.msk $0xffff, v3;
	v3 =	vld [tilespmem:s24+$0x60]  }
0x1cd: {  	v8 =	vld.idx.msk [tilespmem:v0+s5+$0x0 ss:$0x1], $0xffff;
	[tilespmem:v1+s0+$0xFFFFFFB0 ss:$0x1] =	vst.idx.msk $0xffff, v2  }
0x1ce: {  	s24 =	sadd.s32 $0x100, s24;
	v2 =	vld.idx.msk [tilespmem:v0+s17+$0x0 ss:$0x1], $0xffff;
	[tilespmem:v1+s0+$0xFFFFFFC0 ss:$0x1] =	vst.idx.msk $0xffff, v4  }
0x1cf: {  	v4 =	vld [tilespmem:s24+$0xFFFFFF80];
	[tilespmem:v1+s0+$0xFFFFFFD0 ss:$0x1] =	vst.idx.msk $0xffff, v6  }
0x1d0: {  	v6 =	vld [tilespmem:s24+$0xFFFFFF90];
	[tilespmem:v1+s0+$0xFFFFFFE0 ss:$0x1] =	vst.idx.msk $0xffff, v7  }
0x1d1: {  	v9 =	vld [tilespmem:s24+$0xFFFFFFA0];
	[tilespmem:v1+s0+$0xFFFFFFF0 ss:$0x1] =	vst.idx.msk $0xffff, v5  }
0x1d2: {  	v10 =	vld [tilespmem:s24+$0xFFFFFFB0];
	[tilespmem:v1+s0+$0x0 ss:$0x1] =	vst.idx.msk $0xffff, v3;
	s0 =	sadd.s32 $0x800, s0  }
0x1d3: {  	v11 =	vld [tilespmem:s24+$0xFFFFFFC0];
	[tilespmem:v1+s0+$0xFFFFFF90 ss:$0x1] =	vst.idx.msk $0xffff, v8  }
0x1d4: {  	[tilespmem:v1+s0+$0xFFFFFB90 ss:$0x1] =	vst.idx.msk $0xffff, v2;
	v7 =	vld [tilespmem:s24+$0xFFFFFFD0]  }
.Ltmp12:
0x1d5: {  	[tilespmem:v1+s0+$0xFFFFFBA0 ss:$0x1] =	vst.idx.msk $0xffff, v4;
	v5 =	vld [tilespmem:s24+$0xFFFFFFE0];
	(pc) =	sbr.rel @p1 .LBB2_27-.Ltmp12, $4  }
0x1d6: {  	[tilespmem:v1+s0+$0xFFFFFBB0 ss:$0x1] =	vst.idx.msk $0xffff, v6;
	v3 =	vld [tilespmem:s24+$0x0]  }
0x1d7: {  	[tilespmem:v1+s0+$0xFFFFFBC0 ss:$0x1] =	vst.idx.msk $0xffff, v9;
	v2 =	vld [tilespmem:s24+$0x10]  }
0x1d8: {  	[tilespmem:v1+s0+$0xFFFFFBD0 ss:$0x1] =	vst.idx.msk $0xffff, v10;
	v4 =	vld [tilespmem:s24+$0x20]  }
0x1d9: {  	[tilespmem:v1+s0+$0xFFFFFBE0 ss:$0x1] =	vst.idx.msk $0xffff, v11;
	v6 =	vld [tilespmem:s24+$0x30]  }
0x1da: {  	_ =	sdelay $0x3  }
0x1db: {  	[tilespmem:v1+s0+$0xFFFFFBF0 ss:$0x1] =	vst.idx.msk $0xffff, v7  }
0x1dc: {  	v0 =	vld [tilespmem:s24+$0x40];
	[tilespmem:v1+s0+$0xFFFFFC00 ss:$0x1] =	vst.idx.msk $0xffff, v5  }
0x1dd: {  	v62 =	vld [tilespmem:s24+$0x50];
	[tilespmem:v1+s0+$0xFFFFFFA0 ss:$0x1] =	vst.idx.msk $0xffff, v3  }
0x1de: {  	v63 =	vld [tilespmem:s24+$0x60];
	[tilespmem:v1+s0+$0xFFFFFFB0 ss:$0x1] =	vst.idx.msk $0xffff, v2  }
0x1df: {  	[tilespmem:v1+s0+$0xFFFFFFC0 ss:$0x1] =	vst.idx.msk $0xffff, v4  }
0x1e0: {  	[tilespmem:v1+s0+$0xFFFFFFD0 ss:$0x1] =	vst.idx.msk $0xffff, v6  }
0x1e1: {  	s5 =	sshll.u32 s31, $0x9;
	[tilespmem:v1+s0+$0xFFFFFFE0 ss:$0x1] =	vst.idx.msk $0xffff, v0  }
0x1e2: {  	s23 =	sadd.s32 s5, s4;
	[tilespmem:v1+s0+$0xFFFFFFF0 ss:$0x1] =	vst.idx.msk $0xffff, v62  }
0x1e3: {  	s24 =	sadd.s32 $0x400, s22;
	s26 =	sadd.s32 $0x0, s23;
	[tilespmem:v1+s0+$0x0 ss:$0x1] =	vst.idx.msk $0xffff, v63;
	s0 =	simm.s32 $0x10  }
.LBB2_29:
0x1e4: {  	[hbm4b:s26+s3] =	stream.linear.scatter [tilespmem:s22], [sflag:$0x2], $0x80, $0x38;
	[tilespmem:$0xFB60] =	vst v63  }
0x1e5: {  	s5 =	smov.u32 s0;
	s22 =	smov.u32 s24;
	p1 =	sne.s32 s0, $0x1F0  }
.Ltmp13:
0x1e6: {  	s0 =	sadd.s32 $0x10, s0;
	(pc) =	sbr.rel @p1 .LBB2_29-.Ltmp13, $2  }
0x1e7: {  	_ =	sdelay $0x2  }
0x1e8: {  	s24 =	sadd.s32 $0x400, s24;
	s26 =	sadd.s32 s5, s23  }
0x1e9: {  	[hbm4b:s26+s3] =	stream.linear.scatter [tilespmem:s22], [sflag:$0x2], $0x80, $0x38;
	[tilespmem:$0xFB60] =	vst v63  }
0x1ea: {  	v0 =	vld [tilespmem:s31+$0x1A66];
	_ =	sdelay $0x4  }
0x1eb: {  	(v2sf) =	vpush v0, $0x0;
	_ =	sdelay $0x5  }
0x1ec: {  	s0 =	sadd.s32 $0x6, s31  }
0x1ed: {  	s5 =	smulhi.u32 $0xAAAAAAAB, s0;
	_ =	sdelay $0x1  }
0x1ee: {  	s5 =	sshrl.u32 s5, $0x2  }
0x1ef: {  	s5 =	smul.u32 $0x6, s5;
	_ =	sdelay $0x1  }
0x1f0: {  	s31 =	sadd.s32 $0x1, s31;
	s0 =	ssub.s32 s0, s5  }
0x1f1: {  	p1 =	sne.s32 s31, $0x1A;
	s0 =	smul.u32 $0x4020, s0  }
.Ltmp14:
0x1f2: {  	_ = 	snop;
	(pc) =	sbr.rel @p1 .LBB2_26-.Ltmp14, $4  }
0x1f3: {  	s25 =	sadd.s32 $0x80, s25;
	s1 =	sadd.s32 $0x1008, s1;
	s26 =	spop (v2sf)  }
0x1f4: {  	s18 =	sadd.s32 $0x1008, s18;
	s0 =	sshrl.u32 s0, $0x2;
	s5 =	sand.u32 $0xFFFFFFF8, s26  }
0x1f5: {  	s21 =	sadd.s32 $0x80, s21;
	s0 =	sadd.s32 $0x1AE0, s0;
	s5 =	sadd.s32 s5, s2  }
0x1f6: {  	[tilespmem:s0], [sflag:$0x1] =	stream.linear.gather [spmem:s5], $0x1008, $0x38;
	[tilespmem:$0xFB60] =	vst v63  }
0x1f7: {  	_ =	swait.ge [sflag:s28], $0x1008  }
0x1f8: {  	[sflag:s28] =	ssyncset.done $0x0  }
0x1f9: {  	[sflag:s28] =	ssyncadd.s32 $0xFFFFEFF8  }
0x1fa: {  	_ =	swait.ge [sflag:s29], $0x1000  }
0x1fb: {  	[sflag:s29] =	ssyncset.done $0x0  }
0x1fc: {  	[sflag:s29] =	ssyncadd.s32 $0xFFFFF000  }
0x1fd: {  	v0 =	vld [tilespmem:$0x1A7A];
	_ =	sdelay $0x4  }
0x1fe: {  	(v2sf) =	vpush v0, $0x0;
	_ =	sdelay $0xe  }
0x1ff: {  	s0 =	spop (v2sf)  }
0x200: {  	s0 =	sand.u32 $0x7, s0  }
0x201: {  	s0 =	sor.u32 $0x3BE0, s0  }
0x202: {  	v0 =	vld [tilespmem:s0+$0x0]  }
0x203: {  	v1 =	vld [tilespmem:s0+$0xFFFFFF20]  }
0x204: {  	v2 =	vld [tilespmem:s0+$0xFFFFFF30]  }
0x205: {  	v3 =	vld [tilespmem:s0+$0xFFFFFF40]  }
0x206: {  	s1 =	simm.s32 $0x8060;
	v4 =	vld [tilespmem:s0+$0xFFFFFF50]  }
0x207: {  	v5 =	vld [tilespmem:s0+$0xFFFFFF60];
	[tilespmem:s1+$0x70] =	vst v0  }
0x208: {  	[tilespmem:s1+$0xFFFFFC10] =	vst v1;
	v0 =	vld [tilespmem:s0+$0xFFFFFF70]  }
0x209: {  	[tilespmem:s1+$0xFFFFFC20] =	vst v2;
	v1 =	vld [tilespmem:s0+$0xFFFFFF80]  }
0x20a: {  	[tilespmem:s1+$0xFFFFFC30] =	vst v3;
	v2 =	vld [tilespmem:s0+$0xFFFFFF90]  }
0x20b: {  	[tilespmem:s1+$0xFFFFFC40] =	vst v4;
	v3 =	vld [tilespmem:s0+$0xFFFFFFA0]  }
0x20c: {  	[tilespmem:s1+$0xFFFFFC50] =	vst v5;
	v4 =	vld [tilespmem:s0+$0xFFFFFFB0]  }
0x20d: {  	v5 =	vld [tilespmem:s0+$0xFFFFFF10];
	[tilespmem:s1+$0xFFFFFC60] =	vst v0  }
0x20e: {  	v0 =	vld [tilespmem:s0+$0xFFFFFFC0];
	[tilespmem:s1+$0xFFFFFC70] =	vst v1  }
0x20f: {  	v1 =	vld [tilespmem:s0+$0xFFFFFFD0];
	[tilespmem:s1+$0x0] =	vst v2  }
0x210: {  	v2 =	vld [tilespmem:s0+$0xFFFFFFE0];
	[tilespmem:s1+$0x10] =	vst v3  }
0x211: {  	s5 =	sadd.s32 $0x100, s0;
	v3 =	vld [tilespmem:s0+$0xFFFFFFF0];
	[tilespmem:s1+$0x20] =	vst v4  }
0x212: {  	v4 =	vld [tilespmem:s5+$0x0];
	[tilespmem:s1+$0xFFFFFC00] =	vst v5  }
0x213: {  	v5 =	vld [tilespmem:s5+$0xFFFFFF60];
	[tilespmem:s1+$0x30] =	vst v0  }
0x214: {  	v6 =	vld [tilespmem:s5+$0xFFFFFFA0];
	s0 =	simm.s32 $0x700;
	[tilespmem:s1+$0x40] =	vst v1  }
0x215: {  	s17 =	sand.u32 $0x7D00, s0;
	[tilespmem:s1+$0x50] =	vst v2;
	v2 =	vld [tilespmem:s5+$0xFFFFFF40]  }
0x216: {  	v1 =	vld [tilespmem:s5+$0xFFFFFF30];
	[tilespmem:s17+$0x7BC0] =	vst v3;
	s1 =	simm.s32 $0x8860  }
0x217: {  	v0 =	vld [tilespmem:s5+$0xFFFFFF20];
	[tilespmem:s1+$0x70] =	vst v4  }
0x218: {  	v3 =	vld [tilespmem:s5+$0xFFFFFF50];
	[tilespmem:s1+$0xFFFFFC50] =	vst v5  }
0x219: {  	v5 =	vld [tilespmem:s5+$0xFFFFFFB0];
	[tilespmem:s1+$0x10] =	vst v6  }
0x21a: {  	[tilespmem:s1+$0xFFFFFC30] =	vst v2;
	v2 =	vld [tilespmem:s5+$0xFFFFFF90]  }
0x21b: {  	[tilespmem:s1+$0xFFFFFC20] =	vst v1;
	v1 =	vld [tilespmem:s5+$0xFFFFFF80]  }
0x21c: {  	[tilespmem:s1+$0xFFFFFC10] =	vst v0;
	v0 =	vld [tilespmem:s5+$0xFFFFFF70]  }
0x21d: {  	[tilespmem:s1+$0xFFFFFC40] =	vst v3;
	v3 =	vld [tilespmem:s5+$0xFFFFFFC0]  }
0x21e: {  	v4 =	vld [tilespmem:s5+$0xFFFFFFD0];
	[tilespmem:s1+$0x20] =	vst v5  }
0x21f: {  	[tilespmem:s1+$0x0] =	vst v2;
	v2 =	vld [tilespmem:s5+$0xFFFFFFE0]  }
0x220: {  	[tilespmem:s1+$0xFFFFFC70] =	vst v1;
	v1 =	vld [tilespmem:s5+$0xFFFFFFF0]  }
0x221: {  	s18 =	simm.s32 $0x100;
	s21 =	sadd.s32 $0x100, s5;
	[tilespmem:s1+$0xFFFFFC60] =	vst v0;
	v0 =	vld [tilespmem:s5+$0xFFFFFF10]  }
.LBB2_32:
0x222: {  	v5 =	vld [tilespmem:s21+$0x0];
	s18 =	sadd.s32 $0x100, s18;
	[tilespmem:s1+$0x30] =	vst v3  }
0x223: {  	s0 =	sadd.s32 $0x800, s0;
	v3 =	vld [tilespmem:s21+$0xFFFFFF20];
	p1 =	slt.u32 s18, $0xF00;
	[tilespmem:s1+$0x40] =	vst v4  }
0x224: {  	s5 =	sand.u32 $0x7D00, s0;
	v4 =	vld [tilespmem:s21+$0xFFFFFF30];
	[tilespmem:s1+$0x50] =	vst v2  }
0x225: {  	v2 =	vld [tilespmem:s21+$0xFFFFFF40];
	[tilespmem:s5+$0x7BC0] =	vst v1  }
0x226: {  	v1 =	vld [tilespmem:s21+$0xFFFFFF50];
	[tilespmem:s1+$0xFFFFFC00] =	vst v0;
	s1 =	sadd.s32 $0x800, s1  }
0x227: {  	v0 =	vld [tilespmem:s21+$0xFFFFFF60];
	[tilespmem:s1+$0x70] =	vst v5  }
0x228: {  	[tilespmem:s1+$0xFFFFFC10] =	vst v3;
	v3 =	vld [tilespmem:s21+$0xFFFFFF70]  }
0x229: {  	[tilespmem:s1+$0xFFFFFC20] =	vst v4;
	v4 =	vld [tilespmem:s21+$0xFFFFFF80]  }
0x22a: {  	[tilespmem:s1+$0xFFFFFC30] =	vst v2;
	v2 =	vld [tilespmem:s21+$0xFFFFFF90]  }
0x22b: {  	[tilespmem:s1+$0xFFFFFC40] =	vst v1;
	v1 =	vld [tilespmem:s21+$0xFFFFFFA0]  }
0x22c: {  	[tilespmem:s1+$0xFFFFFC50] =	vst v0;
	v5 =	vld [tilespmem:s21+$0xFFFFFFB0]  }
.Ltmp15:
0x22d: {  	[tilespmem:s1+$0xFFFFFC60] =	vst v3;
	v3 =	vld [tilespmem:s21+$0xFFFFFFC0];
	(pc) =	sbr.rel @p1 .LBB2_32-.Ltmp15, $4  }
0x22e: {  	[tilespmem:s1+$0xFFFFFC70] =	vst v4;
	v4 =	vld [tilespmem:s21+$0xFFFFFFD0]  }
0x22f: {  	[tilespmem:s1+$0x0] =	vst v2;
	v2 =	vld [tilespmem:s21+$0xFFFFFFE0]  }
0x230: {  	[tilespmem:s1+$0x10] =	vst v1;
	v1 =	vld [tilespmem:s21+$0xFFFFFFF0]  }
0x231: {  	v0 =	vld [tilespmem:s21+$0xFFFFFF10];
	[tilespmem:s1+$0x20] =	vst v5;
	s21 =	sadd.s32 $0x100, s21  }
0x232: {  	[tilespmem:s1+$0x30] =	vst v3  }
0x233: {  	s0 =	sadd.s32 $0x800, s0;
	[tilespmem:s1+$0x40] =	vst v4  }
0x234: {  	s0 =	sand.u32 $0x7D00, s0;
	[tilespmem:s1+$0x50] =	vst v2  }
0x235: {  	s21 =	sadd.s32 $0x0, s11;
	s18 =	simm.s32 $0x8060;
	[tilespmem:s0+$0x7BC0] =	vst v1  }
0x236: {  	s31 =	simm.s32 $0x4AF8;
	s0 =	simm.s32 $0x7C60;
	[tilespmem:s1+$0xFFFFFC00] =	vst v0;
	s1 =	simm.s32 $0x10  }
.LBB2_34:
0x237: {  	[hbm4b:s21+s3] =	stream.linear.scatter [tilespmem:s0], [sflag:$0x2], $0x80, $0x38;
	[tilespmem:$0xFB60] =	vst v63  }
0x238: {  	s5 =	smov.u32 s1;
	s0 =	smov.u32 s18;
	p1 =	sne.s32 s1, $0x1F0  }
.Ltmp16:
0x239: {  	s1 =	sadd.s32 $0x10, s1;
	(pc) =	sbr.rel @p1 .LBB2_34-.Ltmp16, $2  }
0x23a: {  	_ =	sdelay $0x2  }
0x23b: {  	s18 =	sadd.s32 $0x400, s18;
	s21 =	sadd.s32 s5, s11  }
0x23c: {  	[hbm4b:s21+s3] =	stream.linear.scatter [tilespmem:s0], [sflag:$0x2], $0x80, $0x38;
	[tilespmem:$0xFB60] =	vst v63  }
0x23d: {  	_ =	swait.ge [sflag:s28], $0x1008  }
0x23e: {  	[sflag:s28] =	ssyncset.done $0x0  }
0x23f: {  	[sflag:s28] =	ssyncadd.s32 $0xFFFFEFF8  }
0x240: {  	_ =	swait.ge [sflag:s29], $0x1000  }
0x241: {  	[sflag:s29] =	ssyncset.done $0x0  }
0x242: {  	[sflag:s29] =	ssyncadd.s32 $0xFFFFF000  }
0x243: {  	v0 =	vld [tilespmem:$0x1A7B];
	_ =	sdelay $0x4  }
0x244: {  	(v2sf) =	vpush v0, $0x0;
	_ =	sdelay $0xe  }
0x245: {  	s25 =	spop (v2sf)  }
0x246: {  	s0 =	sand.u32 $0x7, s25  }
0x247: {  	s5 =	sor.u32 $0x4BE8, s0  }
0x248: {  	v0 =	vld [tilespmem:s5+$0x0]  }
0x249: {  	v1 =	vld [tilespmem:s5+$0xFFFFFF20]  }
0x24a: {  	v2 =	vld [tilespmem:s5+$0xFFFFFF30]  }
0x24b: {  	v3 =	vld [tilespmem:s5+$0xFFFFFF40]  }
0x24c: {  	s0 =	simm.s32 $0x80E0;
	v4 =	vld [tilespmem:s5+$0xFFFFFF50]  }
0x24d: {  	v5 =	vld [tilespmem:s5+$0xFFFFFF60];
	[tilespmem:s0+$0x70] =	vst v0  }
0x24e: {  	[tilespmem:s0+$0xFFFFFC10] =	vst v1;
	v0 =	vld [tilespmem:s5+$0xFFFFFF70]  }
0x24f: {  	[tilespmem:s0+$0xFFFFFC20] =	vst v2;
	v1 =	vld [tilespmem:s5+$0xFFFFFF80]  }
0x250: {  	[tilespmem:s0+$0xFFFFFC30] =	vst v3;
	v2 =	vld [tilespmem:s5+$0xFFFFFF90]  }
0x251: {  	[tilespmem:s0+$0xFFFFFC40] =	vst v4;
	v3 =	vld [tilespmem:s5+$0xFFFFFFA0]  }
0x252: {  	[tilespmem:s0+$0xFFFFFC50] =	vst v5;
	v5 =	vld [tilespmem:s5+$0xFFFFFFB0]  }
0x253: {  	[tilespmem:s0+$0xFFFFFC60] =	vst v0;
	v0 =	vld [tilespmem:s5+$0xFFFFFFC0]  }
0x254: {  	s1 =	simm.s32 $0x480;
	[tilespmem:s0+$0xFFFFFC70] =	vst v1;
	v1 =	vld [tilespmem:s5+$0xFFFFFFD0]  }
0x255: {  	s18 =	simm.s32 $0x500;
	s17 =	sor.u32 $0x190, s1;
	[tilespmem:s0+$0x0] =	vst v2;
	v2 =	vld [tilespmem:s5+$0xFFFFFFE0]  }
0x256: {  	s26 =	sor.u32 $0x1A0, s18;
	v4 =	vld [tilespmem:s5+$0xFFFFFFF0];
	[tilespmem:s17+$0x7B60] =	vst v3  }
0x257: {  	s18 =	simm.s32 $0x0;
	s21 =	sadd.s32 $0x100, s5;
	v3 =	vld [tilespmem:s5+$0xFFFFFF10];
	[tilespmem:s26+$0x7B60] =	vst v5  }
.LBB2_36:
0x258: {  	v5 =	vld [tilespmem:s21+$0x0];
	s18 =	sadd.s32 $0x100, s18;
	[tilespmem:s0+$0x30] =	vst v0  }
0x259: {  	v0 =	vld [tilespmem:s21+$0xFFFFFF20];
	p1 =	slt.u32 s18, $0xF00;
	[tilespmem:s0+$0x40] =	vst v1  }
0x25a: {  	v1 =	vld [tilespmem:s21+$0xFFFFFF30];
	[tilespmem:s0+$0x50] =	vst v2  }
0x25b: {  	v2 =	vld [tilespmem:s21+$0xFFFFFF40];
	[tilespmem:s0+$0x60] =	vst v4  }
0x25c: {  	v4 =	vld [tilespmem:s21+$0xFFFFFF50];
	[tilespmem:s0+$0xFFFFFC00] =	vst v3;
	s0 =	sadd.s32 $0x800, s0  }
0x25d: {  	v3 =	vld [tilespmem:s21+$0xFFFFFF60];
	[tilespmem:s0+$0x70] =	vst v5  }
0x25e: {  	[tilespmem:s0+$0xFFFFFC10] =	vst v0;
	v0 =	vld [tilespmem:s21+$0xFFFFFF70]  }
0x25f: {  	[tilespmem:s0+$0xFFFFFC20] =	vst v1;
	v1 =	vld [tilespmem:s21+$0xFFFFFF80]  }
0x260: {  	[tilespmem:s0+$0xFFFFFC30] =	vst v2;
	v2 =	vld [tilespmem:s21+$0xFFFFFF90]  }
0x261: {  	[tilespmem:s0+$0xFFFFFC40] =	vst v4;
	v4 =	vld [tilespmem:s21+$0xFFFFFFA0]  }
0x262: {  	[tilespmem:s0+$0xFFFFFC50] =	vst v3;
	v5 =	vld [tilespmem:s21+$0xFFFFFFB0]  }
.Ltmp17:
0x263: {  	[tilespmem:s0+$0xFFFFFC60] =	vst v0;
	v0 =	vld [tilespmem:s21+$0xFFFFFFC0];
	(pc) =	sbr.rel @p1 .LBB2_36-.Ltmp17, $4  }
0x264: {  	s1 =	sadd.s32 $0x800, s1;
	[tilespmem:s0+$0xFFFFFC70] =	vst v1;
	v1 =	vld [tilespmem:s21+$0xFFFFFFD0]  }
0x265: {  	s5 =	sor.u32 $0x190, s1;
	s17 =	sadd.s32 $0x80, s1;
	[tilespmem:s0+$0x0] =	vst v2;
	v2 =	vld [tilespmem:s21+$0xFFFFFFE0]  }
0x266: {  	[tilespmem:s5+$0x7B60] =	vst v4;
	s5 =	sor.u32 $0x1A0, s17;
	v4 =	vld [tilespmem:s21+$0xFFFFFFF0]  }
0x267: {  	v3 =	vld [tilespmem:s21+$0xFFFFFF10];
	[tilespmem:s5+$0x7B60] =	vst v5;
	s21 =	sadd.s32 $0x100, s21  }
0x268: {  	[tilespmem:s0+$0x30] =	vst v0  }
0x269: {  	[tilespmem:s0+$0x40] =	vst v1  }
0x26a: {  	[tilespmem:s0+$0x50] =	vst v2  }
0x26b: {  	s1 =	simm.s32 $0x7CE0;
	s21 =	sadd.s32 $0x0, s12;
	[tilespmem:s0+$0x60] =	vst v4  }
0x26c: {  	s18 =	simm.s32 $0x80E0;
	s26 =	simm.s32 $0x3AF0;
	[tilespmem:s0+$0xFFFFFC00] =	vst v3;
	s0 =	simm.s32 $0x10  }
.LBB2_38:
0x26d: {  	[hbm4b:s21+s3] =	stream.linear.scatter [tilespmem:s1], [sflag:$0x2], $0x80, $0x38;
	[tilespmem:$0xFB60] =	vst v63  }
0x26e: {  	s5 =	smov.u32 s0;
	s1 =	smov.u32 s18;
	p1 =	sne.s32 s0, $0x1F0  }
.Ltmp18:
0x26f: {  	s0 =	sadd.s32 $0x10, s0;
	(pc) =	sbr.rel @p1 .LBB2_38-.Ltmp18, $2  }
0x270: {  	_ =	sdelay $0x2  }
0x271: {  	s18 =	sadd.s32 $0x400, s18;
	s21 =	sadd.s32 s5, s12  }
0x272: {  	[hbm4b:s21+s3] =	stream.linear.scatter [tilespmem:s1], [sflag:$0x2], $0x80, $0x38;
	[tilespmem:$0xFB60] =	vst v63  }
0x273: {  	_ =	swait.ge [sflag:s28], $0x1008  }
0x274: {  	[sflag:s28] =	ssyncset.done $0x0  }
0x275: {  	[sflag:s28] =	ssyncadd.s32 $0xFFFFEFF8  }
0x276: {  	_ =	swait.ge [sflag:s29], $0x1000  }
0x277: {  	[sflag:s29] =	ssyncset.done $0x0  }
0x278: {  	[sflag:s29] =	ssyncadd.s32 $0xFFFFF000  }
0x279: {  	v0 =	vld [tilespmem:$0x1A7C];
	_ =	sdelay $0x4  }
0x27a: {  	(v2sf) =	vpush v0, $0x0;
	_ =	sdelay $0xe  }
0x27b: {  	s0 =	spop (v2sf)  }
0x27c: {  	s0 =	sand.u32 $0x7, s0  }
0x27d: {  	s5 =	sor.u32 $0x5BF0, s0  }
0x27e: {  	v0 =	vld [tilespmem:s5+$0x0]  }
0x27f: {  	v1 =	vld [tilespmem:s5+$0xFFFFFF20]  }
0x280: {  	v2 =	vld [tilespmem:s5+$0xFFFFFF30]  }
0x281: {  	v3 =	vld [tilespmem:s5+$0xFFFFFF40]  }
0x282: {  	s0 =	simm.s32 $0x8160;
	v4 =	vld [tilespmem:s5+$0xFFFFFF50]  }
0x283: {  	v5 =	vld [tilespmem:s5+$0xFFFFFF60];
	[tilespmem:s0+$0x70] =	vst v0  }
0x284: {  	[tilespmem:s0+$0xFFFFFC10] =	vst v1;
	v0 =	vld [tilespmem:s5+$0xFFFFFF70]  }
0x285: {  	[tilespmem:s0+$0xFFFFFC20] =	vst v2;
	v1 =	vld [tilespmem:s5+$0xFFFFFF80]  }
0x286: {  	[tilespmem:s0+$0xFFFFFC30] =	vst v3;
	v2 =	vld [tilespmem:s5+$0xFFFFFF90]  }
0x287: {  	[tilespmem:s0+$0xFFFFFC40] =	vst v4;
	v3 =	vld [tilespmem:s5+$0xFFFFFFA0]  }
0x288: {  	[tilespmem:s0+$0xFFFFFC50] =	vst v5;
	v5 =	vld [tilespmem:s5+$0xFFFFFFB0]  }
0x289: {  	[tilespmem:s0+$0xFFFFFC60] =	vst v0;
	v0 =	vld [tilespmem:s5+$0xFFFFFFC0]  }
0x28a: {  	[tilespmem:s0+$0xFFFFFC70] =	vst v1;
	v1 =	vld [tilespmem:s5+$0xFFFFFFD0]  }
0x28b: {  	[tilespmem:s0+$0x0] =	vst v2;
	v2 =	vld [tilespmem:s5+$0xFFFFFFE0]  }
0x28c: {  	v4 =	vld [tilespmem:s5+$0xFFFFFFF0];
	[tilespmem:s0+$0x10] =	vst v3  }
0x28d: {  	s1 =	simm.s32 $0x0;
	s18 =	sadd.s32 $0x100, s5;
	v3 =	vld [tilespmem:s5+$0xFFFFFF10];
	[tilespmem:s0+$0x20] =	vst v5  }
.LBB2_40:
0x28e: {  	v5 =	vld [tilespmem:s18+$0x0];
	s1 =	sadd.s32 $0x100, s1;
	[tilespmem:s0+$0x30] =	vst v0  }
0x28f: {  	v0 =	vld [tilespmem:s18+$0xFFFFFF20];
	p1 =	slt.u32 s1, $0xF00;
	[tilespmem:s0+$0x40] =	vst v1  }
0x290: {  	v1 =	vld [tilespmem:s18+$0xFFFFFF30];
	[tilespmem:s0+$0x50] =	vst v2  }
0x291: {  	v2 =	vld [tilespmem:s18+$0xFFFFFF40];
	[tilespmem:s0+$0x60] =	vst v4  }
0x292: {  	v4 =	vld [tilespmem:s18+$0xFFFFFF50];
	[tilespmem:s0+$0xFFFFFC00] =	vst v3;
	s0 =	sadd.s32 $0x800, s0  }
0x293: {  	v3 =	vld [tilespmem:s18+$0xFFFFFF60];
	[tilespmem:s0+$0x70] =	vst v5  }
0x294: {  	[tilespmem:s0+$0xFFFFFC10] =	vst v0;
	v0 =	vld [tilespmem:s18+$0xFFFFFF70]  }
0x295: {  	[tilespmem:s0+$0xFFFFFC20] =	vst v1;
	v1 =	vld [tilespmem:s18+$0xFFFFFF80]  }
0x296: {  	[tilespmem:s0+$0xFFFFFC30] =	vst v2;
	v2 =	vld [tilespmem:s18+$0xFFFFFF90]  }
0x297: {  	[tilespmem:s0+$0xFFFFFC40] =	vst v4;
	v4 =	vld [tilespmem:s18+$0xFFFFFFA0]  }
0x298: {  	[tilespmem:s0+$0xFFFFFC50] =	vst v3;
	v5 =	vld [tilespmem:s18+$0xFFFFFFB0]  }
.Ltmp19:
0x299: {  	[tilespmem:s0+$0xFFFFFC60] =	vst v0;
	v0 =	vld [tilespmem:s18+$0xFFFFFFC0];
	(pc) =	sbr.rel @p1 .LBB2_40-.Ltmp19, $4  }
0x29a: {  	[tilespmem:s0+$0xFFFFFC70] =	vst v1;
	v1 =	vld [tilespmem:s18+$0xFFFFFFD0]  }
0x29b: {  	[tilespmem:s0+$0x0] =	vst v2;
	v2 =	vld [tilespmem:s18+$0xFFFFFFE0]  }
0x29c: {  	[tilespmem:s0+$0x10] =	vst v4;
	v4 =	vld [tilespmem:s18+$0xFFFFFFF0]  }
0x29d: {  	v3 =	vld [tilespmem:s18+$0xFFFFFF10];
	[tilespmem:s0+$0x20] =	vst v5;
	s18 =	sadd.s32 $0x100, s18  }
0x29e: {  	[tilespmem:s0+$0x30] =	vst v0  }
0x29f: {  	[tilespmem:s0+$0x40] =	vst v1  }
0x2a0: {  	[tilespmem:s0+$0x50] =	vst v2  }
0x2a1: {  	s1 =	simm.s32 $0x7D60;
	[tilespmem:s0+$0x60] =	vst v4  }
0x2a2: {  	s21 =	sadd.s32 $0x0, s13;
	s18 =	simm.s32 $0x8160;
	[tilespmem:s0+$0xFFFFFC00] =	vst v3;
	s0 =	simm.s32 $0x10  }
.LBB2_42:
0x2a3: {  	[hbm4b:s21+s3] =	stream.linear.scatter [tilespmem:s1], [sflag:$0x2], $0x80, $0x38;
	[tilespmem:$0xFB60] =	vst v63  }
0x2a4: {  	s5 =	smov.u32 s0;
	s1 =	smov.u32 s18;
	p1 =	sne.s32 s0, $0x1F0  }
.Ltmp20:
0x2a5: {  	s0 =	sadd.s32 $0x10, s0;
	(pc) =	sbr.rel @p1 .LBB2_42-.Ltmp20, $2  }
0x2a6: {  	_ =	sdelay $0x2  }
0x2a7: {  	s18 =	sadd.s32 $0x400, s18;
	s21 =	sadd.s32 s5, s13  }
0x2a8: {  	[hbm4b:s21+s3] =	stream.linear.scatter [tilespmem:s1], [sflag:$0x2], $0x80, $0x38;
	[tilespmem:$0xFB60] =	vst v63  }
0x2a9: {  	_ =	swait.ge [sflag:s28], $0x1008  }
0x2aa: {  	[sflag:s28] =	ssyncset.done $0x0  }
0x2ab: {  	[sflag:s28] =	ssyncadd.s32 $0xFFFFEFF8  }
0x2ac: {  	_ =	swait.ge [sflag:s29], $0x1000  }
0x2ad: {  	[sflag:s29] =	ssyncset.done $0x0  }
0x2ae: {  	[sflag:s29] =	ssyncadd.s32 $0xFFFFF000  }
0x2af: {  	v0 =	vld [tilespmem:$0x1A7D];
	_ =	sdelay $0x4  }
0x2b0: {  	(v2sf) =	vpush v0, $0x0;
	_ =	sdelay $0xe  }
0x2b1: {  	s0 =	spop (v2sf)  }
0x2b2: {  	s0 =	sand.u32 $0x7, s0  }
0x2b3: {  	s5 =	sor.u32 $0x6BF8, s0  }
0x2b4: {  	v0 =	vld [tilespmem:s5+$0x0]  }
0x2b5: {  	v1 =	vld [tilespmem:s5+$0xFFFFFF20]  }
0x2b6: {  	v2 =	vld [tilespmem:s5+$0xFFFFFF30]  }
0x2b7: {  	s1 =	simm.s32 $0x780;
	v3 =	vld [tilespmem:s5+$0xFFFFFF40]  }
0x2b8: {  	s17 =	sand.u32 $0x7E80, s1;
	v4 =	vld [tilespmem:s5+$0xFFFFFF50]  }
0x2b9: {  	s0 =	simm.s32 $0x81E0;
	v5 =	vld [tilespmem:s5+$0xFFFFFF60];
	[tilespmem:s17+$0x7BD0] =	vst v0  }
0x2ba: {  	[tilespmem:s0+$0xFFFFFC10] =	vst v1;
	v0 =	vld [tilespmem:s5+$0xFFFFFF70]  }
0x2bb: {  	[tilespmem:s0+$0xFFFFFC20] =	vst v2;
	v1 =	vld [tilespmem:s5+$0xFFFFFF80]  }
0x2bc: {  	[tilespmem:s0+$0xFFFFFC30] =	vst v3;
	v2 =	vld [tilespmem:s5+$0xFFFFFF90]  }
0x2bd: {  	[tilespmem:s0+$0xFFFFFC40] =	vst v4;
	v4 =	vld [tilespmem:s5+$0xFFFFFFA0]  }
0x2be: {  	[tilespmem:s0+$0xFFFFFC50] =	vst v5;
	v5 =	vld [tilespmem:s5+$0xFFFFFFB0]  }
0x2bf: {  	[tilespmem:s0+$0xFFFFFC60] =	vst v0;
	v0 =	vld [tilespmem:s5+$0xFFFFFFC0]  }
0x2c0: {  	s24 =	simm.s32 $0x480;
	[tilespmem:s0+$0xFFFFFC70] =	vst v1;
	v1 =	vld [tilespmem:s5+$0xFFFFFFD0]  }
0x2c1: {  	s17 =	sor.u32 $0x290, s24;
	v3 =	vld [tilespmem:s5+$0xFFFFFFE0];
	[tilespmem:s0+$0x0] =	vst v2  }
0x2c2: {  	s25 =	simm.s32 $0x600;
	[tilespmem:s17+$0x7B60] =	vst v4;
	v4 =	vld [tilespmem:s5+$0xFFFFFFF0]  }
0x2c3: {  	s18 =	simm.s32 $0x0;
	s22 =	sor.u32 $0x2C0, s25;
	s21 =	sadd.s32 $0x100, s5;
	v2 =	vld [tilespmem:s5+$0xFFFFFF10];
	[tilespmem:s0+$0x20] =	vst v5  }
.LBB2_44:
0x2c4: {  	v5 =	vld [tilespmem:s21+$0x0];
	s18 =	sadd.s32 $0x100, s18;
	[tilespmem:s0+$0x30] =	vst v0  }
0x2c5: {  	v0 =	vld [tilespmem:s21+$0xFFFFFF20];
	p1 =	slt.u32 s18, $0xF00;
	[tilespmem:s22+$0x7B60] =	vst v1  }
0x2c6: {  	v1 =	vld [tilespmem:s21+$0xFFFFFF30];
	[tilespmem:s0+$0x50] =	vst v3  }
0x2c7: {  	s1 =	sadd.s32 $0x800, s1;
	v3 =	vld [tilespmem:s21+$0xFFFFFF40];
	[tilespmem:s0+$0x60] =	vst v4  }
0x2c8: {  	s5 =	sadd.s32 $0xFFFFFD00, s1;
	s17 =	sadd.s32 $0xFFFFFE80, s1;
	s23 =	sand.u32 $0x7E80, s1;
	v4 =	vld [tilespmem:s21+$0xFFFFFF50];
	[tilespmem:s0+$0xFFFFFC00] =	vst v2  }
0x2c9: {  	s5 =	sor.u32 $0x290, s5;
	s22 =	sor.u32 $0x2C0, s17;
	s0 =	sadd.s32 $0x800, s0;
	v2 =	vld [tilespmem:s21+$0xFFFFFF60];
	[tilespmem:s23+$0x7BD0] =	vst v5  }
0x2ca: {  	[tilespmem:s0+$0xFFFFFC10] =	vst v0;
	v0 =	vld [tilespmem:s21+$0xFFFFFF70]  }
0x2cb: {  	[tilespmem:s0+$0xFFFFFC20] =	vst v1;
	v1 =	vld [tilespmem:s21+$0xFFFFFF80]  }
0x2cc: {  	[tilespmem:s0+$0xFFFFFC30] =	vst v3;
	v3 =	vld [tilespmem:s21+$0xFFFFFF90]  }
0x2cd: {  	[tilespmem:s0+$0xFFFFFC40] =	vst v4;
	v4 =	vld [tilespmem:s21+$0xFFFFFFA0]  }
0x2ce: {  	[tilespmem:s0+$0xFFFFFC50] =	vst v2;
	v5 =	vld [tilespmem:s21+$0xFFFFFFB0]  }
.Ltmp21:
0x2cf: {  	[tilespmem:s0+$0xFFFFFC60] =	vst v0;
	v0 =	vld [tilespmem:s21+$0xFFFFFFC0];
	(pc) =	sbr.rel @p1 .LBB2_44-.Ltmp21, $4  }
0x2d0: {  	[tilespmem:s0+$0xFFFFFC70] =	vst v1;
	v1 =	vld [tilespmem:s21+$0xFFFFFFD0]  }
0x2d1: {  	[tilespmem:s0+$0x0] =	vst v3;
	v3 =	vld [tilespmem:s21+$0xFFFFFFE0]  }
0x2d2: {  	[tilespmem:s5+$0x7B60] =	vst v4;
	v4 =	vld [tilespmem:s21+$0xFFFFFFF0]  }
0x2d3: {  	v2 =	vld [tilespmem:s21+$0xFFFFFF10];
	[tilespmem:s0+$0x20] =	vst v5;
	s21 =	sadd.s32 $0x100, s21  }
0x2d4: {  	[tilespmem:s0+$0x30] =	vst v0  }
0x2d5: {  	[tilespmem:s22+$0x7B60] =	vst v1  }
0x2d6: {  	[tilespmem:s0+$0x50] =	vst v3  }
0x2d7: {  	s1 =	simm.s32 $0x7DE0;
	[tilespmem:s0+$0x60] =	vst v4  }
0x2d8: {  	s21 =	sadd.s32 $0x0, s14;
	s18 =	simm.s32 $0x81E0;
	[tilespmem:s0+$0xFFFFFC00] =	vst v2;
	s0 =	simm.s32 $0x10  }
.LBB2_46:
0x2d9: {  	[hbm4b:s21+s3] =	stream.linear.scatter [tilespmem:s1], [sflag:$0x2], $0x80, $0x38;
	[tilespmem:$0xFB60] =	vst v63  }
0x2da: {  	s5 =	smov.u32 s0;
	s1 =	smov.u32 s18;
	p1 =	sne.s32 s0, $0x1F0  }
.Ltmp22:
0x2db: {  	s0 =	sadd.s32 $0x10, s0;
	(pc) =	sbr.rel @p1 .LBB2_46-.Ltmp22, $2  }
0x2dc: {  	_ =	sdelay $0x2  }
0x2dd: {  	s18 =	sadd.s32 $0x400, s18;
	s21 =	sadd.s32 s5, s14  }
0x2de: {  	[hbm4b:s21+s3] =	stream.linear.scatter [tilespmem:s1], [sflag:$0x2], $0x80, $0x38;
	[tilespmem:$0xFB60] =	vst v63  }
0x2df: {  	_ =	swait.ge [sflag:s28], $0x1008  }
0x2e0: {  	[sflag:s28] =	ssyncset.done $0x0  }
0x2e1: {  	[sflag:s28] =	ssyncadd.s32 $0xFFFFEFF8  }
0x2e2: {  	_ =	swait.ge [sflag:s29], $0x1000  }
0x2e3: {  	[sflag:s29] =	ssyncset.done $0x0  }
0x2e4: {  	[sflag:s29] =	ssyncadd.s32 $0xFFFFF000  }
0x2e5: {  	v0 =	vld [tilespmem:$0x1A7E];
	_ =	sdelay $0x4  }
0x2e6: {  	(v2sf) =	vpush v0, $0x0;
	_ =	sdelay $0xe  }
0x2e7: {  	s0 =	spop (v2sf)  }
0x2e8: {  	s0 =	sand.u32 $0x7, s0  }
0x2e9: {  	s5 =	sor.u32 $0x1B60, s0  }
0x2ea: {  	v0 =	vld [tilespmem:s5+$0x70]  }
0x2eb: {  	v1 =	vld [tilespmem:s5+$0xFFFFFF90]  }
0x2ec: {  	v2 =	vld [tilespmem:s5+$0xFFFFFFA0]  }
0x2ed: {  	v3 =	vld [tilespmem:s5+$0xFFFFFFB0]  }
0x2ee: {  	s0 =	simm.s32 $0x7F60;
	v4 =	vld [tilespmem:s5+$0xFFFFFFC0]  }
0x2ef: {  	v5 =	vld [tilespmem:s5+$0xFFFFFFD0];
	[tilespmem:s0+$0x70] =	vst v0  }
0x2f0: {  	[tilespmem:s0+$0xFFFFFC10] =	vst v1;
	v0 =	vld [tilespmem:s5+$0xFFFFFFE0]  }
0x2f1: {  	[tilespmem:s0+$0xFFFFFC20] =	vst v2;
	v1 =	vld [tilespmem:s5+$0xFFFFFFF0]  }
0x2f2: {  	[tilespmem:s0+$0xFFFFFC30] =	vst v3;
	v2 =	vld [tilespmem:s5+$0x0]  }
0x2f3: {  	[tilespmem:s0+$0xFFFFFC40] =	vst v4;
	v3 =	vld [tilespmem:s5+$0x10]  }
0x2f4: {  	[tilespmem:s0+$0xFFFFFC50] =	vst v5;
	v5 =	vld [tilespmem:s5+$0x20]  }
0x2f5: {  	[tilespmem:s0+$0xFFFFFC60] =	vst v0;
	v0 =	vld [tilespmem:s5+$0x30]  }
0x2f6: {  	[tilespmem:s0+$0xFFFFFC70] =	vst v1;
	v1 =	vld [tilespmem:s5+$0x40]  }
0x2f7: {  	[tilespmem:s0+$0x0] =	vst v2;
	v2 =	vld [tilespmem:s5+$0x50]  }
0x2f8: {  	v4 =	vld [tilespmem:s5+$0x60];
	[tilespmem:s0+$0x10] =	vst v3  }
0x2f9: {  	s1 =	simm.s32 $0x0;
	s18 =	sadd.s32 $0x100, s5;
	v3 =	vld [tilespmem:s5+$0xFFFFFF80];
	[tilespmem:s0+$0x20] =	vst v5  }
.LBB2_48:
0x2fa: {  	v5 =	vld [tilespmem:s18+$0x70];
	s1 =	sadd.s32 $0x100, s1;
	[tilespmem:s0+$0x30] =	vst v0  }
0x2fb: {  	v0 =	vld [tilespmem:s18+$0xFFFFFF90];
	p1 =	slt.u32 s1, $0xF00;
	[tilespmem:s0+$0x40] =	vst v1  }
0x2fc: {  	v1 =	vld [tilespmem:s18+$0xFFFFFFA0];
	[tilespmem:s0+$0x50] =	vst v2  }
0x2fd: {  	v2 =	vld [tilespmem:s18+$0xFFFFFFB0];
	[tilespmem:s0+$0x60] =	vst v4  }
0x2fe: {  	v4 =	vld [tilespmem:s18+$0xFFFFFFC0];
	[tilespmem:s0+$0xFFFFFC00] =	vst v3;
	s0 =	sadd.s32 $0x800, s0  }
0x2ff: {  	v3 =	vld [tilespmem:s18+$0xFFFFFFD0];
	[tilespmem:s0+$0x70] =	vst v5  }
0x300: {  	[tilespmem:s0+$0xFFFFFC10] =	vst v0;
	v0 =	vld [tilespmem:s18+$0xFFFFFFE0]  }
0x301: {  	[tilespmem:s0+$0xFFFFFC20] =	vst v1;
	v1 =	vld [tilespmem:s18+$0xFFFFFFF0]  }
0x302: {  	[tilespmem:s0+$0xFFFFFC30] =	vst v2;
	v2 =	vld [tilespmem:s18+$0x0]  }
0x303: {  	[tilespmem:s0+$0xFFFFFC40] =	vst v4;
	v4 =	vld [tilespmem:s18+$0x10]  }
0x304: {  	[tilespmem:s0+$0xFFFFFC50] =	vst v3;
	v5 =	vld [tilespmem:s18+$0x20]  }
.Ltmp23:
0x305: {  	[tilespmem:s0+$0xFFFFFC60] =	vst v0;
	v0 =	vld [tilespmem:s18+$0x30];
	(pc) =	sbr.rel @p1 .LBB2_48-.Ltmp23, $4  }
0x306: {  	[tilespmem:s0+$0xFFFFFC70] =	vst v1;
	v1 =	vld [tilespmem:s18+$0x40]  }
0x307: {  	[tilespmem:s0+$0x0] =	vst v2;
	v2 =	vld [tilespmem:s18+$0x50]  }
0x308: {  	[tilespmem:s0+$0x10] =	vst v4;
	v4 =	vld [tilespmem:s18+$0x60]  }
0x309: {  	v3 =	vld [tilespmem:s18+$0xFFFFFF80];
	[tilespmem:s0+$0x20] =	vst v5;
	s18 =	sadd.s32 $0x100, s18  }
0x30a: {  	[tilespmem:s0+$0x30] =	vst v0  }
0x30b: {  	[tilespmem:s0+$0x40] =	vst v1  }
0x30c: {  	[tilespmem:s0+$0x50] =	vst v2  }
0x30d: {  	s1 =	simm.s32 $0x7B60;
	[tilespmem:s0+$0x60] =	vst v4  }
0x30e: {  	s21 =	sadd.s32 $0x0, s15;
	s18 =	simm.s32 $0x7F60;
	[tilespmem:s0+$0xFFFFFC00] =	vst v3;
	s0 =	simm.s32 $0x10  }
.LBB2_50:
0x30f: {  	[hbm4b:s21+s3] =	stream.linear.scatter [tilespmem:s1], [sflag:$0x2], $0x80, $0x38;
	[tilespmem:$0xFB60] =	vst v63  }
0x310: {  	s5 =	smov.u32 s0;
	s1 =	smov.u32 s18;
	p1 =	sne.s32 s0, $0x1F0  }
.Ltmp24:
0x311: {  	s0 =	sadd.s32 $0x10, s0;
	(pc) =	sbr.rel @p1 .LBB2_50-.Ltmp24, $2  }
0x312: {  	_ =	sdelay $0x2  }
0x313: {  	s18 =	sadd.s32 $0x400, s18;
	s21 =	sadd.s32 s5, s15  }
0x314: {  	[hbm4b:s21+s3] =	stream.linear.scatter [tilespmem:s1], [sflag:$0x2], $0x80, $0x38;
	[tilespmem:$0xFB60] =	vst v63  }
0x315: {  	_ =	swait.ge [sflag:s28], $0x1008  }
0x316: {  	[sflag:s28] =	ssyncset.done $0x0  }
0x317: {  	[sflag:s28] =	ssyncadd.s32 $0xFFFFEFF8  }
0x318: {  	_ =	swait.ge [sflag:s29], $0x1000  }
0x319: {  	[sflag:s29] =	ssyncset.done $0x0  }
0x31a: {  	[sflag:s29] =	ssyncadd.s32 $0xFFFFF000  }
0x31b: {  	v0 =	vld [tilespmem:$0x1A7F];
	_ =	sdelay $0x4  }
0x31c: {  	(v2sf) =	vpush v0, $0x0;
	_ =	sdelay $0xe  }
0x31d: {  	s0 =	spop (v2sf)  }
0x31e: {  	s0 =	sand.u32 $0x7, s0  }
0x31f: {  	s5 =	sor.u32 $0x2BD8, s0  }
0x320: {  	v0 =	vld [tilespmem:s5+$0x0]  }
0x321: {  	v1 =	vld [tilespmem:s5+$0xFFFFFF20]  }
0x322: {  	v2 =	vld [tilespmem:s5+$0xFFFFFF30]  }
0x323: {  	s1 =	simm.s32 $0x780;
	v3 =	vld [tilespmem:s5+$0xFFFFFF40]  }
0x324: {  	s17 =	sand.u32 $0x7C80, s1;
	v4 =	vld [tilespmem:s5+$0xFFFFFF50]  }
0x325: {  	s0 =	simm.s32 $0x7FE0;
	v5 =	vld [tilespmem:s5+$0xFFFFFF60];
	[tilespmem:s17+$0x7BD0] =	vst v0  }
0x326: {  	[tilespmem:s0+$0xFFFFFC10] =	vst v1;
	v0 =	vld [tilespmem:s5+$0xFFFFFF70]  }
0x327: {  	[tilespmem:s0+$0xFFFFFC20] =	vst v2;
	v1 =	vld [tilespmem:s5+$0xFFFFFF80]  }
0x328: {  	[tilespmem:s0+$0xFFFFFC30] =	vst v3;
	v2 =	vld [tilespmem:s5+$0xFFFFFF90]  }
0x329: {  	[tilespmem:s0+$0xFFFFFC40] =	vst v4;
	v3 =	vld [tilespmem:s5+$0xFFFFFFA0]  }
0x32a: {  	[tilespmem:s0+$0xFFFFFC50] =	vst v5;
	v5 =	vld [tilespmem:s5+$0xFFFFFFB0]  }
0x32b: {  	[tilespmem:s0+$0xFFFFFC60] =	vst v0;
	v0 =	vld [tilespmem:s5+$0xFFFFFFC0]  }
0x32c: {  	[tilespmem:s0+$0xFFFFFC70] =	vst v1;
	v1 =	vld [tilespmem:s5+$0xFFFFFFD0]  }
0x32d: {  	[tilespmem:s0+$0x0] =	vst v2;
	v2 =	vld [tilespmem:s5+$0xFFFFFFE0]  }
0x32e: {  	s18 =	simm.s32 $0x0;
	s24 =	simm.s32 $0x580;
	s25 =	simm.s32 $0x680;
	v4 =	vld [tilespmem:s5+$0xFFFFFFF0];
	[tilespmem:s0+$0x10] =	vst v3  }
0x32f: {  	s23 =	sand.u32 $0x7C80, s24;
	s22 =	sand.u32 $0x7C80, s25;
	s21 =	sadd.s32 $0x100, s5;
	v3 =	vld [tilespmem:s5+$0xFFFFFF10];
	[tilespmem:s0+$0x20] =	vst v5  }
.LBB2_52:
0x330: {  	v5 =	vld [tilespmem:s21+$0x0];
	s18 =	sadd.s32 $0x100, s18;
	[tilespmem:s23+$0x7B90] =	vst v0  }
0x331: {  	v0 =	vld [tilespmem:s21+$0xFFFFFF20];
	p1 =	slt.u32 s18, $0xF00;
	[tilespmem:s0+$0x40] =	vst v1  }
0x332: {  	v1 =	vld [tilespmem:s21+$0xFFFFFF30];
	[tilespmem:s22+$0x7BB0] =	vst v2  }
0x333: {  	s1 =	sadd.s32 $0x800, s1;
	v2 =	vld [tilespmem:s21+$0xFFFFFF40];
	[tilespmem:s0+$0x60] =	vst v4  }
0x334: {  	s5 =	sadd.s32 $0xFFFFFE00, s1;
	s17 =	sadd.s32 $0xFFFFFF00, s1;
	s24 =	sand.u32 $0x7C80, s1;
	v4 =	vld [tilespmem:s21+$0xFFFFFF50];
	[tilespmem:s0+$0xFFFFFC00] =	vst v3  }
0x335: {  	s23 =	sand.u32 $0x7C80, s5;
	s22 =	sand.u32 $0x7C80, s17;
	s0 =	sadd.s32 $0x800, s0;
	v3 =	vld [tilespmem:s21+$0xFFFFFF60];
	[tilespmem:s24+$0x7BD0] =	vst v5  }
0x336: {  	[tilespmem:s0+$0xFFFFFC10] =	vst v0;
	v0 =	vld [tilespmem:s21+$0xFFFFFF70]  }
0x337: {  	[tilespmem:s0+$0xFFFFFC20] =	vst v1;
	v1 =	vld [tilespmem:s21+$0xFFFFFF80]  }
0x338: {  	[tilespmem:s0+$0xFFFFFC30] =	vst v2;
	v2 =	vld [tilespmem:s21+$0xFFFFFF90]  }
0x339: {  	[tilespmem:s0+$0xFFFFFC40] =	vst v4;
	v4 =	vld [tilespmem:s21+$0xFFFFFFA0]  }
0x33a: {  	[tilespmem:s0+$0xFFFFFC50] =	vst v3;
	v5 =	vld [tilespmem:s21+$0xFFFFFFB0]  }
.Ltmp25:
0x33b: {  	[tilespmem:s0+$0xFFFFFC60] =	vst v0;
	v0 =	vld [tilespmem:s21+$0xFFFFFFC0];
	(pc) =	sbr.rel @p1 .LBB2_52-.Ltmp25, $4  }
0x33c: {  	[tilespmem:s0+$0xFFFFFC70] =	vst v1;
	v1 =	vld [tilespmem:s21+$0xFFFFFFD0]  }
0x33d: {  	[tilespmem:s0+$0x0] =	vst v2;
	v2 =	vld [tilespmem:s21+$0xFFFFFFE0]  }
0x33e: {  	[tilespmem:s0+$0x10] =	vst v4;
	v4 =	vld [tilespmem:s21+$0xFFFFFFF0]  }
0x33f: {  	v3 =	vld [tilespmem:s21+$0xFFFFFF10];
	[tilespmem:s0+$0x20] =	vst v5;
	s21 =	sadd.s32 $0x100, s21  }
0x340: {  	[tilespmem:s23+$0x7B90] =	vst v0  }
0x341: {  	[tilespmem:s0+$0x40] =	vst v1  }
0x342: {  	[tilespmem:s22+$0x7BB0] =	vst v2  }
0x343: {  	s1 =	simm.s32 $0x7BE0;
	[tilespmem:s0+$0x60] =	vst v4  }
0x344: {  	s21 =	sadd.s32 $0x0, s16;
	s18 =	simm.s32 $0x7FE0;
	[tilespmem:s0+$0xFFFFFC00] =	vst v3;
	s0 =	simm.s32 $0x10  }
.LBB2_54:
0x345: {  	[hbm4b:s21+s3] =	stream.linear.scatter [tilespmem:s1], [sflag:$0x2], $0x80, $0x38;
	[tilespmem:$0xFB60] =	vst v63  }
0x346: {  	s5 =	smov.u32 s0;
	s1 =	smov.u32 s18;
	p1 =	sne.s32 s0, $0x1F0  }
.Ltmp26:
0x347: {  	s0 =	sadd.s32 $0x10, s0;
	(pc) =	sbr.rel @p1 .LBB2_54-.Ltmp26, $2  }
0x348: {  	_ =	sdelay $0x2  }
0x349: {  	s18 =	sadd.s32 $0x400, s18;
	s21 =	sadd.s32 s5, s16  }
0x34a: {  	[hbm4b:s21+s3] =	stream.linear.scatter [tilespmem:s1], [sflag:$0x2], $0x80, $0x38;
	[tilespmem:$0xFB60] =	vst v63  }
0x34b: {  	_ =	swait.ge [sflag:s29], $0x1000  }
0x34c: {  	[sflag:s29] =	ssyncset.done $0x0  }
0x34d: {  	[sflag:s29] =	ssyncadd.s32 $0xFFFFF000  }
0x34e: {  	_ =	swait.ge [sflag:s29], $0x1000  }
0x34f: {  	[sflag:s29] =	ssyncset.done $0x0  }
0x350: {  	[sflag:s29] =	ssyncadd.s32 $0xFFFFF000  }
0x351: {  	_ =	swait.ge [sflag:s29], $0x1000  }
0x352: {  	[sflag:s29] =	ssyncset.done $0x0  }
0x353: {  	[sflag:s29] =	ssyncadd.s32 $0xFFFFF000  }
0x354: {  	_ =	swait.ge [sflag:s29], $0x1000  }
0x355: {  	[sflag:s29] =	ssyncset.done $0x0  }
0x356: {  	[sflag:s29] =	ssyncadd.s32 $0xFFFFF000  }
0x357: {  	_ =	swait.ge [sflag:s29], $0x1000  }
0x358: {  	[sflag:s29] =	ssyncset.done $0x0  }
0x359: {  	[sflag:s29] =	ssyncadd.s32 $0xFFFFF000  }
0x35a: {  	_ =	swait.ge [sflag:s29], $0x1000  }
0x35b: {  	s30 =	sadd.s32 $0x1, s30;
	s0 =	rddreg [dreg:$0x6]  }
0x35c: {  	p1 =	sne.s32 s30, s0  }
.Ltmp27:
0x35d: {  	_ = 	snop;
	(pc) =	sbr.rel @p1 .LBB2_1-.Ltmp27, $3  }
0x35e: {  	_ =	sdelay $0x1  }
0x35f: {  	[sflag:s29] =	ssyncset.done $0x0  }
0x360: {  	s5 =	simm.s32 $0x1AE0;
	s17 =	simm.s32 $0x2AE8;
	[sflag:s29] =	ssyncadd.s32 $0xFFFFF000  }
0x361: {  	_ =	sfence.sel $0x180000  }
0x362: {  	[bflag:$0x0] =	sbarrier.arrive $0xFFFF  }
0x363: {  	_ =	strace $0x90000047  }
0x364: {  	[bflag:$0x2] =	sbarrier.arrive $0xFFFF  }
0x365: {  	s0 =	rddreg [dreg:$0x4]  }
0x366: {  	s0 =	sadd.s32 @!p0 $0x100000, s0  }
0x367: {  	[sflag:s0] =	ssyncadd.tile.s32 @!p0 $0x1;
	_ =	shalt  }
.Lfunc_end2:
_tile_overlayer_lowered:
.L_overlay_start_2:
0x368: {  	(tag) =	ssettag $0x2  }
0x369: {  	s0 =	rddreg [dreg:$0x0];
	s2 =	stileid.u32  }
0x36a: {  	s1 =	rddreg [dreg:$0x1];
	p0 =	sne.s32 s2, $0x0  }
0x36b: {  	s3 =	rddreg [dreg:$0x2];
	[bflag:$0x3] =	sbarrier.arrive $0xFFFF;
	s2 =	simm.s32 @!p0 $0x1C03  }
0x36c: {  	[timem:s3], [sflag:s2] =	dma.local @!p0 [hbm:s0], s1  }
0x36d: {  	s0 =	simm.s32 @!p0 $0x3  }
0x36e: {  	_ =	swait.ge @!p0 [sflag:s0], s1  }
0x36f: {  	s1 =	ssub.s32 @!p0 $0x0, s1;
	[sflag:s0] =	ssyncset.done @!p0 $0x0  }
0x370: {  	[sflag:s0] =	ssyncadd.s32 @!p0 s1  }
0x371: {  	[bflag:$0x3] =	sbarrier.arrive $0xFFFF  }
0x372: {  	_ =	shalt  }

</sc_bundles>
